<compile_context>
chip_gen: v7x
topology: tpu7x:2x2x1
jax: 0.10.2.dev20260603
libtpu: 0.0.44.dev20260713+nightly
codegen_flags: <defaults>
</compile_context>

<pallas_src>
import jax
import jax.numpy as jnp
from jax import lax
from jax.experimental import pallas as pl
from jax.experimental.pallas import tpu as pltpu
from jax.experimental.pallas import tpu_sc as plsc

B = 1024
L = 200
N = B * L
DW = 300
DP = 5
DOUT = DW + 2 * DP
DWP = 304
DPAD = 384
PTAB = 2 * 200 * 5

NC = 2
NS = 16
NW = NC * NS
ROWS_PER_TILE = N // NW
BLK = 64
NBLK = ROWS_PER_TILE // BLK
LANES = 16
GRP = BLK // 8
OBW = BLK * DPAD
TILE2 = 2048


def _zero_pad_lanes(outbuf):
    lane = lax.iota(jnp.int32, LANES)
    zero = jnp.zeros((LANES,), jnp.float32)
    for i in range(BLK // LANES):
        rows = lane + i * LANES
        tbase = (rows >> 3) * (3 * 1024) + TILE2 + (rows & 7) * 128
        for cm in range(48, 128, LANES):
            plsc.store_scatter(outbuf, [tbase + cm], zero)


def _assemble(wordbuf, outbuf, ph_all, pt_all, p1v, p2v, off):
    lane = lax.iota(jnp.int32, LANES)

    def row_copy(r, carry2):
        tbase = (r >> 3) * (3 * 1024) + (r & 7) * 128
        for k in range(DWP // LANES):
            col = k * LANES
            p0 = tbase + (col // 128) * 1024 + (col % 128)
            v = wordbuf[r, pl.ds(col, LANES)]
            plsc.store_scatter(outbuf, [p0 + lane], v)
        return carry2

    lax.fori_loop(0, BLK, row_copy, 0)

    for i in range(BLK // LANES):
        rows = lane + i * LANES
        tbase = (rows >> 3) * (3 * 1024) + TILE2 + (rows & 7) * 128 + 44
        ph = ph_all[pl.ds(off + i * LANES, LANES)] * DP
        pt = pt_all[pl.ds(off + i * LANES, LANES)] * DP
        for j in range(DP):
            v1 = plsc.load_gather(p1v, [ph + j])
            plsc.store_scatter(outbuf, [tbase + j], v1)
            v2 = plsc.load_gather(p2v, [pt + j])
            plsc.store_scatter(outbuf, [tbase + (DP + j)], v2)


def _body(word_hbm, posh_hbm, post_hbm, wtab_hbm, p1_hbm, p2_hbm, out_hbm,
          widx, ph_all, pt_all, p1v, p2v, wb0, wb1, ob0, ob1,
          gsem0, gsem1, wsem0, wsem1):
    wid = lax.axis_index("s") * NC + lax.axis_index("c")
    tile_base = wid * ROWS_PER_TILE
    tile_wbase = tile_base * DPAD

    pltpu.sync_copy(p1_hbm, p1v)
    pltpu.sync_copy(p2_hbm, p2v)
    pltpu.sync_copy(word_hbm.at[pl.ds(tile_base, ROWS_PER_TILE)], widx)
    pltpu.sync_copy(posh_hbm.at[pl.ds(tile_base, ROWS_PER_TILE)], ph_all)
    pltpu.sync_copy(post_hbm.at[pl.ds(tile_base, ROWS_PER_TILE)], pt_all)

    _zero_pad_lanes(ob0)
    _zero_pad_lanes(ob1)

    wbs = (wb0, wb1)
    obs = (ob0, ob1)
    gsems = (gsem0, gsem1)
    wsems = (wsem0, wsem1)

    pltpu.async_copy(wtab_hbm.at[widx.at[pl.ds(0, BLK)]], wb0, gsem0)

    def pair(k, carry):
        for half in (0, 1):
            g = 2 * k + half

            @pl.when(g + 1 < NBLK)
            def _prefetch():
                pltpu.async_copy(
                    wtab_hbm.at[widx.at[pl.ds((g + 1) * BLK, BLK)]],
                    wbs[1 - half], gsems[1 - half])

            pltpu.make_async_copy(
                wtab_hbm.at[widx.at[pl.ds(g * BLK, BLK)]],
                wbs[half], gsems[half]).wait()

            @pl.when(g >= 2)
            def _drain_prev_write():
                pltpu.make_async_copy(
                    obs[half],
                    out_hbm.at[pl.ds(tile_wbase + (g - 2) * OBW, OBW)],
                    wsems[half]).wait()

            _assemble(wbs[half], obs[half], ph_all, pt_all, p1v, p2v, g * BLK)
            pltpu.async_copy(
                obs[half], out_hbm.at[pl.ds(tile_wbase + g * OBW, OBW)],
                wsems[half])
        return carry

    lax.fori_loop(0, NBLK // 2, pair, 0)

    pltpu.make_async_copy(
        ob0, out_hbm.at[pl.ds(tile_wbase + (NBLK - 2) * OBW, OBW)],
        wsem0).wait()
    pltpu.make_async_copy(
        ob1, out_hbm.at[pl.ds(tile_wbase + (NBLK - 1) * OBW, OBW)],
        wsem1).wait()


@jax.jit
def _run(word_flat, posh_flat, post_flat, word_table, p1_flat, p2_flat):
    mesh = plsc.VectorSubcoreMesh(
        core_axis_name="c", subcore_axis_name="s",
        num_cores=NC, num_subcores=NS)
    return pl.kernel(
        _body,
        out_type=jax.ShapeDtypeStruct((N * DPAD,), jnp.float32),
        mesh=mesh,
        compiler_params=pltpu.CompilerParams(
            use_tc_tiling_on_sc=False, needs_layout_passes=False),
        scratch_types=[
            pltpu.VMEM((ROWS_PER_TILE,), jnp.int32),
            pltpu.VMEM((ROWS_PER_TILE,), jnp.int32),
            pltpu.VMEM((ROWS_PER_TILE,), jnp.int32),
            pltpu.VMEM((PTAB,), jnp.float32),
            pltpu.VMEM((PTAB,), jnp.float32),
            pltpu.VMEM((BLK, DWP), jnp.float32),
            pltpu.VMEM((BLK, DWP), jnp.float32),
            pltpu.VMEM((OBW,), jnp.float32),
            pltpu.VMEM((OBW,), jnp.float32),
            pltpu.SemaphoreType.DMA,
            pltpu.SemaphoreType.DMA,
            pltpu.SemaphoreType.DMA,
            pltpu.SemaphoreType.DMA,
        ],
    )(word_flat, posh_flat, post_flat, word_table, p1_flat, p2_flat)


def kernel(word, posh, post, word_table, pos1_table, pos2_table):
    wf = word.reshape(N).astype(jnp.int32)
    ph = posh.reshape(N).astype(jnp.int32)
    pt = post.reshape(N).astype(jnp.int32)
    wt = jnp.pad(word_table, ((0, 0), (0, DWP - DW)))
    p1 = pos1_table.reshape(PTAB)
    p2 = pos2_table.reshape(PTAB)
    out = _run(wf, ph, pt, wt, p1, p2)
    x = out.reshape(N // 8, 3, 8, 128)
    x = jnp.transpose(x, (0, 2, 1, 3))
    x = x.reshape(N, DPAD)[:, :DOUT]
    return x.reshape(B, L, DOUT)

# --- scband reference (transcript-rebuilt; emitter-appended) ---
"""Pipeline reference for scband-embedding-7206955122825 (READ-ONLY COPY).

The authoritative reference and input builder live on the scoring server;
editing this copy changes nothing except your own understanding.
"""

import jax, jax.numpy as jnp
import numpy as np
import math

VOCAB = 100000
D_WORD = 300
MAX_LENGTH = 200
D_POS = 5
B = 1024
L = 200


def setup_inputs(seed: int = 0) -> dict:
    key = jax.random.key(seed)
    k1, k2, k3, k4, k5, k6, k7 = jax.random.split(key, 7)
    # word_vec_mat as in torch init: random pretrained matrix
    word_vec_mat = jax.random.normal(k1, (VOCAB, D_WORD), dtype=jnp.float32) / math.sqrt(D_WORD)
    unk = jax.random.normal(k2, (1, D_WORD), dtype=jnp.float32) / math.sqrt(D_WORD)
    blk = jnp.zeros((1, D_WORD), dtype=jnp.float32)
    # word_embedding has VOCAB + 2 rows: [pretrained; unk; blk], padding_idx = VOCAB + 1 (the blk row, already zero)
    word_table = jnp.concatenate([word_vec_mat, unk, blk], axis=0)
    # pos embeddings: 2*max_length rows, padding_idx=0 -> row 0 zeroed
    pos1_table = jax.random.normal(k3, (2 * MAX_LENGTH, D_POS), dtype=jnp.float32).at[0].set(0.0)
    pos2_table = jax.random.normal(k4, (2 * MAX_LENGTH, D_POS), dtype=jnp.float32).at[0].set(0.0)
    word = jax.random.randint(k5, (B, L), 0, VOCAB, dtype=jnp.int64 if jax.config.jax_enable_x64 else jnp.int32)
    posh = jax.random.randint(k6, (B, L), 0, 2 * MAX_LENGTH)
    post = jax.random.randint(k7, (B, L), 0, 2 * MAX_LENGTH)
    return {
        "word": word,
        "posh": posh,
        "post": post,
        "word_table": word_table,
        "pos1_table": pos1_table,
        "pos2_table": pos2_table,
    }


def reference(word, posh, post, word_table, pos1_table, pos2_table):
    # x = cat([word_emb(word), pos1_emb(posh), pos2_emb(post)], dim=2)
    w = jnp.take(word_table, word, axis=0)   # [B, L, 300]
    p1 = jnp.take(pos1_table, posh, axis=0)  # [B, L, 5]
    p2 = jnp.take(pos2_table, post, axis=0)  # [B, L, 5]
    return jnp.concatenate([w, p1, p2], axis=2)  # [B, L, 310]

if __name__ == "__main__":
    import jax
    _d = setup_inputs()
    print(jax.jit(kernel)(*tuple(_d.values())))

</pallas_src>

<mosaic_0001>
#map = affine_map<(d0, d1) -> (0)>
#map1 = affine_map<(d0, d1) -> (0, 0)>
module attributes {stable_mosaic.version = 14 : i64} {
  func.func @_body(%arg0: i32, %arg1: i32, %arg2: memref<204800xi32, #tpu.memory_space<hbm>>, %arg3: memref<204800xi32, #tpu.memory_space<hbm>>, %arg4: memref<204800xi32, #tpu.memory_space<hbm>>, %arg5: memref<100002x304xf32, #tpu.memory_space<hbm>>, %arg6: memref<2000xf32, #tpu.memory_space<hbm>>, %arg7: memref<2000xf32, #tpu.memory_space<hbm>>, %arg8: memref<78643200xf32, #tpu.memory_space<hbm>>, %arg9: memref<6400xi32, #tpu.memory_space<vmem>>, %arg10: memref<6400xi32, #tpu.memory_space<vmem>>, %arg11: memref<6400xi32, #tpu.memory_space<vmem>>, %arg12: memref<2000xf32, #tpu.memory_space<vmem>>, %arg13: memref<2000xf32, #tpu.memory_space<vmem>>, %arg14: memref<64x304xf32, #tpu.memory_space<vmem>>, %arg15: memref<64x304xf32, #tpu.memory_space<vmem>>, %arg16: memref<24576xf32, #tpu.memory_space<vmem>>, %arg17: memref<24576xf32, #tpu.memory_space<vmem>>, %arg18: memref<!tpu.dma_semaphore, #tpu.memory_space<semaphore_mem>>, %arg19: memref<!tpu.dma_semaphore, #tpu.memory_space<semaphore_mem>>, %arg20: memref<!tpu.dma_semaphore, #tpu.memory_space<semaphore_mem>>, %arg21: memref<!tpu.dma_semaphore, #tpu.memory_space<semaphore_mem>>) attributes {dimension_semantics = [#tpu.dimension_semantics<core_parallel>, #tpu.dimension_semantics<subcore_parallel>], iteration_bounds = array<i64: 2, 16>, scalar_prefetch = 0 : i64, scratch_operands = 13 : i64, tpu.core_type = #tpu.core_type<sc_vector_subcore>, window_params = [{transform_indices = #map}, {transform_indices = #map}, {transform_indices = #map}, {transform_indices = #map1}, {transform_indices = #map}, {transform_indices = #map}, {transform_indices = #map}]} {
    %mul3A = arith.constant 2 : i32
    %mul3A_0 = arith.muli %arg1, %mul3A : i32
    %add3A = arith.addi %mul3A_0, %arg0 : i32
    %mul3A_1 = arith.constant 6400 : i32
    %mul3A_2 = arith.muli %add3A, %mul3A_1 : i32
    %mul3A_3 = arith.constant 384 : i32
    %mul3A_4 = arith.muli %mul3A_2, %mul3A_3 : i32
    "tpu.region"() ({
      %run_scoped3A = tpu.sem_alloc : memref<!tpu.dma_semaphore, #tpu.memory_space<semaphore_mem>>
      tpu.enqueue_dma source(%arg6 : memref<2000xf32, #tpu.memory_space<hbm>>) target(%arg12 : memref<2000xf32, #tpu.memory_space<vmem>>) target_semaphore(%run_scoped3A : memref<!tpu.dma_semaphore, #tpu.memory_space<semaphore_mem>>)
      tpu.wait_dma2 semaphore(%run_scoped3A : memref<!tpu.dma_semaphore, #tpu.memory_space<semaphore_mem>>) src(%arg6 : memref<2000xf32, #tpu.memory_space<hbm>>) dst(%arg12 : memref<2000xf32, #tpu.memory_space<vmem>>)
      tpu.yield
    }) : () -> ()
    "tpu.region"() ({
      %run_scoped3A = tpu.sem_alloc : memref<!tpu.dma_semaphore, #tpu.memory_space<semaphore_mem>>
      tpu.enqueue_dma source(%arg7 : memref<2000xf32, #tpu.memory_space<hbm>>) target(%arg13 : memref<2000xf32, #tpu.memory_space<vmem>>) target_semaphore(%run_scoped3A : memref<!tpu.dma_semaphore, #tpu.memory_space<semaphore_mem>>)
      tpu.wait_dma2 semaphore(%run_scoped3A : memref<!tpu.dma_semaphore, #tpu.memory_space<semaphore_mem>>) src(%arg7 : memref<2000xf32, #tpu.memory_space<hbm>>) dst(%arg13 : memref<2000xf32, #tpu.memory_space<vmem>>)
      tpu.yield
    }) : () -> ()
    "tpu.region"() ({
      %run_scoped3A = tpu.sem_alloc : memref<!tpu.dma_semaphore, #tpu.memory_space<semaphore_mem>>
      %dma_start3A_295 = tpu.memref_slice %arg2[%mul3A_2] : memref<204800xi32, #tpu.memory_space<hbm>> -> memref<6400xi32, #tpu.memory_space<hbm>>
      %dma_start3A_296 = tpu.memref_slice %arg2[%mul3A_2] : memref<204800xi32, #tpu.memory_space<hbm>> -> memref<6400xi32, #tpu.memory_space<hbm>>
      tpu.enqueue_dma source(%dma_start3A_296 : memref<6400xi32, #tpu.memory_space<hbm>>) target(%arg9 : memref<6400xi32, #tpu.memory_space<vmem>>) target_semaphore(%run_scoped3A : memref<!tpu.dma_semaphore, #tpu.memory_space<semaphore_mem>>)
      %dma_wait3A_297 = tpu.memref_slice %arg2[%mul3A_2] : memref<204800xi32, #tpu.memory_space<hbm>> -> memref<6400xi32, #tpu.memory_space<hbm>>
      %dma_wait3A_298 = tpu.memref_slice %arg2[%mul3A_2] : memref<204800xi32, #tpu.memory_space<hbm>> -> memref<6400xi32, #tpu.memory_space<hbm>>
      tpu.wait_dma2 semaphore(%run_scoped3A : memref<!tpu.dma_semaphore, #tpu.memory_space<semaphore_mem>>) src(%dma_wait3A_298 : memref<6400xi32, #tpu.memory_space<hbm>>) dst(%arg9 : memref<6400xi32, #tpu.memory_space<vmem>>)
      tpu.yield
    }) : () -> ()
    "tpu.region"() ({
      %run_scoped3A = tpu.sem_alloc : memref<!tpu.dma_semaphore, #tpu.memory_space<semaphore_mem>>
      %dma_start3A_295 = tpu.memref_slice %arg3[%mul3A_2] : memref<204800xi32, #tpu.memory_space<hbm>> -> memref<6400xi32, #tpu.memory_space<hbm>>
      %dma_start3A_296 = tpu.memref_slice %arg3[%mul3A_2] : memref<204800xi32, #tpu.memory_space<hbm>> -> memref<6400xi32, #tpu.memory_space<hbm>>
      tpu.enqueue_dma source(%dma_start3A_296 : memref<6400xi32, #tpu.memory_space<hbm>>) target(%arg10 : memref<6400xi32, #tpu.memory_space<vmem>>) target_semaphore(%run_scoped3A : memref<!tpu.dma_semaphore, #tpu.memory_space<semaphore_mem>>)
      %dma_wait3A_297 = tpu.memref_slice %arg3[%mul3A_2] : memref<204800xi32, #tpu.memory_space<hbm>> -> memref<6400xi32, #tpu.memory_space<hbm>>
      %dma_wait3A_298 = tpu.memref_slice %arg3[%mul3A_2] : memref<204800xi32, #tpu.memory_space<hbm>> -> memref<6400xi32, #tpu.memory_space<hbm>>
      tpu.wait_dma2 semaphore(%run_scoped3A : memref<!tpu.dma_semaphore, #tpu.memory_space<semaphore_mem>>) src(%dma_wait3A_298 : memref<6400xi32, #tpu.memory_space<hbm>>) dst(%arg10 : memref<6400xi32, #tpu.memory_space<vmem>>)
      tpu.yield
    }) : () -> ()
    "tpu.region"() ({
      %run_scoped3A = tpu.sem_alloc : memref<!tpu.dma_semaphore, #tpu.memory_space<semaphore_mem>>
      %dma_start3A_295 = tpu.memref_slice %arg4[%mul3A_2] : memref<204800xi32, #tpu.memory_space<hbm>> -> memref<6400xi32, #tpu.memory_space<hbm>>
      %dma_start3A_296 = tpu.memref_slice %arg4[%mul3A_2] : memref<204800xi32, #tpu.memory_space<hbm>> -> memref<6400xi32, #tpu.memory_space<hbm>>
      tpu.enqueue_dma source(%dma_start3A_296 : memref<6400xi32, #tpu.memory_space<hbm>>) target(%arg11 : memref<6400xi32, #tpu.memory_space<vmem>>) target_semaphore(%run_scoped3A : memref<!tpu.dma_semaphore, #tpu.memory_space<semaphore_mem>>)
      %dma_wait3A_297 = tpu.memref_slice %arg4[%mul3A_2] : memref<204800xi32, #tpu.memory_space<hbm>> -> memref<6400xi32, #tpu.memory_space<hbm>>
      %dma_wait3A_298 = tpu.memref_slice %arg4[%mul3A_2] : memref<204800xi32, #tpu.memory_space<hbm>> -> memref<6400xi32, #tpu.memory_space<hbm>>
      tpu.wait_dma2 semaphore(%run_scoped3A : memref<!tpu.dma_semaphore, #tpu.memory_space<semaphore_mem>>) src(%dma_wait3A_298 : memref<6400xi32, #tpu.memory_space<hbm>>) dst(%arg11 : memref<6400xi32, #tpu.memory_space<vmem>>)
      tpu.yield
    }) : () -> ()
    %iota3A = tpu.iota {dimensions = array<i32: 0>} : vector<16xi32>
    %broadcast_in_dim3A = arith.constant 0.000000e+00 : f32
    %broadcast_in_dim3A_5 = vector.broadcast %broadcast_in_dim3A : f32 to vector<16xf32>
    %add3A_6 = arith.constant 0 : i32
    %add3A_7 = vector.broadcast %add3A_6 : i32 to vector<16xi32>
    %add3A_8 = arith.addi %iota3A, %add3A_7 : vector<16xi32>
    %shift_right_arithmetic3A = arith.constant 3 : i32
    %shift_right_arithmetic3A_9 = vector.broadcast %shift_right_arithmetic3A : i32 to vector<16xi32>
    %shift_right_arithmetic3A_10 = arith.shrsi %add3A_8, %shift_right_arithmetic3A_9 : vector<16xi32>
    %mul3A_11 = arith.constant 3072 : i32
    %mul3A_12 = vector.broadcast %mul3A_11 : i32 to vector<16xi32>
    %mul3A_13 = arith.muli %shift_right_arithmetic3A_10, %mul3A_12 : vector<16xi32>
    %add3A_14 = arith.constant 2048 : i32
    %add3A_15 = vector.broadcast %add3A_14 : i32 to vector<16xi32>
    %add3A_16 = arith.addi %mul3A_13, %add3A_15 : vector<16xi32>
    %and3A = arith.constant 7 : i32
    %and3A_17 = vector.broadcast %and3A : i32 to vector<16xi32>
    %and3A_18 = arith.andi %add3A_8, %and3A_17 : vector<16xi32>
    %mul3A_19 = arith.constant 128 : i32
    %mul3A_20 = vector.broadcast %mul3A_19 : i32 to vector<16xi32>
    %mul3A_21 = arith.muli %and3A_18, %mul3A_20 : vector<16xi32>
    %add3A_22 = arith.addi %add3A_16, %mul3A_21 : vector<16xi32>
    %add3A_23 = arith.constant 48 : i32
    %add3A_24 = vector.broadcast %add3A_23 : i32 to vector<16xi32>
    %add3A_25 = arith.addi %add3A_22, %add3A_24 : vector<16xi32>
    tpu.vector_store_idx %arg16[%add3A_25], %broadcast_in_dim3A_5 : memref<24576xf32, #tpu.memory_space<vmem>>[vector<16xi32>], vector<16xf32>,
    %add3A_26 = arith.constant 64 : i32
    %add3A_27 = vector.broadcast %add3A_26 : i32 to vector<16xi32>
    %add3A_28 = arith.addi %add3A_22, %add3A_27 : vector<16xi32>
    tpu.vector_store_idx %arg16[%add3A_28], %broadcast_in_dim3A_5 : memref<24576xf32, #tpu.memory_space<vmem>>[vector<16xi32>], vector<16xf32>,
    %add3A_29 = arith.constant 80 : i32
    %add3A_30 = vector.broadcast %add3A_29 : i32 to vector<16xi32>
    %add3A_31 = arith.addi %add3A_22, %add3A_30 : vector<16xi32>
    tpu.vector_store_idx %arg16[%add3A_31], %broadcast_in_dim3A_5 : memref<24576xf32, #tpu.memory_space<vmem>>[vector<16xi32>], vector<16xf32>,
    %add3A_32 = arith.constant 96 : i32
    %add3A_33 = vector.broadcast %add3A_32 : i32 to vector<16xi32>
    %add3A_34 = arith.addi %add3A_22, %add3A_33 : vector<16xi32>
    tpu.vector_store_idx %arg16[%add3A_34], %broadcast_in_dim3A_5 : memref<24576xf32, #tpu.memory_space<vmem>>[vector<16xi32>], vector<16xf32>,
    %add3A_35 = arith.constant 112 : i32
    %add3A_36 = vector.broadcast %add3A_35 : i32 to vector<16xi32>
    %add3A_37 = arith.addi %add3A_22, %add3A_36 : vector<16xi32>
    tpu.vector_store_idx %arg16[%add3A_37], %broadcast_in_dim3A_5 : memref<24576xf32, #tpu.memory_space<vmem>>[vector<16xi32>], vector<16xf32>,
    %add3A_38 = arith.constant 16 : i32
    %add3A_39 = vector.broadcast %add3A_38 : i32 to vector<16xi32>
    %add3A_40 = arith.addi %iota3A, %add3A_39 : vector<16xi32>
    %shift_right_arithmetic3A_41 = arith.constant 3 : i32
    %shift_right_arithmetic3A_42 = vector.broadcast %shift_right_arithmetic3A_41 : i32 to vector<16xi32>
    %shift_right_arithmetic3A_43 = arith.shrsi %add3A_40, %shift_right_arithmetic3A_42 : vector<16xi32>
    %mul3A_44 = arith.constant 3072 : i32
    %mul3A_45 = vector.broadcast %mul3A_44 : i32 to vector<16xi32>
    %mul3A_46 = arith.muli %shift_right_arithmetic3A_43, %mul3A_45 : vector<16xi32>
    %add3A_47 = arith.constant 2048 : i32
    %add3A_48 = vector.broadcast %add3A_47 : i32 to vector<16xi32>
    %add3A_49 = arith.addi %mul3A_46, %add3A_48 : vector<16xi32>
    %and3A_50 = arith.constant 7 : i32
    %and3A_51 = vector.broadcast %and3A_50 : i32 to vector<16xi32>
    %and3A_52 = arith.andi %add3A_40, %and3A_51 : vector<16xi32>
    %mul3A_53 = arith.constant 128 : i32
    %mul3A_54 = vector.broadcast %mul3A_53 : i32 to vector<16xi32>
    %mul3A_55 = arith.muli %and3A_52, %mul3A_54 : vector<16xi32>
    %add3A_56 = arith.addi %add3A_49, %mul3A_55 : vector<16xi32>
    %add3A_57 = arith.constant 48 : i32
    %add3A_58 = vector.broadcast %add3A_57 : i32 to vector<16xi32>
    %add3A_59 = arith.addi %add3A_56, %add3A_58 : vector<16xi32>
    tpu.vector_store_idx %arg16[%add3A_59], %broadcast_in_dim3A_5 : memref<24576xf32, #tpu.memory_space<vmem>>[vector<16xi32>], vector<16xf32>,
    %add3A_60 = arith.constant 64 : i32
    %add3A_61 = vector.broadcast %add3A_60 : i32 to vector<16xi32>
    %add3A_62 = arith.addi %add3A_56, %add3A_61 : vector<16xi32>
    tpu.vector_store_idx %arg16[%add3A_62], %broadcast_in_dim3A_5 : memref<24576xf32, #tpu.memory_space<vmem>>[vector<16xi32>], vector<16xf32>,
    %add3A_63 = arith.constant 80 : i32
    %add3A_64 = vector.broadcast %add3A_63 : i32 to vector<16xi32>
    %add3A_65 = arith.addi %add3A_56, %add3A_64 : vector<16xi32>
    tpu.vector_store_idx %arg16[%add3A_65], %broadcast_in_dim3A_5 : memref<24576xf32, #tpu.memory_space<vmem>>[vector<16xi32>], vector<16xf32>,
    %add3A_66 = arith.constant 96 : i32
    %add3A_67 = vector.broadcast %add3A_66 : i32 to vector<16xi32>
    %add3A_68 = arith.addi %add3A_56, %add3A_67 : vector<16xi32>
    tpu.vector_store_idx %arg16[%add3A_68], %broadcast_in_dim3A_5 : memref<24576xf32, #tpu.memory_space<vmem>>[vector<16xi32>], vector<16xf32>,
    %add3A_69 = arith.constant 112 : i32
    %add3A_70 = vector.broadcast %add3A_69 : i32 to vector<16xi32>
    %add3A_71 = arith.addi %add3A_56, %add3A_70 : vector<16xi32>
    tpu.vector_store_idx %arg16[%add3A_71], %broadcast_in_dim3A_5 : memref<24576xf32, #tpu.memory_space<vmem>>[vector<16xi32>], vector<16xf32>,
    %add3A_72 = arith.constant 32 : i32
    %add3A_73 = vector.broadcast %add3A_72 : i32 to vector<16xi32>
    %add3A_74 = arith.addi %iota3A, %add3A_73 : vector<16xi32>
    %shift_right_arithmetic3A_75 = arith.constant 3 : i32
    %shift_right_arithmetic3A_76 = vector.broadcast %shift_right_arithmetic3A_75 : i32 to vector<16xi32>
    %shift_right_arithmetic3A_77 = arith.shrsi %add3A_74, %shift_right_arithmetic3A_76 : vector<16xi32>
    %mul3A_78 = arith.constant 3072 : i32
    %mul3A_79 = vector.broadcast %mul3A_78 : i32 to vector<16xi32>
    %mul3A_80 = arith.muli %shift_right_arithmetic3A_77, %mul3A_79 : vector<16xi32>
    %add3A_81 = arith.constant 2048 : i32
    %add3A_82 = vector.broadcast %add3A_81 : i32 to vector<16xi32>
    %add3A_83 = arith.addi %mul3A_80, %add3A_82 : vector<16xi32>
    %and3A_84 = arith.constant 7 : i32
    %and3A_85 = vector.broadcast %and3A_84 : i32 to vector<16xi32>
    %and3A_86 = arith.andi %add3A_74, %and3A_85 : vector<16xi32>
    %mul3A_87 = arith.constant 128 : i32
    %mul3A_88 = vector.broadcast %mul3A_87 : i32 to vector<16xi32>
    %mul3A_89 = arith.muli %and3A_86, %mul3A_88 : vector<16xi32>
    %add3A_90 = arith.addi %add3A_83, %mul3A_89 : vector<16xi32>
    %add3A_91 = arith.constant 48 : i32
    %add3A_92 = vector.broadcast %add3A_91 : i32 to vector<16xi32>
    %add3A_93 = arith.addi %add3A_90, %add3A_92 : vector<16xi32>
    tpu.vector_store_idx %arg16[%add3A_93], %broadcast_in_dim3A_5 : memref<24576xf32, #tpu.memory_space<vmem>>[vector<16xi32>], vector<16xf32>,
    %add3A_94 = arith.constant 64 : i32
    %add3A_95 = vector.broadcast %add3A_94 : i32 to vector<16xi32>
    %add3A_96 = arith.addi %add3A_90, %add3A_95 : vector<16xi32>
    tpu.vector_store_idx %arg16[%add3A_96], %broadcast_in_dim3A_5 : memref<24576xf32, #tpu.memory_space<vmem>>[vector<16xi32>], vector<16xf32>,
    %add3A_97 = arith.constant 80 : i32
    %add3A_98 = vector.broadcast %add3A_97 : i32 to vector<16xi32>
    %add3A_99 = arith.addi %add3A_90, %add3A_98 : vector<16xi32>
    tpu.vector_store_idx %arg16[%add3A_99], %broadcast_in_dim3A_5 : memref<24576xf32, #tpu.memory_space<vmem>>[vector<16xi32>], vector<16xf32>,
    %add3A_100 = arith.constant 96 : i32
    %add3A_101 = vector.broadcast %add3A_100 : i32 to vector<16xi32>
    %add3A_102 = arith.addi %add3A_90, %add3A_101 : vector<16xi32>
    tpu.vector_store_idx %arg16[%add3A_102], %broadcast_in_dim3A_5 : memref<24576xf32, #tpu.memory_space<vmem>>[vector<16xi32>], vector<16xf32>,
    %add3A_103 = arith.constant 112 : i32
    %add3A_104 = vector.broadcast %add3A_103 : i32 to vector<16xi32>
    %add3A_105 = arith.addi %add3A_90, %add3A_104 : vector<16xi32>
    tpu.vector_store_idx %arg16[%add3A_105], %broadcast_in_dim3A_5 : memref<24576xf32, #tpu.memory_space<vmem>>[vector<16xi32>], vector<16xf32>,
    %add3A_106 = arith.constant 48 : i32
    %add3A_107 = vector.broadcast %add3A_106 : i32 to vector<16xi32>
    %add3A_108 = arith.addi %iota3A, %add3A_107 : vector<16xi32>
    %shift_right_arithmetic3A_109 = arith.constant 3 : i32
    %shift_right_arithmetic3A_110 = vector.broadcast %shift_right_arithmetic3A_109 : i32 to vector<16xi32>
    %shift_right_arithmetic3A_111 = arith.shrsi %add3A_108, %shift_right_arithmetic3A_110 : vector<16xi32>
    %mul3A_112 = arith.constant 3072 : i32
    %mul3A_113 = vector.broadcast %mul3A_112 : i32 to vector<16xi32>
    %mul3A_114 = arith.muli %shift_right_arithmetic3A_111, %mul3A_113 : vector<16xi32>
    %add3A_115 = arith.constant 2048 : i32
    %add3A_116 = vector.broadcast %add3A_115 : i32 to vector<16xi32>
    %add3A_117 = arith.addi %mul3A_114, %add3A_116 : vector<16xi32>
    %and3A_118 = arith.constant 7 : i32
    %and3A_119 = vector.broadcast %and3A_118 : i32 to vector<16xi32>
    %and3A_120 = arith.andi %add3A_108, %and3A_119 : vector<16xi32>
    %mul3A_121 = arith.constant 128 : i32
    %mul3A_122 = vector.broadcast %mul3A_121 : i32 to vector<16xi32>
    %mul3A_123 = arith.muli %and3A_120, %mul3A_122 : vector<16xi32>
    %add3A_124 = arith.addi %add3A_117, %mul3A_123 : vector<16xi32>
    %add3A_125 = arith.constant 48 : i32
    %add3A_126 = vector.broadcast %add3A_125 : i32 to vector<16xi32>
    %add3A_127 = arith.addi %add3A_124, %add3A_126 : vector<16xi32>
    tpu.vector_store_idx %arg16[%add3A_127], %broadcast_in_dim3A_5 : memref<24576xf32, #tpu.memory_space<vmem>>[vector<16xi32>], vector<16xf32>,
    %add3A_128 = arith.constant 64 : i32
    %add3A_129 = vector.broadcast %add3A_128 : i32 to vector<16xi32>
    %add3A_130 = arith.addi %add3A_124, %add3A_129 : vector<16xi32>
    tpu.vector_store_idx %arg16[%add3A_130], %broadcast_in_dim3A_5 : memref<24576xf32, #tpu.memory_space<vmem>>[vector<16xi32>], vector<16xf32>,
    %add3A_131 = arith.constant 80 : i32
    %add3A_132 = vector.broadcast %add3A_131 : i32 to vector<16xi32>
    %add3A_133 = arith.addi %add3A_124, %add3A_132 : vector<16xi32>
    tpu.vector_store_idx %arg16[%add3A_133], %broadcast_in_dim3A_5 : memref<24576xf32, #tpu.memory_space<vmem>>[vector<16xi32>], vector<16xf32>,
    %add3A_134 = arith.constant 96 : i32
    %add3A_135 = vector.broadcast %add3A_134 : i32 to vector<16xi32>
    %add3A_136 = arith.addi %add3A_124, %add3A_135 : vector<16xi32>
    tpu.vector_store_idx %arg16[%add3A_136], %broadcast_in_dim3A_5 : memref<24576xf32, #tpu.memory_space<vmem>>[vector<16xi32>], vector<16xf32>,
    %add3A_137 = arith.constant 112 : i32
    %add3A_138 = vector.broadcast %add3A_137 : i32 to vector<16xi32>
    %add3A_139 = arith.addi %add3A_124, %add3A_138 : vector<16xi32>
    tpu.vector_store_idx %arg16[%add3A_139], %broadcast_in_dim3A_5 : memref<24576xf32, #tpu.memory_space<vmem>>[vector<16xi32>], vector<16xf32>,
    %iota3A_140 = tpu.iota {dimensions = array<i32: 0>} : vector<16xi32>
    %broadcast_in_dim3A_141 = arith.constant 0.000000e+00 : f32
    %broadcast_in_dim3A_142 = vector.broadcast %broadcast_in_dim3A_141 : f32 to vector<16xf32>
    %add3A_143 = arith.constant 0 : i32
    %add3A_144 = vector.broadcast %add3A_143 : i32 to vector<16xi32>
    %add3A_145 = arith.addi %iota3A_140, %add3A_144 : vector<16xi32>
    %shift_right_arithmetic3A_146 = arith.constant 3 : i32
    %shift_right_arithmetic3A_147 = vector.broadcast %shift_right_arithmetic3A_146 : i32 to vector<16xi32>
    %shift_right_arithmetic3A_148 = arith.shrsi %add3A_145, %shift_right_arithmetic3A_147 : vector<16xi32>
    %mul3A_149 = arith.constant 3072 : i32
    %mul3A_150 = vector.broadcast %mul3A_149 : i32 to vector<16xi32>
    %mul3A_151 = arith.muli %shift_right_arithmetic3A_148, %mul3A_150 : vector<16xi32>
    %add3A_152 = arith.constant 2048 : i32
    %add3A_153 = vector.broadcast %add3A_152 : i32 to vector<16xi32>
    %add3A_154 = arith.addi %mul3A_151, %add3A_153 : vector<16xi32>
    %and3A_155 = arith.constant 7 : i32
    %and3A_156 = vector.broadcast %and3A_155 : i32 to vector<16xi32>
    %and3A_157 = arith.andi %add3A_145, %and3A_156 : vector<16xi32>
    %mul3A_158 = arith.constant 128 : i32
    %mul3A_159 = vector.broadcast %mul3A_158 : i32 to vector<16xi32>
    %mul3A_160 = arith.muli %and3A_157, %mul3A_159 : vector<16xi32>
    %add3A_161 = arith.addi %add3A_154, %mul3A_160 : vector<16xi32>
    %add3A_162 = arith.constant 48 : i32
    %add3A_163 = vector.broadcast %add3A_162 : i32 to vector<16xi32>
    %add3A_164 = arith.addi %add3A_161, %add3A_163 : vector<16xi32>
    tpu.vector_store_idx %arg17[%add3A_164], %broadcast_in_dim3A_142 : memref<24576xf32, #tpu.memory_space<vmem>>[vector<16xi32>], vector<16xf32>,
    %add3A_165 = arith.constant 64 : i32
    %add3A_166 = vector.broadcast %add3A_165 : i32 to vector<16xi32>
    %add3A_167 = arith.addi %add3A_161, %add3A_166 : vector<16xi32>
    tpu.vector_store_idx %arg17[%add3A_167], %broadcast_in_dim3A_142 : memref<24576xf32, #tpu.memory_space<vmem>>[vector<16xi32>], vector<16xf32>,
    %add3A_168 = arith.constant 80 : i32
    %add3A_169 = vector.broadcast %add3A_168 : i32 to vector<16xi32>
    %add3A_170 = arith.addi %add3A_161, %add3A_169 : vector<16xi32>
    tpu.vector_store_idx %arg17[%add3A_170], %broadcast_in_dim3A_142 : memref<24576xf32, #tpu.memory_space<vmem>>[vector<16xi32>], vector<16xf32>,
    %add3A_171 = arith.constant 96 : i32
    %add3A_172 = vector.broadcast %add3A_171 : i32 to vector<16xi32>
    %add3A_173 = arith.addi %add3A_161, %add3A_172 : vector<16xi32>
    tpu.vector_store_idx %arg17[%add3A_173], %broadcast_in_dim3A_142 : memref<24576xf32, #tpu.memory_space<vmem>>[vector<16xi32>], vector<16xf32>,
    %add3A_174 = arith.constant 112 : i32
    %add3A_175 = vector.broadcast %add3A_174 : i32 to vector<16xi32>
    %add3A_176 = arith.addi %add3A_161, %add3A_175 : vector<16xi32>
    tpu.vector_store_idx %arg17[%add3A_176], %broadcast_in_dim3A_142 : memref<24576xf32, #tpu.memory_space<vmem>>[vector<16xi32>], vector<16xf32>,
    %add3A_177 = arith.constant 16 : i32
    %add3A_178 = vector.broadcast %add3A_177 : i32 to vector<16xi32>
    %add3A_179 = arith.addi %iota3A_140, %add3A_178 : vector<16xi32>
    %shift_right_arithmetic3A_180 = arith.constant 3 : i32
    %shift_right_arithmetic3A_181 = vector.broadcast %shift_right_arithmetic3A_180 : i32 to vector<16xi32>
    %shift_right_arithmetic3A_182 = arith.shrsi %add3A_179, %shift_right_arithmetic3A_181 : vector<16xi32>
    %mul3A_183 = arith.constant 3072 : i32
    %mul3A_184 = vector.broadcast %mul3A_183 : i32 to vector<16xi32>
    %mul3A_185 = arith.muli %shift_right_arithmetic3A_182, %mul3A_184 : vector<16xi32>
    %add3A_186 = arith.constant 2048 : i32
    %add3A_187 = vector.broadcast %add3A_186 : i32 to vector<16xi32>
    %add3A_188 = arith.addi %mul3A_185, %add3A_187 : vector<16xi32>
    %and3A_189 = arith.constant 7 : i32
    %and3A_190 = vector.broadcast %and3A_189 : i32 to vector<16xi32>
    %and3A_191 = arith.andi %add3A_179, %and3A_190 : vector<16xi32>
    %mul3A_192 = arith.constant 128 : i32
    %mul3A_193 = vector.broadcast %mul3A_192 : i32 to vector<16xi32>
    %mul3A_194 = arith.muli %and3A_191, %mul3A_193 : vector<16xi32>
    %add3A_195 = arith.addi %add3A_188, %mul3A_194 : vector<16xi32>
    %add3A_196 = arith.constant 48 : i32
    %add3A_197 = vector.broadcast %add3A_196 : i32 to vector<16xi32>
    %add3A_198 = arith.addi %add3A_195, %add3A_197 : vector<16xi32>
    tpu.vector_store_idx %arg17[%add3A_198], %broadcast_in_dim3A_142 : memref<24576xf32, #tpu.memory_space<vmem>>[vector<16xi32>], vector<16xf32>,
    %add3A_199 = arith.constant 64 : i32
    %add3A_200 = vector.broadcast %add3A_199 : i32 to vector<16xi32>
    %add3A_201 = arith.addi %add3A_195, %add3A_200 : vector<16xi32>
    tpu.vector_store_idx %arg17[%add3A_201], %broadcast_in_dim3A_142 : memref<24576xf32, #tpu.memory_space<vmem>>[vector<16xi32>], vector<16xf32>,
    %add3A_202 = arith.constant 80 : i32
    %add3A_203 = vector.broadcast %add3A_202 : i32 to vector<16xi32>
    %add3A_204 = arith.addi %add3A_195, %add3A_203 : vector<16xi32>
    tpu.vector_store_idx %arg17[%add3A_204], %broadcast_in_dim3A_142 : memref<24576xf32, #tpu.memory_space<vmem>>[vector<16xi32>], vector<16xf32>,
    %add3A_205 = arith.constant 96 : i32
    %add3A_206 = vector.broadcast %add3A_205 : i32 to vector<16xi32>
    %add3A_207 = arith.addi %add3A_195, %add3A_206 : vector<16xi32>
    tpu.vector_store_idx %arg17[%add3A_207], %broadcast_in_dim3A_142 : memref<24576xf32, #tpu.memory_space<vmem>>[vector<16xi32>], vector<16xf32>,
    %add3A_208 = arith.constant 112 : i32
    %add3A_209 = vector.broadcast %add3A_208 : i32 to vector<16xi32>
    %add3A_210 = arith.addi %add3A_195, %add3A_209 : vector<16xi32>
    tpu.vector_store_idx %arg17[%add3A_210], %broadcast_in_dim3A_142 : memref<24576xf32, #tpu.memory_space<vmem>>[vector<16xi32>], vector<16xf32>,
    %add3A_211 = arith.constant 32 : i32
    %add3A_212 = vector.broadcast %add3A_211 : i32 to vector<16xi32>
    %add3A_213 = arith.addi %iota3A_140, %add3A_212 : vector<16xi32>
    %shift_right_arithmetic3A_214 = arith.constant 3 : i32
    %shift_right_arithmetic3A_215 = vector.broadcast %shift_right_arithmetic3A_214 : i32 to vector<16xi32>
    %shift_right_arithmetic3A_216 = arith.shrsi %add3A_213, %shift_right_arithmetic3A_215 : vector<16xi32>
    %mul3A_217 = arith.constant 3072 : i32
    %mul3A_218 = vector.broadcast %mul3A_217 : i32 to vector<16xi32>
    %mul3A_219 = arith.muli %shift_right_arithmetic3A_216, %mul3A_218 : vector<16xi32>
    %add3A_220 = arith.constant 2048 : i32
    %add3A_221 = vector.broadcast %add3A_220 : i32 to vector<16xi32>
    %add3A_222 = arith.addi %mul3A_219, %add3A_221 : vector<16xi32>
    %and3A_223 = arith.constant 7 : i32
    %and3A_224 = vector.broadcast %and3A_223 : i32 to vector<16xi32>
    %and3A_225 = arith.andi %add3A_213, %and3A_224 : vector<16xi32>
    %mul3A_226 = arith.constant 128 : i32
    %mul3A_227 = vector.broadcast %mul3A_226 : i32 to vector<16xi32>
    %mul3A_228 = arith.muli %and3A_225, %mul3A_227 : vector<16xi32>
    %add3A_229 = arith.addi %add3A_222, %mul3A_228 : vector<16xi32>
    %add3A_230 = arith.constant 48 : i32
    %add3A_231 = vector.broadcast %add3A_230 : i32 to vector<16xi32>
    %add3A_232 = arith.addi %add3A_229, %add3A_231 : vector<16xi32>
    tpu.vector_store_idx %arg17[%add3A_232], %broadcast_in_dim3A_142 : memref<24576xf32, #tpu.memory_space<vmem>>[vector<16xi32>], vector<16xf32>,
    %add3A_233 = arith.constant 64 : i32
    %add3A_234 = vector.broadcast %add3A_233 : i32 to vector<16xi32>
    %add3A_235 = arith.addi %add3A_229, %add3A_234 : vector<16xi32>
    tpu.vector_store_idx %arg17[%add3A_235], %broadcast_in_dim3A_142 : memref<24576xf32, #tpu.memory_space<vmem>>[vector<16xi32>], vector<16xf32>,
    %add3A_236 = arith.constant 80 : i32
    %add3A_237 = vector.broadcast %add3A_236 : i32 to vector<16xi32>
    %add3A_238 = arith.addi %add3A_229, %add3A_237 : vector<16xi32>
    tpu.vector_store_idx %arg17[%add3A_238], %broadcast_in_dim3A_142 : memref<24576xf32, #tpu.memory_space<vmem>>[vector<16xi32>], vector<16xf32>,
    %add3A_239 = arith.constant 96 : i32
    %add3A_240 = vector.broadcast %add3A_239 : i32 to vector<16xi32>
    %add3A_241 = arith.addi %add3A_229, %add3A_240 : vector<16xi32>
    tpu.vector_store_idx %arg17[%add3A_241], %broadcast_in_dim3A_142 : memref<24576xf32, #tpu.memory_space<vmem>>[vector<16xi32>], vector<16xf32>,
    %add3A_242 = arith.constant 112 : i32
    %add3A_243 = vector.broadcast %add3A_242 : i32 to vector<16xi32>
    %add3A_244 = arith.addi %add3A_229, %add3A_243 : vector<16xi32>
    tpu.vector_store_idx %arg17[%add3A_244], %broadcast_in_dim3A_142 : memref<24576xf32, #tpu.memory_space<vmem>>[vector<16xi32>], vector<16xf32>,
    %add3A_245 = arith.constant 48 : i32
    %add3A_246 = vector.broadcast %add3A_245 : i32 to vector<16xi32>
    %add3A_247 = arith.addi %iota3A_140, %add3A_246 : vector<16xi32>
    %shift_right_arithmetic3A_248 = arith.constant 3 : i32
    %shift_right_arithmetic3A_249 = vector.broadcast %shift_right_arithmetic3A_248 : i32 to vector<16xi32>
    %shift_right_arithmetic3A_250 = arith.shrsi %add3A_247, %shift_right_arithmetic3A_249 : vector<16xi32>
    %mul3A_251 = arith.constant 3072 : i32
    %mul3A_252 = vector.broadcast %mul3A_251 : i32 to vector<16xi32>
    %mul3A_253 = arith.muli %shift_right_arithmetic3A_250, %mul3A_252 : vector<16xi32>
    %add3A_254 = arith.constant 2048 : i32
    %add3A_255 = vector.broadcast %add3A_254 : i32 to vector<16xi32>
    %add3A_256 = arith.addi %mul3A_253, %add3A_255 : vector<16xi32>
    %and3A_257 = arith.constant 7 : i32
    %and3A_258 = vector.broadcast %and3A_257 : i32 to vector<16xi32>
    %and3A_259 = arith.andi %add3A_247, %and3A_258 : vector<16xi32>
    %mul3A_260 = arith.constant 128 : i32
    %mul3A_261 = vector.broadcast %mul3A_260 : i32 to vector<16xi32>
    %mul3A_262 = arith.muli %and3A_259, %mul3A_261 : vector<16xi32>
    %add3A_263 = arith.addi %add3A_256, %mul3A_262 : vector<16xi32>
    %add3A_264 = arith.constant 48 : i32
    %add3A_265 = vector.broadcast %add3A_264 : i32 to vector<16xi32>
    %add3A_266 = arith.addi %add3A_263, %add3A_265 : vector<16xi32>
    tpu.vector_store_idx %arg17[%add3A_266], %broadcast_in_dim3A_142 : memref<24576xf32, #tpu.memory_space<vmem>>[vector<16xi32>], vector<16xf32>,
    %add3A_267 = arith.constant 64 : i32
    %add3A_268 = vector.broadcast %add3A_267 : i32 to vector<16xi32>
    %add3A_269 = arith.addi %add3A_263, %add3A_268 : vector<16xi32>
    tpu.vector_store_idx %arg17[%add3A_269], %broadcast_in_dim3A_142 : memref<24576xf32, #tpu.memory_space<vmem>>[vector<16xi32>], vector<16xf32>,
    %add3A_270 = arith.constant 80 : i32
    %add3A_271 = vector.broadcast %add3A_270 : i32 to vector<16xi32>
    %add3A_272 = arith.addi %add3A_263, %add3A_271 : vector<16xi32>
    tpu.vector_store_idx %arg17[%add3A_272], %broadcast_in_dim3A_142 : memref<24576xf32, #tpu.memory_space<vmem>>[vector<16xi32>], vector<16xf32>,
    %add3A_273 = arith.constant 96 : i32
    %add3A_274 = vector.broadcast %add3A_273 : i32 to vector<16xi32>
    %add3A_275 = arith.addi %add3A_263, %add3A_274 : vector<16xi32>
    tpu.vector_store_idx %arg17[%add3A_275], %broadcast_in_dim3A_142 : memref<24576xf32, #tpu.memory_space<vmem>>[vector<16xi32>], vector<16xf32>,
    %add3A_276 = arith.constant 112 : i32
    %add3A_277 = vector.broadcast %add3A_276 : i32 to vector<16xi32>
    %add3A_278 = arith.addi %add3A_263, %add3A_277 : vector<16xi32>
    tpu.vector_store_idx %arg17[%add3A_278], %broadcast_in_dim3A_142 : memref<24576xf32, #tpu.memory_space<vmem>>[vector<16xi32>], vector<16xf32>,
    %dma_start3A = arith.constant 0 : i32
    %dma_start3A_279 = tpu.memref_slice %arg9[%dma_start3A] : memref<6400xi32, #tpu.memory_space<vmem>> -> memref<64xi32, #tpu.memory_space<vmem>>
    %dma_start3A_280 = arith.constant 0 : i32
    %dma_start3A_281 = arith.constant 0 : i32
    %dma_start3A_282 = tpu.memref_slice %arg5[%dma_start3A_280, %dma_start3A_281] : memref<100002x304xf32, #tpu.memory_space<hbm>> -> memref<100002x304xf32, #tpu.memory_space<hbm>>
    tpu.enqueue_indirect_dma source(%dma_start3A_282 : memref<100002x304xf32, #tpu.memory_space<hbm>>) target(%arg14 : memref<64x304xf32, #tpu.memory_space<vmem>>) offsets(%dma_start3A_279 : memref<64xi32, #tpu.memory_space<vmem>>) semaphore(%arg18 : memref<!tpu.dma_semaphore, #tpu.memory_space<semaphore_mem>>)
    %scan3A = arith.constant 0 : i32
    %scan3A_283 = arith.constant 0 : i32
    %scan3A_284 = arith.constant 50 : i32
    %scan3A_285 = arith.addi %scan3A_283, %scan3A_284 : i32
    %scan3A_286 = arith.constant 1 : i32
    scf.for %scan3A_295 = %scan3A_283 to %scan3A_285 step %scan3A_286  : i32 {
      %mul3A_296 = arith.constant 2 : i32
      %mul3A_297 = arith.muli %mul3A_296, %scan3A_295 : i32
      %add3A_298 = arith.constant 0 : i32
      %add3A_299 = arith.addi %mul3A_297, %add3A_298 : i32
      %add3A_300 = arith.constant 1 : i32
      %add3A_301 = arith.addi %add3A_299, %add3A_300 : i32
      %lt3A = arith.constant 100 : i32
      %lt3A_302 = arith.cmpi slt, %add3A_301, %lt3A : i32
      %convert_element_type3A = arith.extui %lt3A_302 : i1 to i32
      %cond3A = arith.constant 0 : i32
      %cond3A_303 = arith.cmpi ne, %convert_element_type3A, %cond3A : i32
      scf.if %cond3A_303 {
        %add3A_1210 = arith.constant 1 : i32
        %add3A_1211 = arith.addi %add3A_299, %add3A_1210 : i32
        %mul3A_1212 = arith.constant 64 : i32
        %mul3A_1213 = arith.muli %add3A_1211, %mul3A_1212 : i32
        %dma_start3A_1214 = tpu.memref_slice %arg9[%mul3A_1213] : memref<6400xi32, #tpu.memory_space<vmem>> -> memref<64xi32, #tpu.memory_space<vmem>>
        %dma_start3A_1215 = arith.constant 0 : i32
        %dma_start3A_1216 = arith.constant 0 : i32
        %dma_start3A_1217 = tpu.memref_slice %arg5[%dma_start3A_1215, %dma_start3A_1216] : memref<100002x304xf32, #tpu.memory_space<hbm>> -> memref<100002x304xf32, #tpu.memory_space<hbm>>
        tpu.enqueue_indirect_dma source(%dma_start3A_1217 : memref<100002x304xf32, #tpu.memory_space<hbm>>) target(%arg15 : memref<64x304xf32, #tpu.memory_space<vmem>>) offsets(%dma_start3A_1214 : memref<64xi32, #tpu.memory_space<vmem>>) semaphore(%arg19 : memref<!tpu.dma_semaphore, #tpu.memory_space<semaphore_mem>>)
      } else {
      }
      %mul3A_304 = arith.constant 64 : i32
      %mul3A_305 = arith.muli %add3A_299, %mul3A_304 : i32
      %dma_wait3A_306 = tpu.memref_slice %arg9[%mul3A_305] : memref<6400xi32, #tpu.memory_space<vmem>> -> memref<64xi32, #tpu.memory_space<vmem>>
      %dma_wait3A_307 = arith.constant 0 : i32
      %dma_wait3A_308 = arith.constant 0 : i32
      %dma_wait3A_309 = tpu.memref_slice %arg5[%dma_wait3A_307, %dma_wait3A_308] : memref<100002x304xf32, #tpu.memory_space<hbm>> -> memref<100002x304xf32, #tpu.memory_space<hbm>>
      tpu.wait_indirect_dma semaphore(%arg18 : memref<!tpu.dma_semaphore, #tpu.memory_space<semaphore_mem>>) src(%dma_wait3A_309 : memref<100002x304xf32, #tpu.memory_space<hbm>>) dst(%arg14 : memref<64x304xf32, #tpu.memory_space<vmem>>)
      %ge3A = arith.constant 2 : i32
      %ge3A_310 = arith.cmpi sge, %add3A_299, %ge3A : i32
      %convert_element_type3A_311 = arith.extui %ge3A_310 : i1 to i32
      %cond3A_312 = arith.constant 0 : i32
      %cond3A_313 = arith.cmpi ne, %convert_element_type3A_311, %cond3A_312 : i32
      scf.if %cond3A_313 {
        %sub3A = arith.constant 2 : i32
        %sub3A_1210 = arith.subi %add3A_299, %sub3A : i32
        %mul3A_1211 = arith.constant 24576 : i32
        %mul3A_1212 = arith.muli %sub3A_1210, %mul3A_1211 : i32
        %add3A_1213 = arith.addi %mul3A_4, %mul3A_1212 : i32
        %dma_wait3A_1214 = tpu.memref_slice %arg8[%add3A_1213] : memref<78643200xf32, #tpu.memory_space<hbm>> -> memref<24576xf32, #tpu.memory_space<hbm>>
        %dma_wait3A_1215 = tpu.memref_slice %arg8[%add3A_1213] : memref<78643200xf32, #tpu.memory_space<hbm>> -> memref<24576xf32, #tpu.memory_space<hbm>>
        tpu.wait_dma2 semaphore(%arg20 : memref<!tpu.dma_semaphore, #tpu.memory_space<semaphore_mem>>) src(%arg16 : memref<24576xf32, #tpu.memory_space<vmem>>) dst(%dma_wait3A_1215 : memref<24576xf32, #tpu.memory_space<hbm>>)
      } else {
      }
      %mul3A_314 = arith.constant 64 : i32
      %mul3A_315 = arith.muli %add3A_299, %mul3A_314 : i32
      %iota3A_316 = tpu.iota {dimensions = array<i32: 0>} : vector<16xi32>
      %scan3A_317 = arith.constant 0 : i32
      %scan3A_318 = arith.constant 0 : i32
      %scan3A_319 = arith.constant 64 : i32
      %scan3A_320 = arith.addi %scan3A_318, %scan3A_319 : i32
      %scan3A_321 = arith.constant 1 : i32
      scf.for %scan3A_1210 = %scan3A_318 to %scan3A_320 step %scan3A_321  : i32 {
        %shift_right_arithmetic3A_1211 = arith.constant 3 : i32
        %shift_right_arithmetic3A_1212 = arith.shrsi %scan3A_1210, %shift_right_arithmetic3A_1211 : i32
        %mul3A_1213 = arith.constant 3072 : i32
        %mul3A_1214 = arith.muli %shift_right_arithmetic3A_1212, %mul3A_1213 : i32
        %and3A_1215 = arith.constant 7 : i32
        %and3A_1216 = arith.andi %scan3A_1210, %and3A_1215 : i32
        %mul3A_1217 = arith.constant 128 : i32
        %mul3A_1218 = arith.muli %and3A_1216, %mul3A_1217 : i32
        %add3A_1219 = arith.addi %mul3A_1214, %mul3A_1218 : i32
        %add3A_1220 = arith.constant 0 : i32
        %add3A_1221 = arith.addi %add3A_1219, %add3A_1220 : i32
        %add3A_1222 = arith.constant 0 : i32
        %add3A_1223 = arith.addi %add3A_1221, %add3A_1222 : i32
        %get3A_1224 = arith.index_cast %scan3A_1210 : i32 to index
        %get3A_1225 = arith.constant 0 : index
        %get3A_1226 = tpu.vector_load %arg14[%get3A_1224, %get3A_1225] {strides = array<i32>} : memref<64x304xf32, #tpu.memory_space<vmem>>, vector<16xf32>,
        %add3A_1227 = vector.broadcast %add3A_1223 : i32 to vector<16xi32>
        %add3A_1228 = arith.addi %add3A_1227, %iota3A_316 : vector<16xi32>
        tpu.vector_store_idx %arg16[%add3A_1228], %get3A_1226 : memref<24576xf32, #tpu.memory_space<vmem>>[vector<16xi32>], vector<16xf32>,
        %add3A_1229 = arith.constant 0 : i32
        %add3A_1230 = arith.addi %add3A_1219, %add3A_1229 : i32
        %add3A_1231 = arith.constant 16 : i32
        %add3A_1232 = arith.addi %add3A_1230, %add3A_1231 : i32
        %get3A_1233 = arith.index_cast %scan3A_1210 : i32 to index
        %get3A_1234 = arith.constant 16 : index
        %get3A_1235 = tpu.vector_load %arg14[%get3A_1233, %get3A_1234] {strides = array<i32>} : memref<64x304xf32, #tpu.memory_space<vmem>>, vector<16xf32>,
        %add3A_1236 = vector.broadcast %add3A_1232 : i32 to vector<16xi32>
        %add3A_1237 = arith.addi %add3A_1236, %iota3A_316 : vector<16xi32>
        tpu.vector_store_idx %arg16[%add3A_1237], %get3A_1235 : memref<24576xf32, #tpu.memory_space<vmem>>[vector<16xi32>], vector<16xf32>,
        %add3A_1238 = arith.constant 0 : i32
        %add3A_1239 = arith.addi %add3A_1219, %add3A_1238 : i32
        %add3A_1240 = arith.constant 32 : i32
        %add3A_1241 = arith.addi %add3A_1239, %add3A_1240 : i32
        %get3A_1242 = arith.index_cast %scan3A_1210 : i32 to index
        %get3A_1243 = arith.constant 32 : index
        %get3A_1244 = tpu.vector_load %arg14[%get3A_1242, %get3A_1243] {strides = array<i32>} : memref<64x304xf32, #tpu.memory_space<vmem>>, vector<16xf32>,
        %add3A_1245 = vector.broadcast %add3A_1241 : i32 to vector<16xi32>
        %add3A_1246 = arith.addi %add3A_1245, %iota3A_316 : vector<16xi32>
        tpu.vector_store_idx %arg16[%add3A_1246], %get3A_1244 : memref<24576xf32, #tpu.memory_space<vmem>>[vector<16xi32>], vector<16xf32>,
        %add3A_1247 = arith.constant 0 : i32
        %add3A_1248 = arith.addi %add3A_1219, %add3A_1247 : i32
        %add3A_1249 = arith.constant 48 : i32
        %add3A_1250 = arith.addi %add3A_1248, %add3A_1249 : i32
        %get3A_1251 = arith.index_cast %scan3A_1210 : i32 to index
        %get3A_1252 = arith.constant 48 : index
        %get3A_1253 = tpu.vector_load %arg14[%get3A_1251, %get3A_1252] {strides = array<i32>} : memref<64x304xf32, #tpu.memory_space<vmem>>, vector<16xf32>,
        %add3A_1254 = vector.broadcast %add3A_1250 : i32 to vector<16xi32>
        %add3A_1255 = arith.addi %add3A_1254, %iota3A_316 : vector<16xi32>
        tpu.vector_store_idx %arg16[%add3A_1255], %get3A_1253 : memref<24576xf32, #tpu.memory_space<vmem>>[vector<16xi32>], vector<16xf32>,
        %add3A_1256 = arith.constant 0 : i32
        %add3A_1257 = arith.addi %add3A_1219, %add3A_1256 : i32
        %add3A_1258 = arith.constant 64 : i32
        %add3A_1259 = arith.addi %add3A_1257, %add3A_1258 : i32
        %get3A_1260 = arith.index_cast %scan3A_1210 : i32 to index
        %get3A_1261 = arith.constant 64 : index
        %get3A_1262 = tpu.vector_load %arg14[%get3A_1260, %get3A_1261] {strides = array<i32>} : memref<64x304xf32, #tpu.memory_space<vmem>>, vector<16xf32>,
        %add3A_1263 = vector.broadcast %add3A_1259 : i32 to vector<16xi32>
        %add3A_1264 = arith.addi %add3A_1263, %iota3A_316 : vector<16xi32>
        tpu.vector_store_idx %arg16[%add3A_1264], %get3A_1262 : memref<24576xf32, #tpu.memory_space<vmem>>[vector<16xi32>], vector<16xf32>,
        %add3A_1265 = arith.constant 0 : i32
        %add3A_1266 = arith.addi %add3A_1219, %add3A_1265 : i32
        %add3A_1267 = arith.constant 80 : i32
        %add3A_1268 = arith.addi %add3A_1266, %add3A_1267 : i32
        %get3A_1269 = arith.index_cast %scan3A_1210 : i32 to index
        %get3A_1270 = arith.constant 80 : index
        %get3A_1271 = tpu.vector_load %arg14[%get3A_1269, %get3A_1270] {strides = array<i32>} : memref<64x304xf32, #tpu.memory_space<vmem>>, vector<16xf32>,
        %add3A_1272 = vector.broadcast %add3A_1268 : i32 to vector<16xi32>
        %add3A_1273 = arith.addi %add3A_1272, %iota3A_316 : vector<16xi32>
        tpu.vector_store_idx %arg16[%add3A_1273], %get3A_1271 : memref<24576xf32, #tpu.memory_space<vmem>>[vector<16xi32>], vector<16xf32>,
        %add3A_1274 = arith.constant 0 : i32
        %add3A_1275 = arith.addi %add3A_1219, %add3A_1274 : i32
        %add3A_1276 = arith.constant 96 : i32
        %add3A_1277 = arith.addi %add3A_1275, %add3A_1276 : i32
        %get3A_1278 = arith.index_cast %scan3A_1210 : i32 to index
        %get3A_1279 = arith.constant 96 : index
        %get3A_1280 = tpu.vector_load %arg14[%get3A_1278, %get3A_1279] {strides = array<i32>} : memref<64x304xf32, #tpu.memory_space<vmem>>, vector<16xf32>,
        %add3A_1281 = vector.broadcast %add3A_1277 : i32 to vector<16xi32>
        %add3A_1282 = arith.addi %add3A_1281, %iota3A_316 : vector<16xi32>
        tpu.vector_store_idx %arg16[%add3A_1282], %get3A_1280 : memref<24576xf32, #tpu.memory_space<vmem>>[vector<16xi32>], vector<16xf32>,
        %add3A_1283 = arith.constant 0 : i32
        %add3A_1284 = arith.addi %add3A_1219, %add3A_1283 : i32
        %add3A_1285 = arith.constant 112 : i32
        %add3A_1286 = arith.addi %add3A_1284, %add3A_1285 : i32
        %get3A_1287 = arith.index_cast %scan3A_1210 : i32 to index
        %get3A_1288 = arith.constant 112 : index
        %get3A_1289 = tpu.vector_load %arg14[%get3A_1287, %get3A_1288] {strides = array<i32>} : memref<64x304xf32, #tpu.memory_space<vmem>>, vector<16xf32>,
        %add3A_1290 = vector.broadcast %add3A_1286 : i32 to vector<16xi32>
        %add3A_1291 = arith.addi %add3A_1290, %iota3A_316 : vector<16xi32>
        tpu.vector_store_idx %arg16[%add3A_1291], %get3A_1289 : memref<24576xf32, #tpu.memory_space<vmem>>[vector<16xi32>], vector<16xf32>,
        %add3A_1292 = arith.constant 1024 : i32
        %add3A_1293 = arith.addi %add3A_1219, %add3A_1292 : i32
        %add3A_1294 = arith.constant 0 : i32
        %add3A_1295 = arith.addi %add3A_1293, %add3A_1294 : i32
        %get3A_1296 = arith.index_cast %scan3A_1210 : i32 to index
        %get3A_1297 = arith.constant 128 : index
        %get3A_1298 = tpu.vector_load %arg14[%get3A_1296, %get3A_1297] {strides = array<i32>} : memref<64x304xf32, #tpu.memory_space<vmem>>, vector<16xf32>,
        %add3A_1299 = vector.broadcast %add3A_1295 : i32 to vector<16xi32>
        %add3A_1300 = arith.addi %add3A_1299, %iota3A_316 : vector<16xi32>
        tpu.vector_store_idx %arg16[%add3A_1300], %get3A_1298 : memref<24576xf32, #tpu.memory_space<vmem>>[vector<16xi32>], vector<16xf32>,
        %add3A_1301 = arith.constant 1024 : i32
        %add3A_1302 = arith.addi %add3A_1219, %add3A_1301 : i32
        %add3A_1303 = arith.constant 16 : i32
        %add3A_1304 = arith.addi %add3A_1302, %add3A_1303 : i32
        %get3A_1305 = arith.index_cast %scan3A_1210 : i32 to index
        %get3A_1306 = arith.constant 144 : index
        %get3A_1307 = tpu.vector_load %arg14[%get3A_1305, %get3A_1306] {strides = array<i32>} : memref<64x304xf32, #tpu.memory_space<vmem>>, vector<16xf32>,
        %add3A_1308 = vector.broadcast %add3A_1304 : i32 to vector<16xi32>
        %add3A_1309 = arith.addi %add3A_1308, %iota3A_316 : vector<16xi32>
        tpu.vector_store_idx %arg16[%add3A_1309], %get3A_1307 : memref<24576xf32, #tpu.memory_space<vmem>>[vector<16xi32>], vector<16xf32>,
        %add3A_1310 = arith.constant 1024 : i32
        %add3A_1311 = arith.addi %add3A_1219, %add3A_1310 : i32
        %add3A_1312 = arith.constant 32 : i32
        %add3A_1313 = arith.addi %add3A_1311, %add3A_1312 : i32
        %get3A_1314 = arith.index_cast %scan3A_1210 : i32 to index
        %get3A_1315 = arith.constant 160 : index
        %get3A_1316 = tpu.vector_load %arg14[%get3A_1314, %get3A_1315] {strides = array<i32>} : memref<64x304xf32, #tpu.memory_space<vmem>>, vector<16xf32>,
        %add3A_1317 = vector.broadcast %add3A_1313 : i32 to vector<16xi32>
        %add3A_1318 = arith.addi %add3A_1317, %iota3A_316 : vector<16xi32>
        tpu.vector_store_idx %arg16[%add3A_1318], %get3A_1316 : memref<24576xf32, #tpu.memory_space<vmem>>[vector<16xi32>], vector<16xf32>,
        %add3A_1319 = arith.constant 1024 : i32
        %add3A_1320 = arith.addi %add3A_1219, %add3A_1319 : i32
        %add3A_1321 = arith.constant 48 : i32
        %add3A_1322 = arith.addi %add3A_1320, %add3A_1321 : i32
        %get3A_1323 = arith.index_cast %scan3A_1210 : i32 to index
        %get3A_1324 = arith.constant 176 : index
        %get3A_1325 = tpu.vector_load %arg14[%get3A_1323, %get3A_1324] {strides = array<i32>} : memref<64x304xf32, #tpu.memory_space<vmem>>, vector<16xf32>,
        %add3A_1326 = vector.broadcast %add3A_1322 : i32 to vector<16xi32>
        %add3A_1327 = arith.addi %add3A_1326, %iota3A_316 : vector<16xi32>
        tpu.vector_store_idx %arg16[%add3A_1327], %get3A_1325 : memref<24576xf32, #tpu.memory_space<vmem>>[vector<16xi32>], vector<16xf32>,
        %add3A_1328 = arith.constant 1024 : i32
        %add3A_1329 = arith.addi %add3A_1219, %add3A_1328 : i32
        %add3A_1330 = arith.constant 64 : i32
        %add3A_1331 = arith.addi %add3A_1329, %add3A_1330 : i32
        %get3A_1332 = arith.index_cast %scan3A_1210 : i32 to index
        %get3A_1333 = arith.constant 192 : index
        %get3A_1334 = tpu.vector_load %arg14[%get3A_1332, %get3A_1333] {strides = array<i32>} : memref<64x304xf32, #tpu.memory_space<vmem>>, vector<16xf32>,
        %add3A_1335 = vector.broadcast %add3A_1331 : i32 to vector<16xi32>
        %add3A_1336 = arith.addi %add3A_1335, %iota3A_316 : vector<16xi32>
        tpu.vector_store_idx %arg16[%add3A_1336], %get3A_1334 : memref<24576xf32, #tpu.memory_space<vmem>>[vector<16xi32>], vector<16xf32>,
        %add3A_1337 = arith.constant 1024 : i32
        %add3A_1338 = arith.addi %add3A_1219, %add3A_1337 : i32
        %add3A_1339 = arith.constant 80 : i32
        %add3A_1340 = arith.addi %add3A_1338, %add3A_1339 : i32
        %get3A_1341 = arith.index_cast %scan3A_1210 : i32 to index
        %get3A_1342 = arith.constant 208 : index
        %get3A_1343 = tpu.vector_load %arg14[%get3A_1341, %get3A_1342] {strides = array<i32>} : memref<64x304xf32, #tpu.memory_space<vmem>>, vector<16xf32>,
        %add3A_1344 = vector.broadcast %add3A_1340 : i32 to vector<16xi32>
        %add3A_1345 = arith.addi %add3A_1344, %iota3A_316 : vector<16xi32>
        tpu.vector_store_idx %arg16[%add3A_1345], %get3A_1343 : memref<24576xf32, #tpu.memory_space<vmem>>[vector<16xi32>], vector<16xf32>,
        %add3A_1346 = arith.constant 1024 : i32
        %add3A_1347 = arith.addi %add3A_1219, %add3A_1346 : i32
        %add3A_1348 = arith.constant 96 : i32
        %add3A_1349 = arith.addi %add3A_1347, %add3A_1348 : i32
        %get3A_1350 = arith.index_cast %scan3A_1210 : i32 to index
        %get3A_1351 = arith.constant 224 : index
        %get3A_1352 = tpu.vector_load %arg14[%get3A_1350, %get3A_1351] {strides = array<i32>} : memref<64x304xf32, #tpu.memory_space<vmem>>, vector<16xf32>,
        %add3A_1353 = vector.broadcast %add3A_1349 : i32 to vector<16xi32>
        %add3A_1354 = arith.addi %add3A_1353, %iota3A_316 : vector<16xi32>
        tpu.vector_store_idx %arg16[%add3A_1354], %get3A_1352 : memref<24576xf32, #tpu.memory_space<vmem>>[vector<16xi32>], vector<16xf32>,
        %add3A_1355 = arith.constant 1024 : i32
        %add3A_1356 = arith.addi %add3A_1219, %add3A_1355 : i32
        %add3A_1357 = arith.constant 112 : i32
        %add3A_1358 = arith.addi %add3A_1356, %add3A_1357 : i32
        %get3A_1359 = arith.index_cast %scan3A_1210 : i32 to index
        %get3A_1360 = arith.constant 240 : index
        %get3A_1361 = tpu.vector_load %arg14[%get3A_1359, %get3A_1360] {strides = array<i32>} : memref<64x304xf32, #tpu.memory_space<vmem>>, vector<16xf32>,
        %add3A_1362 = vector.broadcast %add3A_1358 : i32 to vector<16xi32>
        %add3A_1363 = arith.addi %add3A_1362, %iota3A_316 : vector<16xi32>
        tpu.vector_store_idx %arg16[%add3A_1363], %get3A_1361 : memref<24576xf32, #tpu.memory_space<vmem>>[vector<16xi32>], vector<16xf32>,
        %add3A_1364 = arith.constant 2048 : i32
        %add3A_1365 = arith.addi %add3A_1219, %add3A_1364 : i32
        %add3A_1366 = arith.constant 0 : i32
        %add3A_1367 = arith.addi %add3A_1365, %add3A_1366 : i32
        %get3A_1368 = arith.index_cast %scan3A_1210 : i32 to index
        %get3A_1369 = arith.constant 256 : index
        %get3A_1370 = tpu.vector_load %arg14[%get3A_1368, %get3A_1369] {strides = array<i32>} : memref<64x304xf32, #tpu.memory_space<vmem>>, vector<16xf32>,
        %add3A_1371 = vector.broadcast %add3A_1367 : i32 to vector<16xi32>
        %add3A_1372 = arith.addi %add3A_1371, %iota3A_316 : vector<16xi32>
        tpu.vector_store_idx %arg16[%add3A_1372], %get3A_1370 : memref<24576xf32, #tpu.memory_space<vmem>>[vector<16xi32>], vector<16xf32>,
        %add3A_1373 = arith.constant 2048 : i32
        %add3A_1374 = arith.addi %add3A_1219, %add3A_1373 : i32
        %add3A_1375 = arith.constant 16 : i32
        %add3A_1376 = arith.addi %add3A_1374, %add3A_1375 : i32
        %get3A_1377 = arith.index_cast %scan3A_1210 : i32 to index
        %get3A_1378 = arith.constant 272 : index
        %get3A_1379 = tpu.vector_load %arg14[%get3A_1377, %get3A_1378] {strides = array<i32>} : memref<64x304xf32, #tpu.memory_space<vmem>>, vector<16xf32>,
        %add3A_1380 = vector.broadcast %add3A_1376 : i32 to vector<16xi32>
        %add3A_1381 = arith.addi %add3A_1380, %iota3A_316 : vector<16xi32>
        tpu.vector_store_idx %arg16[%add3A_1381], %get3A_1379 : memref<24576xf32, #tpu.memory_space<vmem>>[vector<16xi32>], vector<16xf32>,
        %add3A_1382 = arith.constant 2048 : i32
        %add3A_1383 = arith.addi %add3A_1219, %add3A_1382 : i32
        %add3A_1384 = arith.constant 32 : i32
        %add3A_1385 = arith.addi %add3A_1383, %add3A_1384 : i32
        %get3A_1386 = arith.index_cast %scan3A_1210 : i32 to index
        %get3A_1387 = arith.constant 288 : index
        %get3A_1388 = tpu.vector_load %arg14[%get3A_1386, %get3A_1387] {strides = array<i32>} : memref<64x304xf32, #tpu.memory_space<vmem>>, vector<16xf32>,
        %add3A_1389 = vector.broadcast %add3A_1385 : i32 to vector<16xi32>
        %add3A_1390 = arith.addi %add3A_1389, %iota3A_316 : vector<16xi32>
        tpu.vector_store_idx %arg16[%add3A_1390], %get3A_1388 : memref<24576xf32, #tpu.memory_space<vmem>>[vector<16xi32>], vector<16xf32>,
      }
      %scan3A_322 = arith.constant 64 : i32
      %add3A_323 = arith.constant 0 : i32
      %add3A_324 = vector.broadcast %add3A_323 : i32 to vector<16xi32>
      %add3A_325 = arith.addi %iota3A_316, %add3A_324 : vector<16xi32>
      %shift_right_arithmetic3A_326 = arith.constant 3 : i32
      %shift_right_arithmetic3A_327 = vector.broadcast %shift_right_arithmetic3A_326 : i32 to vector<16xi32>
      %shift_right_arithmetic3A_328 = arith.shrsi %add3A_325, %shift_right_arithmetic3A_327 : vector<16xi32>
      %mul3A_329 = arith.constant 3072 : i32
      %mul3A_330 = vector.broadcast %mul3A_329 : i32 to vector<16xi32>
      %mul3A_331 = arith.muli %shift_right_arithmetic3A_328, %mul3A_330 : vector<16xi32>
      %add3A_332 = arith.constant 2048 : i32
      %add3A_333 = vector.broadcast %add3A_332 : i32 to vector<16xi32>
      %add3A_334 = arith.addi %mul3A_331, %add3A_333 : vector<16xi32>
      %and3A_335 = arith.constant 7 : i32
      %and3A_336 = vector.broadcast %and3A_335 : i32 to vector<16xi32>
      %and3A_337 = arith.andi %add3A_325, %and3A_336 : vector<16xi32>
      %mul3A_338 = arith.constant 128 : i32
      %mul3A_339 = vector.broadcast %mul3A_338 : i32 to vector<16xi32>
      %mul3A_340 = arith.muli %and3A_337, %mul3A_339 : vector<16xi32>
      %add3A_341 = arith.addi %add3A_334, %mul3A_340 : vector<16xi32>
      %add3A_342 = arith.constant 44 : i32
      %add3A_343 = vector.broadcast %add3A_342 : i32 to vector<16xi32>
      %add3A_344 = arith.addi %add3A_341, %add3A_343 : vector<16xi32>
      %add3A_345 = arith.constant 0 : i32
      %add3A_346 = arith.addi %mul3A_315, %add3A_345 : i32
      %get3A = arith.index_cast %add3A_346 : i32 to index
      %get3A_347 = tpu.vector_load %arg10[%get3A] {strides = array<i32>} : memref<6400xi32, #tpu.memory_space<vmem>>, vector<16xi32>,
      %mul3A_348 = arith.constant 5 : i32
      %mul3A_349 = vector.broadcast %mul3A_348 : i32 to vector<16xi32>
      %mul3A_350 = arith.muli %get3A_347, %mul3A_349 : vector<16xi32>
      %add3A_351 = arith.constant 0 : i32
      %add3A_352 = arith.addi %mul3A_315, %add3A_351 : i32
      %get3A_353 = arith.index_cast %add3A_352 : i32 to index
      %get3A_354 = tpu.vector_load %arg11[%get3A_353] {strides = array<i32>} : memref<6400xi32, #tpu.memory_space<vmem>>, vector<16xi32>,
      %mul3A_355 = arith.constant 5 : i32
      %mul3A_356 = vector.broadcast %mul3A_355 : i32 to vector<16xi32>
      %mul3A_357 = arith.muli %get3A_354, %mul3A_356 : vector<16xi32>
      %add3A_358 = arith.constant 0 : i32
      %add3A_359 = vector.broadcast %add3A_358 : i32 to vector<16xi32>
      %add3A_360 = arith.addi %mul3A_350, %add3A_359 : vector<16xi32>
      %gather3A = tpu.vector_load_idx %arg12[%add3A_360] : memref<2000xf32, #tpu.memory_space<vmem>>[vector<16xi32>], vector<16xf32>,
      %add3A_361 = arith.constant 0 : i32
      %add3A_362 = vector.broadcast %add3A_361 : i32 to vector<16xi32>
      %add3A_363 = arith.addi %add3A_344, %add3A_362 : vector<16xi32>
      tpu.vector_store_idx %arg16[%add3A_363], %gather3A : memref<24576xf32, #tpu.memory_space<vmem>>[vector<16xi32>], vector<16xf32>,
      %add3A_364 = arith.constant 0 : i32
      %add3A_365 = vector.broadcast %add3A_364 : i32 to vector<16xi32>
      %add3A_366 = arith.addi %mul3A_357, %add3A_365 : vector<16xi32>
      %gather3A_367 = tpu.vector_load_idx %arg13[%add3A_366] : memref<2000xf32, #tpu.memory_space<vmem>>[vector<16xi32>], vector<16xf32>,
      %add3A_368 = arith.constant 5 : i32
      %add3A_369 = vector.broadcast %add3A_368 : i32 to vector<16xi32>
      %add3A_370 = arith.addi %add3A_344, %add3A_369 : vector<16xi32>
      tpu.vector_store_idx %arg16[%add3A_370], %gather3A_367 : memref<24576xf32, #tpu.memory_space<vmem>>[vector<16xi32>], vector<16xf32>,
      %add3A_371 = arith.constant 1 : i32
      %add3A_372 = vector.broadcast %add3A_371 : i32 to vector<16xi32>
      %add3A_373 = arith.addi %mul3A_350, %add3A_372 : vector<16xi32>
      %gather3A_374 = tpu.vector_load_idx %arg12[%add3A_373] : memref<2000xf32, #tpu.memory_space<vmem>>[vector<16xi32>], vector<16xf32>,
      %add3A_375 = arith.constant 1 : i32
      %add3A_376 = vector.broadcast %add3A_375 : i32 to vector<16xi32>
      %add3A_377 = arith.addi %add3A_344, %add3A_376 : vector<16xi32>
      tpu.vector_store_idx %arg16[%add3A_377], %gather3A_374 : memref<24576xf32, #tpu.memory_space<vmem>>[vector<16xi32>], vector<16xf32>,
      %add3A_378 = arith.constant 1 : i32
      %add3A_379 = vector.broadcast %add3A_378 : i32 to vector<16xi32>
      %add3A_380 = arith.addi %mul3A_357, %add3A_379 : vector<16xi32>
      %gather3A_381 = tpu.vector_load_idx %arg13[%add3A_380] : memref<2000xf32, #tpu.memory_space<vmem>>[vector<16xi32>], vector<16xf32>,
      %add3A_382 = arith.constant 6 : i32
      %add3A_383 = vector.broadcast %add3A_382 : i32 to vector<16xi32>
      %add3A_384 = arith.addi %add3A_344, %add3A_383 : vector<16xi32>
      tpu.vector_store_idx %arg16[%add3A_384], %gather3A_381 : memref<24576xf32, #tpu.memory_space<vmem>>[vector<16xi32>], vector<16xf32>,
      %add3A_385 = arith.constant 2 : i32
      %add3A_386 = vector.broadcast %add3A_385 : i32 to vector<16xi32>
      %add3A_387 = arith.addi %mul3A_350, %add3A_386 : vector<16xi32>
      %gather3A_388 = tpu.vector_load_idx %arg12[%add3A_387] : memref<2000xf32, #tpu.memory_space<vmem>>[vector<16xi32>], vector<16xf32>,
      %add3A_389 = arith.constant 2 : i32
      %add3A_390 = vector.broadcast %add3A_389 : i32 to vector<16xi32>
      %add3A_391 = arith.addi %add3A_344, %add3A_390 : vector<16xi32>
      tpu.vector_store_idx %arg16[%add3A_391], %gather3A_388 : memref<24576xf32, #tpu.memory_space<vmem>>[vector<16xi32>], vector<16xf32>,
      %add3A_392 = arith.constant 2 : i32
      %add3A_393 = vector.broadcast %add3A_392 : i32 to vector<16xi32>
      %add3A_394 = arith.addi %mul3A_357, %add3A_393 : vector<16xi32>
      %gather3A_395 = tpu.vector_load_idx %arg13[%add3A_394] : memref<2000xf32, #tpu.memory_space<vmem>>[vector<16xi32>], vector<16xf32>,
      %add3A_396 = arith.constant 7 : i32
      %add3A_397 = vector.broadcast %add3A_396 : i32 to vector<16xi32>
      %add3A_398 = arith.addi %add3A_344, %add3A_397 : vector<16xi32>
      tpu.vector_store_idx %arg16[%add3A_398], %gather3A_395 : memref<24576xf32, #tpu.memory_space<vmem>>[vector<16xi32>], vector<16xf32>,
      %add3A_399 = arith.constant 3 : i32
      %add3A_400 = vector.broadcast %add3A_399 : i32 to vector<16xi32>
      %add3A_401 = arith.addi %mul3A_350, %add3A_400 : vector<16xi32>
      %gather3A_402 = tpu.vector_load_idx %arg12[%add3A_401] : memref<2000xf32, #tpu.memory_space<vmem>>[vector<16xi32>], vector<16xf32>,
      %add3A_403 = arith.constant 3 : i32
      %add3A_404 = vector.broadcast %add3A_403 : i32 to vector<16xi32>
      %add3A_405 = arith.addi %add3A_344, %add3A_404 : vector<16xi32>
      tpu.vector_store_idx %arg16[%add3A_405], %gather3A_402 : memref<24576xf32, #tpu.memory_space<vmem>>[vector<16xi32>], vector<16xf32>,
      %add3A_406 = arith.constant 3 : i32
      %add3A_407 = vector.broadcast %add3A_406 : i32 to vector<16xi32>
      %add3A_408 = arith.addi %mul3A_357, %add3A_407 : vector<16xi32>
      %gather3A_409 = tpu.vector_load_idx %arg13[%add3A_408] : memref<2000xf32, #tpu.memory_space<vmem>>[vector<16xi32>], vector<16xf32>,
      %add3A_410 = arith.constant 8 : i32
      %add3A_411 = vector.broadcast %add3A_410 : i32 to vector<16xi32>
      %add3A_412 = arith.addi %add3A_344, %add3A_411 : vector<16xi32>
      tpu.vector_store_idx %arg16[%add3A_412], %gather3A_409 : memref<24576xf32, #tpu.memory_space<vmem>>[vector<16xi32>], vector<16xf32>,
      %add3A_413 = arith.constant 4 : i32
      %add3A_414 = vector.broadcast %add3A_413 : i32 to vector<16xi32>
      %add3A_415 = arith.addi %mul3A_350, %add3A_414 : vector<16xi32>
      %gather3A_416 = tpu.vector_load_idx %arg12[%add3A_415] : memref<2000xf32, #tpu.memory_space<vmem>>[vector<16xi32>], vector<16xf32>,
      %add3A_417 = arith.constant 4 : i32
      %add3A_418 = vector.broadcast %add3A_417 : i32 to vector<16xi32>
      %add3A_419 = arith.addi %add3A_344, %add3A_418 : vector<16xi32>
      tpu.vector_store_idx %arg16[%add3A_419], %gather3A_416 : memref<24576xf32, #tpu.memory_space<vmem>>[vector<16xi32>], vector<16xf32>,
      %add3A_420 = arith.constant 4 : i32
      %add3A_421 = vector.broadcast %add3A_420 : i32 to vector<16xi32>
      %add3A_422 = arith.addi %mul3A_357, %add3A_421 : vector<16xi32>
      %gather3A_423 = tpu.vector_load_idx %arg13[%add3A_422] : memref<2000xf32, #tpu.memory_space<vmem>>[vector<16xi32>], vector<16xf32>,
      %add3A_424 = arith.constant 9 : i32
      %add3A_425 = vector.broadcast %add3A_424 : i32 to vector<16xi32>
      %add3A_426 = arith.addi %add3A_344, %add3A_425 : vector<16xi32>
      tpu.vector_store_idx %arg16[%add3A_426], %gather3A_423 : memref<24576xf32, #tpu.memory_space<vmem>>[vector<16xi32>], vector<16xf32>,
      %add3A_427 = arith.constant 16 : i32
      %add3A_428 = vector.broadcast %add3A_427 : i32 to vector<16xi32>
      %add3A_429 = arith.addi %iota3A_316, %add3A_428 : vector<16xi32>
      %shift_right_arithmetic3A_430 = arith.constant 3 : i32
      %shift_right_arithmetic3A_431 = vector.broadcast %shift_right_arithmetic3A_430 : i32 to vector<16xi32>
      %shift_right_arithmetic3A_432 = arith.shrsi %add3A_429, %shift_right_arithmetic3A_431 : vector<16xi32>
      %mul3A_433 = arith.constant 3072 : i32
      %mul3A_434 = vector.broadcast %mul3A_433 : i32 to vector<16xi32>
      %mul3A_435 = arith.muli %shift_right_arithmetic3A_432, %mul3A_434 : vector<16xi32>
      %add3A_436 = arith.constant 2048 : i32
      %add3A_437 = vector.broadcast %add3A_436 : i32 to vector<16xi32>
      %add3A_438 = arith.addi %mul3A_435, %add3A_437 : vector<16xi32>
      %and3A_439 = arith.constant 7 : i32
      %and3A_440 = vector.broadcast %and3A_439 : i32 to vector<16xi32>
      %and3A_441 = arith.andi %add3A_429, %and3A_440 : vector<16xi32>
      %mul3A_442 = arith.constant 128 : i32
      %mul3A_443 = vector.broadcast %mul3A_442 : i32 to vector<16xi32>
      %mul3A_444 = arith.muli %and3A_441, %mul3A_443 : vector<16xi32>
      %add3A_445 = arith.addi %add3A_438, %mul3A_444 : vector<16xi32>
      %add3A_446 = arith.constant 44 : i32
      %add3A_447 = vector.broadcast %add3A_446 : i32 to vector<16xi32>
      %add3A_448 = arith.addi %add3A_445, %add3A_447 : vector<16xi32>
      %add3A_449 = arith.constant 16 : i32
      %add3A_450 = arith.addi %mul3A_315, %add3A_449 : i32
      %get3A_451 = arith.index_cast %add3A_450 : i32 to index
      %get3A_452 = tpu.vector_load %arg10[%get3A_451] {strides = array<i32>} : memref<6400xi32, #tpu.memory_space<vmem>>, vector<16xi32>,
      %mul3A_453 = arith.constant 5 : i32
      %mul3A_454 = vector.broadcast %mul3A_453 : i32 to vector<16xi32>
      %mul3A_455 = arith.muli %get3A_452, %mul3A_454 : vector<16xi32>
      %add3A_456 = arith.constant 16 : i32
      %add3A_457 = arith.addi %mul3A_315, %add3A_456 : i32
      %get3A_458 = arith.index_cast %add3A_457 : i32 to index
      %get3A_459 = tpu.vector_load %arg11[%get3A_458] {strides = array<i32>} : memref<6400xi32, #tpu.memory_space<vmem>>, vector<16xi32>,
      %mul3A_460 = arith.constant 5 : i32
      %mul3A_461 = vector.broadcast %mul3A_460 : i32 to vector<16xi32>
      %mul3A_462 = arith.muli %get3A_459, %mul3A_461 : vector<16xi32>
      %add3A_463 = arith.constant 0 : i32
      %add3A_464 = vector.broadcast %add3A_463 : i32 to vector<16xi32>
      %add3A_465 = arith.addi %mul3A_455, %add3A_464 : vector<16xi32>
      %gather3A_466 = tpu.vector_load_idx %arg12[%add3A_465] : memref<2000xf32, #tpu.memory_space<vmem>>[vector<16xi32>], vector<16xf32>,
      %add3A_467 = arith.constant 0 : i32
      %add3A_468 = vector.broadcast %add3A_467 : i32 to vector<16xi32>
      %add3A_469 = arith.addi %add3A_448, %add3A_468 : vector<16xi32>
      tpu.vector_store_idx %arg16[%add3A_469], %gather3A_466 : memref<24576xf32, #tpu.memory_space<vmem>>[vector<16xi32>], vector<16xf32>,
      %add3A_470 = arith.constant 0 : i32
      %add3A_471 = vector.broadcast %add3A_470 : i32 to vector<16xi32>
      %add3A_472 = arith.addi %mul3A_462, %add3A_471 : vector<16xi32>
      %gather3A_473 = tpu.vector_load_idx %arg13[%add3A_472] : memref<2000xf32, #tpu.memory_space<vmem>>[vector<16xi32>], vector<16xf32>,
      %add3A_474 = arith.constant 5 : i32
      %add3A_475 = vector.broadcast %add3A_474 : i32 to vector<16xi32>
      %add3A_476 = arith.addi %add3A_448, %add3A_475 : vector<16xi32>
      tpu.vector_store_idx %arg16[%add3A_476], %gather3A_473 : memref<24576xf32, #tpu.memory_space<vmem>>[vector<16xi32>], vector<16xf32>,
      %add3A_477 = arith.constant 1 : i32
      %add3A_478 = vector.broadcast %add3A_477 : i32 to vector<16xi32>
      %add3A_479 = arith.addi %mul3A_455, %add3A_478 : vector<16xi32>
      %gather3A_480 = tpu.vector_load_idx %arg12[%add3A_479] : memref<2000xf32, #tpu.memory_space<vmem>>[vector<16xi32>], vector<16xf32>,
      %add3A_481 = arith.constant 1 : i32
      %add3A_482 = vector.broadcast %add3A_481 : i32 to vector<16xi32>
      %add3A_483 = arith.addi %add3A_448, %add3A_482 : vector<16xi32>
      tpu.vector_store_idx %arg16[%add3A_483], %gather3A_480 : memref<24576xf32, #tpu.memory_space<vmem>>[vector<16xi32>], vector<16xf32>,
      %add3A_484 = arith.constant 1 : i32
      %add3A_485 = vector.broadcast %add3A_484 : i32 to vector<16xi32>
      %add3A_486 = arith.addi %mul3A_462, %add3A_485 : vector<16xi32>
      %gather3A_487 = tpu.vector_load_idx %arg13[%add3A_486] : memref<2000xf32, #tpu.memory_space<vmem>>[vector<16xi32>], vector<16xf32>,
      %add3A_488 = arith.constant 6 : i32
      %add3A_489 = vector.broadcast %add3A_488 : i32 to vector<16xi32>
      %add3A_490 = arith.addi %add3A_448, %add3A_489 : vector<16xi32>
      tpu.vector_store_idx %arg16[%add3A_490], %gather3A_487 : memref<24576xf32, #tpu.memory_space<vmem>>[vector<16xi32>], vector<16xf32>,
      %add3A_491 = arith.constant 2 : i32
      %add3A_492 = vector.broadcast %add3A_491 : i32 to vector<16xi32>
      %add3A_493 = arith.addi %mul3A_455, %add3A_492 : vector<16xi32>
      %gather3A_494 = tpu.vector_load_idx %arg12[%add3A_493] : memref<2000xf32, #tpu.memory_space<vmem>>[vector<16xi32>], vector<16xf32>,
      %add3A_495 = arith.constant 2 : i32
      %add3A_496 = vector.broadcast %add3A_495 : i32 to vector<16xi32>
      %add3A_497 = arith.addi %add3A_448, %add3A_496 : vector<16xi32>
      tpu.vector_store_idx %arg16[%add3A_497], %gather3A_494 : memref<24576xf32, #tpu.memory_space<vmem>>[vector<16xi32>], vector<16xf32>,
      %add3A_498 = arith.constant 2 : i32
      %add3A_499 = vector.broadcast %add3A_498 : i32 to vector<16xi32>
      %add3A_500 = arith.addi %mul3A_462, %add3A_499 : vector<16xi32>
      %gather3A_501 = tpu.vector_load_idx %arg13[%add3A_500] : memref<2000xf32, #tpu.memory_space<vmem>>[vector<16xi32>], vector<16xf32>,
      %add3A_502 = arith.constant 7 : i32
      %add3A_503 = vector.broadcast %add3A_502 : i32 to vector<16xi32>
      %add3A_504 = arith.addi %add3A_448, %add3A_503 : vector<16xi32>
      tpu.vector_store_idx %arg16[%add3A_504], %gather3A_501 : memref<24576xf32, #tpu.memory_space<vmem>>[vector<16xi32>], vector<16xf32>,
      %add3A_505 = arith.constant 3 : i32
      %add3A_506 = vector.broadcast %add3A_505 : i32 to vector<16xi32>
      %add3A_507 = arith.addi %mul3A_455, %add3A_506 : vector<16xi32>
      %gather3A_508 = tpu.vector_load_idx %arg12[%add3A_507] : memref<2000xf32, #tpu.memory_space<vmem>>[vector<16xi32>], vector<16xf32>,
      %add3A_509 = arith.constant 3 : i32
      %add3A_510 = vector.broadcast %add3A_509 : i32 to vector<16xi32>
      %add3A_511 = arith.addi %add3A_448, %add3A_510 : vector<16xi32>
      tpu.vector_store_idx %arg16[%add3A_511], %gather3A_508 : memref<24576xf32, #tpu.memory_space<vmem>>[vector<16xi32>], vector<16xf32>,
      %add3A_512 = arith.constant 3 : i32
      %add3A_513 = vector.broadcast %add3A_512 : i32 to vector<16xi32>
      %add3A_514 = arith.addi %mul3A_462, %add3A_513 : vector<16xi32>
      %gather3A_515 = tpu.vector_load_idx %arg13[%add3A_514] : memref<2000xf32, #tpu.memory_space<vmem>>[vector<16xi32>], vector<16xf32>,
      %add3A_516 = arith.constant 8 : i32
      %add3A_517 = vector.broadcast %add3A_516 : i32 to vector<16xi32>
      %add3A_518 = arith.addi %add3A_448, %add3A_517 : vector<16xi32>
      tpu.vector_store_idx %arg16[%add3A_518], %gather3A_515 : memref<24576xf32, #tpu.memory_space<vmem>>[vector<16xi32>], vector<16xf32>,
      %add3A_519 = arith.constant 4 : i32
      %add3A_520 = vector.broadcast %add3A_519 : i32 to vector<16xi32>
      %add3A_521 = arith.addi %mul3A_455, %add3A_520 : vector<16xi32>
      %gather3A_522 = tpu.vector_load_idx %arg12[%add3A_521] : memref<2000xf32, #tpu.memory_space<vmem>>[vector<16xi32>], vector<16xf32>,
      %add3A_523 = arith.constant 4 : i32
      %add3A_524 = vector.broadcast %add3A_523 : i32 to vector<16xi32>
      %add3A_525 = arith.addi %add3A_448, %add3A_524 : vector<16xi32>
      tpu.vector_store_idx %arg16[%add3A_525], %gather3A_522 : memref<24576xf32, #tpu.memory_space<vmem>>[vector<16xi32>], vector<16xf32>,
      %add3A_526 = arith.constant 4 : i32
      %add3A_527 = vector.broadcast %add3A_526 : i32 to vector<16xi32>
      %add3A_528 = arith.addi %mul3A_462, %add3A_527 : vector<16xi32>
      %gather3A_529 = tpu.vector_load_idx %arg13[%add3A_528] : memref<2000xf32, #tpu.memory_space<vmem>>[vector<16xi32>], vector<16xf32>,
      %add3A_530 = arith.constant 9 : i32
      %add3A_531 = vector.broadcast %add3A_530 : i32 to vector<16xi32>
      %add3A_532 = arith.addi %add3A_448, %add3A_531 : vector<16xi32>
      tpu.vector_store_idx %arg16[%add3A_532], %gather3A_529 : memref<24576xf32, #tpu.memory_space<vmem>>[vector<16xi32>], vector<16xf32>,
      %add3A_533 = arith.constant 32 : i32
      %add3A_534 = vector.broadcast %add3A_533 : i32 to vector<16xi32>
      %add3A_535 = arith.addi %iota3A_316, %add3A_534 : vector<16xi32>
      %shift_right_arithmetic3A_536 = arith.constant 3 : i32
      %shift_right_arithmetic3A_537 = vector.broadcast %shift_right_arithmetic3A_536 : i32 to vector<16xi32>
      %shift_right_arithmetic3A_538 = arith.shrsi %add3A_535, %shift_right_arithmetic3A_537 : vector<16xi32>
      %mul3A_539 = arith.constant 3072 : i32
      %mul3A_540 = vector.broadcast %mul3A_539 : i32 to vector<16xi32>
      %mul3A_541 = arith.muli %shift_right_arithmetic3A_538, %mul3A_540 : vector<16xi32>
      %add3A_542 = arith.constant 2048 : i32
      %add3A_543 = vector.broadcast %add3A_542 : i32 to vector<16xi32>
      %add3A_544 = arith.addi %mul3A_541, %add3A_543 : vector<16xi32>
      %and3A_545 = arith.constant 7 : i32
      %and3A_546 = vector.broadcast %and3A_545 : i32 to vector<16xi32>
      %and3A_547 = arith.andi %add3A_535, %and3A_546 : vector<16xi32>
      %mul3A_548 = arith.constant 128 : i32
      %mul3A_549 = vector.broadcast %mul3A_548 : i32 to vector<16xi32>
      %mul3A_550 = arith.muli %and3A_547, %mul3A_549 : vector<16xi32>
      %add3A_551 = arith.addi %add3A_544, %mul3A_550 : vector<16xi32>
      %add3A_552 = arith.constant 44 : i32
      %add3A_553 = vector.broadcast %add3A_552 : i32 to vector<16xi32>
      %add3A_554 = arith.addi %add3A_551, %add3A_553 : vector<16xi32>
      %add3A_555 = arith.constant 32 : i32
      %add3A_556 = arith.addi %mul3A_315, %add3A_555 : i32
      %get3A_557 = arith.index_cast %add3A_556 : i32 to index
      %get3A_558 = tpu.vector_load %arg10[%get3A_557] {strides = array<i32>} : memref<6400xi32, #tpu.memory_space<vmem>>, vector<16xi32>,
      %mul3A_559 = arith.constant 5 : i32
      %mul3A_560 = vector.broadcast %mul3A_559 : i32 to vector<16xi32>
      %mul3A_561 = arith.muli %get3A_558, %mul3A_560 : vector<16xi32>
      %add3A_562 = arith.constant 32 : i32
      %add3A_563 = arith.addi %mul3A_315, %add3A_562 : i32
      %get3A_564 = arith.index_cast %add3A_563 : i32 to index
      %get3A_565 = tpu.vector_load %arg11[%get3A_564] {strides = array<i32>} : memref<6400xi32, #tpu.memory_space<vmem>>, vector<16xi32>,
      %mul3A_566 = arith.constant 5 : i32
      %mul3A_567 = vector.broadcast %mul3A_566 : i32 to vector<16xi32>
      %mul3A_568 = arith.muli %get3A_565, %mul3A_567 : vector<16xi32>
      %add3A_569 = arith.constant 0 : i32
      %add3A_570 = vector.broadcast %add3A_569 : i32 to vector<16xi32>
      %add3A_571 = arith.addi %mul3A_561, %add3A_570 : vector<16xi32>
      %gather3A_572 = tpu.vector_load_idx %arg12[%add3A_571] : memref<2000xf32, #tpu.memory_space<vmem>>[vector<16xi32>], vector<16xf32>,
      %add3A_573 = arith.constant 0 : i32
      %add3A_574 = vector.broadcast %add3A_573 : i32 to vector<16xi32>
      %add3A_575 = arith.addi %add3A_554, %add3A_574 : vector<16xi32>
      tpu.vector_store_idx %arg16[%add3A_575], %gather3A_572 : memref<24576xf32, #tpu.memory_space<vmem>>[vector<16xi32>], vector<16xf32>,
      %add3A_576 = arith.constant 0 : i32
      %add3A_577 = vector.broadcast %add3A_576 : i32 to vector<16xi32>
      %add3A_578 = arith.addi %mul3A_568, %add3A_577 : vector<16xi32>
      %gather3A_579 = tpu.vector_load_idx %arg13[%add3A_578] : memref<2000xf32, #tpu.memory_space<vmem>>[vector<16xi32>], vector<16xf32>,
      %add3A_580 = arith.constant 5 : i32
      %add3A_581 = vector.broadcast %add3A_580 : i32 to vector<16xi32>
      %add3A_582 = arith.addi %add3A_554, %add3A_581 : vector<16xi32>
      tpu.vector_store_idx %arg16[%add3A_582], %gather3A_579 : memref<24576xf32, #tpu.memory_space<vmem>>[vector<16xi32>], vector<16xf32>,
      %add3A_583 = arith.constant 1 : i32
      %add3A_584 = vector.broadcast %add3A_583 : i32 to vector<16xi32>
      %add3A_585 = arith.addi %mul3A_561, %add3A_584 : vector<16xi32>
      %gather3A_586 = tpu.vector_load_idx %arg12[%add3A_585] : memref<2000xf32, #tpu.memory_space<vmem>>[vector<16xi32>], vector<16xf32>,
      %add3A_587 = arith.constant 1 : i32
      %add3A_588 = vector.broadcast %add3A_587 : i32 to vector<16xi32>
      %add3A_589 = arith.addi %add3A_554, %add3A_588 : vector<16xi32>
      tpu.vector_store_idx %arg16[%add3A_589], %gather3A_586 : memref<24576xf32, #tpu.memory_space<vmem>>[vector<16xi32>], vector<16xf32>,
      %add3A_590 = arith.constant 1 : i32
      %add3A_591 = vector.broadcast %add3A_590 : i32 to vector<16xi32>
      %add3A_592 = arith.addi %mul3A_568, %add3A_591 : vector<16xi32>
      %gather3A_593 = tpu.vector_load_idx %arg13[%add3A_592] : memref<2000xf32, #tpu.memory_space<vmem>>[vector<16xi32>], vector<16xf32>,
      %add3A_594 = arith.constant 6 : i32
      %add3A_595 = vector.broadcast %add3A_594 : i32 to vector<16xi32>
      %add3A_596 = arith.addi %add3A_554, %add3A_595 : vector<16xi32>
      tpu.vector_store_idx %arg16[%add3A_596], %gather3A_593 : memref<24576xf32, #tpu.memory_space<vmem>>[vector<16xi32>], vector<16xf32>,
      %add3A_597 = arith.constant 2 : i32
      %add3A_598 = vector.broadcast %add3A_597 : i32 to vector<16xi32>
      %add3A_599 = arith.addi %mul3A_561, %add3A_598 : vector<16xi32>
      %gather3A_600 = tpu.vector_load_idx %arg12[%add3A_599] : memref<2000xf32, #tpu.memory_space<vmem>>[vector<16xi32>], vector<16xf32>,
      %add3A_601 = arith.constant 2 : i32
      %add3A_602 = vector.broadcast %add3A_601 : i32 to vector<16xi32>
      %add3A_603 = arith.addi %add3A_554, %add3A_602 : vector<16xi32>
      tpu.vector_store_idx %arg16[%add3A_603], %gather3A_600 : memref<24576xf32, #tpu.memory_space<vmem>>[vector<16xi32>], vector<16xf32>,
      %add3A_604 = arith.constant 2 : i32
      %add3A_605 = vector.broadcast %add3A_604 : i32 to vector<16xi32>
      %add3A_606 = arith.addi %mul3A_568, %add3A_605 : vector<16xi32>
      %gather3A_607 = tpu.vector_load_idx %arg13[%add3A_606] : memref<2000xf32, #tpu.memory_space<vmem>>[vector<16xi32>], vector<16xf32>,
      %add3A_608 = arith.constant 7 : i32
      %add3A_609 = vector.broadcast %add3A_608 : i32 to vector<16xi32>
      %add3A_610 = arith.addi %add3A_554, %add3A_609 : vector<16xi32>
      tpu.vector_store_idx %arg16[%add3A_610], %gather3A_607 : memref<24576xf32, #tpu.memory_space<vmem>>[vector<16xi32>], vector<16xf32>,
      %add3A_611 = arith.constant 3 : i32
      %add3A_612 = vector.broadcast %add3A_611 : i32 to vector<16xi32>
      %add3A_613 = arith.addi %mul3A_561, %add3A_612 : vector<16xi32>
      %gather3A_614 = tpu.vector_load_idx %arg12[%add3A_613] : memref<2000xf32, #tpu.memory_space<vmem>>[vector<16xi32>], vector<16xf32>,
      %add3A_615 = arith.constant 3 : i32
      %add3A_616 = vector.broadcast %add3A_615 : i32 to vector<16xi32>
      %add3A_617 = arith.addi %add3A_554, %add3A_616 : vector<16xi32>
      tpu.vector_store_idx %arg16[%add3A_617], %gather3A_614 : memref<24576xf32, #tpu.memory_space<vmem>>[vector<16xi32>], vector<16xf32>,
      %add3A_618 = arith.constant 3 : i32
      %add3A_619 = vector.broadcast %add3A_618 : i32 to vector<16xi32>
      %add3A_620 = arith.addi %mul3A_568, %add3A_619 : vector<16xi32>
      %gather3A_621 = tpu.vector_load_idx %arg13[%add3A_620] : memref<2000xf32, #tpu.memory_space<vmem>>[vector<16xi32>], vector<16xf32>,
      %add3A_622 = arith.constant 8 : i32
      %add3A_623 = vector.broadcast %add3A_622 : i32 to vector<16xi32>
      %add3A_624 = arith.addi %add3A_554, %add3A_623 : vector<16xi32>
      tpu.vector_store_idx %arg16[%add3A_624], %gather3A_621 : memref<24576xf32, #tpu.memory_space<vmem>>[vector<16xi32>], vector<16xf32>,
      %add3A_625 = arith.constant 4 : i32
      %add3A_626 = vector.broadcast %add3A_625 : i32 to vector<16xi32>
      %add3A_627 = arith.addi %mul3A_561, %add3A_626 : vector<16xi32>
      %gather3A_628 = tpu.vector_load_idx %arg12[%add3A_627] : memref<2000xf32, #tpu.memory_space<vmem>>[vector<16xi32>], vector<16xf32>,
      %add3A_629 = arith.constant 4 : i32
      %add3A_630 = vector.broadcast %add3A_629 : i32 to vector<16xi32>
      %add3A_631 = arith.addi %add3A_554, %add3A_630 : vector<16xi32>
      tpu.vector_store_idx %arg16[%add3A_631], %gather3A_628 : memref<24576xf32, #tpu.memory_space<vmem>>[vector<16xi32>], vector<16xf32>,
      %add3A_632 = arith.constant 4 : i32
      %add3A_633 = vector.broadcast %add3A_632 : i32 to vector<16xi32>
      %add3A_634 = arith.addi %mul3A_568, %add3A_633 : vector<16xi32>
      %gather3A_635 = tpu.vector_load_idx %arg13[%add3A_634] : memref<2000xf32, #tpu.memory_space<vmem>>[vector<16xi32>], vector<16xf32>,
      %add3A_636 = arith.constant 9 : i32
      %add3A_637 = vector.broadcast %add3A_636 : i32 to vector<16xi32>
      %add3A_638 = arith.addi %add3A_554, %add3A_637 : vector<16xi32>
      tpu.vector_store_idx %arg16[%add3A_638], %gather3A_635 : memref<24576xf32, #tpu.memory_space<vmem>>[vector<16xi32>], vector<16xf32>,
      %add3A_639 = arith.constant 48 : i32
      %add3A_640 = vector.broadcast %add3A_639 : i32 to vector<16xi32>
      %add3A_641 = arith.addi %iota3A_316, %add3A_640 : vector<16xi32>
      %shift_right_arithmetic3A_642 = arith.constant 3 : i32
      %shift_right_arithmetic3A_643 = vector.broadcast %shift_right_arithmetic3A_642 : i32 to vector<16xi32>
      %shift_right_arithmetic3A_644 = arith.shrsi %add3A_641, %shift_right_arithmetic3A_643 : vector<16xi32>
      %mul3A_645 = arith.constant 3072 : i32
      %mul3A_646 = vector.broadcast %mul3A_645 : i32 to vector<16xi32>
      %mul3A_647 = arith.muli %shift_right_arithmetic3A_644, %mul3A_646 : vector<16xi32>
      %add3A_648 = arith.constant 2048 : i32
      %add3A_649 = vector.broadcast %add3A_648 : i32 to vector<16xi32>
      %add3A_650 = arith.addi %mul3A_647, %add3A_649 : vector<16xi32>
      %and3A_651 = arith.constant 7 : i32
      %and3A_652 = vector.broadcast %and3A_651 : i32 to vector<16xi32>
      %and3A_653 = arith.andi %add3A_641, %and3A_652 : vector<16xi32>
      %mul3A_654 = arith.constant 128 : i32
      %mul3A_655 = vector.broadcast %mul3A_654 : i32 to vector<16xi32>
      %mul3A_656 = arith.muli %and3A_653, %mul3A_655 : vector<16xi32>
      %add3A_657 = arith.addi %add3A_650, %mul3A_656 : vector<16xi32>
      %add3A_658 = arith.constant 44 : i32
      %add3A_659 = vector.broadcast %add3A_658 : i32 to vector<16xi32>
      %add3A_660 = arith.addi %add3A_657, %add3A_659 : vector<16xi32>
      %add3A_661 = arith.constant 48 : i32
      %add3A_662 = arith.addi %mul3A_315, %add3A_661 : i32
      %get3A_663 = arith.index_cast %add3A_662 : i32 to index
      %get3A_664 = tpu.vector_load %arg10[%get3A_663] {strides = array<i32>} : memref<6400xi32, #tpu.memory_space<vmem>>, vector<16xi32>,
      %mul3A_665 = arith.constant 5 : i32
      %mul3A_666 = vector.broadcast %mul3A_665 : i32 to vector<16xi32>
      %mul3A_667 = arith.muli %get3A_664, %mul3A_666 : vector<16xi32>
      %add3A_668 = arith.constant 48 : i32
      %add3A_669 = arith.addi %mul3A_315, %add3A_668 : i32
      %get3A_670 = arith.index_cast %add3A_669 : i32 to index
      %get3A_671 = tpu.vector_load %arg11[%get3A_670] {strides = array<i32>} : memref<6400xi32, #tpu.memory_space<vmem>>, vector<16xi32>,
      %mul3A_672 = arith.constant 5 : i32
      %mul3A_673 = vector.broadcast %mul3A_672 : i32 to vector<16xi32>
      %mul3A_674 = arith.muli %get3A_671, %mul3A_673 : vector<16xi32>
      %add3A_675 = arith.constant 0 : i32
      %add3A_676 = vector.broadcast %add3A_675 : i32 to vector<16xi32>
      %add3A_677 = arith.addi %mul3A_667, %add3A_676 : vector<16xi32>
      %gather3A_678 = tpu.vector_load_idx %arg12[%add3A_677] : memref<2000xf32, #tpu.memory_space<vmem>>[vector<16xi32>], vector<16xf32>,
      %add3A_679 = arith.constant 0 : i32
      %add3A_680 = vector.broadcast %add3A_679 : i32 to vector<16xi32>
      %add3A_681 = arith.addi %add3A_660, %add3A_680 : vector<16xi32>
      tpu.vector_store_idx %arg16[%add3A_681], %gather3A_678 : memref<24576xf32, #tpu.memory_space<vmem>>[vector<16xi32>], vector<16xf32>,
      %add3A_682 = arith.constant 0 : i32
      %add3A_683 = vector.broadcast %add3A_682 : i32 to vector<16xi32>
      %add3A_684 = arith.addi %mul3A_674, %add3A_683 : vector<16xi32>
      %gather3A_685 = tpu.vector_load_idx %arg13[%add3A_684] : memref<2000xf32, #tpu.memory_space<vmem>>[vector<16xi32>], vector<16xf32>,
      %add3A_686 = arith.constant 5 : i32
      %add3A_687 = vector.broadcast %add3A_686 : i32 to vector<16xi32>
      %add3A_688 = arith.addi %add3A_660, %add3A_687 : vector<16xi32>
      tpu.vector_store_idx %arg16[%add3A_688], %gather3A_685 : memref<24576xf32, #tpu.memory_space<vmem>>[vector<16xi32>], vector<16xf32>,
      %add3A_689 = arith.constant 1 : i32
      %add3A_690 = vector.broadcast %add3A_689 : i32 to vector<16xi32>
      %add3A_691 = arith.addi %mul3A_667, %add3A_690 : vector<16xi32>
      %gather3A_692 = tpu.vector_load_idx %arg12[%add3A_691] : memref<2000xf32, #tpu.memory_space<vmem>>[vector<16xi32>], vector<16xf32>,
      %add3A_693 = arith.constant 1 : i32
      %add3A_694 = vector.broadcast %add3A_693 : i32 to vector<16xi32>
      %add3A_695 = arith.addi %add3A_660, %add3A_694 : vector<16xi32>
      tpu.vector_store_idx %arg16[%add3A_695], %gather3A_692 : memref<24576xf32, #tpu.memory_space<vmem>>[vector<16xi32>], vector<16xf32>,
      %add3A_696 = arith.constant 1 : i32
      %add3A_697 = vector.broadcast %add3A_696 : i32 to vector<16xi32>
      %add3A_698 = arith.addi %mul3A_674, %add3A_697 : vector<16xi32>
      %gather3A_699 = tpu.vector_load_idx %arg13[%add3A_698] : memref<2000xf32, #tpu.memory_space<vmem>>[vector<16xi32>], vector<16xf32>,
      %add3A_700 = arith.constant 6 : i32
      %add3A_701 = vector.broadcast %add3A_700 : i32 to vector<16xi32>
      %add3A_702 = arith.addi %add3A_660, %add3A_701 : vector<16xi32>
      tpu.vector_store_idx %arg16[%add3A_702], %gather3A_699 : memref<24576xf32, #tpu.memory_space<vmem>>[vector<16xi32>], vector<16xf32>,
      %add3A_703 = arith.constant 2 : i32
      %add3A_704 = vector.broadcast %add3A_703 : i32 to vector<16xi32>
      %add3A_705 = arith.addi %mul3A_667, %add3A_704 : vector<16xi32>
      %gather3A_706 = tpu.vector_load_idx %arg12[%add3A_705] : memref<2000xf32, #tpu.memory_space<vmem>>[vector<16xi32>], vector<16xf32>,
      %add3A_707 = arith.constant 2 : i32
      %add3A_708 = vector.broadcast %add3A_707 : i32 to vector<16xi32>
      %add3A_709 = arith.addi %add3A_660, %add3A_708 : vector<16xi32>
      tpu.vector_store_idx %arg16[%add3A_709], %gather3A_706 : memref<24576xf32, #tpu.memory_space<vmem>>[vector<16xi32>], vector<16xf32>,
      %add3A_710 = arith.constant 2 : i32
      %add3A_711 = vector.broadcast %add3A_710 : i32 to vector<16xi32>
      %add3A_712 = arith.addi %mul3A_674, %add3A_711 : vector<16xi32>
      %gather3A_713 = tpu.vector_load_idx %arg13[%add3A_712] : memref<2000xf32, #tpu.memory_space<vmem>>[vector<16xi32>], vector<16xf32>,
      %add3A_714 = arith.constant 7 : i32
      %add3A_715 = vector.broadcast %add3A_714 : i32 to vector<16xi32>
      %add3A_716 = arith.addi %add3A_660, %add3A_715 : vector<16xi32>
      tpu.vector_store_idx %arg16[%add3A_716], %gather3A_713 : memref<24576xf32, #tpu.memory_space<vmem>>[vector<16xi32>], vector<16xf32>,
      %add3A_717 = arith.constant 3 : i32
      %add3A_718 = vector.broadcast %add3A_717 : i32 to vector<16xi32>
      %add3A_719 = arith.addi %mul3A_667, %add3A_718 : vector<16xi32>
      %gather3A_720 = tpu.vector_load_idx %arg12[%add3A_719] : memref<2000xf32, #tpu.memory_space<vmem>>[vector<16xi32>], vector<16xf32>,
      %add3A_721 = arith.constant 3 : i32
      %add3A_722 = vector.broadcast %add3A_721 : i32 to vector<16xi32>
      %add3A_723 = arith.addi %add3A_660, %add3A_722 : vector<16xi32>
      tpu.vector_store_idx %arg16[%add3A_723], %gather3A_720 : memref<24576xf32, #tpu.memory_space<vmem>>[vector<16xi32>], vector<16xf32>,
      %add3A_724 = arith.constant 3 : i32
      %add3A_725 = vector.broadcast %add3A_724 : i32 to vector<16xi32>
      %add3A_726 = arith.addi %mul3A_674, %add3A_725 : vector<16xi32>
      %gather3A_727 = tpu.vector_load_idx %arg13[%add3A_726] : memref<2000xf32, #tpu.memory_space<vmem>>[vector<16xi32>], vector<16xf32>,
      %add3A_728 = arith.constant 8 : i32
      %add3A_729 = vector.broadcast %add3A_728 : i32 to vector<16xi32>
      %add3A_730 = arith.addi %add3A_660, %add3A_729 : vector<16xi32>
      tpu.vector_store_idx %arg16[%add3A_730], %gather3A_727 : memref<24576xf32, #tpu.memory_space<vmem>>[vector<16xi32>], vector<16xf32>,
      %add3A_731 = arith.constant 4 : i32
      %add3A_732 = vector.broadcast %add3A_731 : i32 to vector<16xi32>
      %add3A_733 = arith.addi %mul3A_667, %add3A_732 : vector<16xi32>
      %gather3A_734 = tpu.vector_load_idx %arg12[%add3A_733] : memref<2000xf32, #tpu.memory_space<vmem>>[vector<16xi32>], vector<16xf32>,
      %add3A_735 = arith.constant 4 : i32
      %add3A_736 = vector.broadcast %add3A_735 : i32 to vector<16xi32>
      %add3A_737 = arith.addi %add3A_660, %add3A_736 : vector<16xi32>
      tpu.vector_store_idx %arg16[%add3A_737], %gather3A_734 : memref<24576xf32, #tpu.memory_space<vmem>>[vector<16xi32>], vector<16xf32>,
      %add3A_738 = arith.constant 4 : i32
      %add3A_739 = vector.broadcast %add3A_738 : i32 to vector<16xi32>
      %add3A_740 = arith.addi %mul3A_674, %add3A_739 : vector<16xi32>
      %gather3A_741 = tpu.vector_load_idx %arg13[%add3A_740] : memref<2000xf32, #tpu.memory_space<vmem>>[vector<16xi32>], vector<16xf32>,
      %add3A_742 = arith.constant 9 : i32
      %add3A_743 = vector.broadcast %add3A_742 : i32 to vector<16xi32>
      %add3A_744 = arith.addi %add3A_660, %add3A_743 : vector<16xi32>
      tpu.vector_store_idx %arg16[%add3A_744], %gather3A_741 : memref<24576xf32, #tpu.memory_space<vmem>>[vector<16xi32>], vector<16xf32>,
      %mul3A_745 = arith.constant 24576 : i32
      %mul3A_746 = arith.muli %add3A_299, %mul3A_745 : i32
      %add3A_747 = arith.addi %mul3A_4, %mul3A_746 : i32
      %dma_start3A_748 = tpu.memref_slice %arg8[%add3A_747] : memref<78643200xf32, #tpu.memory_space<hbm>> -> memref<24576xf32, #tpu.memory_space<hbm>>
      %dma_start3A_749 = tpu.memref_slice %arg8[%add3A_747] : memref<78643200xf32, #tpu.memory_space<hbm>> -> memref<24576xf32, #tpu.memory_space<hbm>>
      tpu.enqueue_dma source(%arg16 : memref<24576xf32, #tpu.memory_space<vmem>>) target(%dma_start3A_749 : memref<24576xf32, #tpu.memory_space<hbm>>) target_semaphore(%arg20 : memref<!tpu.dma_semaphore, #tpu.memory_space<semaphore_mem>>)
      %mul3A_750 = arith.constant 2 : i32
      %mul3A_751 = arith.muli %mul3A_750, %scan3A_295 : i32
      %add3A_752 = arith.constant 1 : i32
      %add3A_753 = arith.addi %mul3A_751, %add3A_752 : i32
      %add3A_754 = arith.constant 1 : i32
      %add3A_755 = arith.addi %add3A_753, %add3A_754 : i32
      %lt3A_756 = arith.constant 100 : i32
      %lt3A_757 = arith.cmpi slt, %add3A_755, %lt3A_756 : i32
      %convert_element_type3A_758 = arith.extui %lt3A_757 : i1 to i32
      %cond3A_759 = arith.constant 0 : i32
      %cond3A_760 = arith.cmpi ne, %convert_element_type3A_758, %cond3A_759 : i32
      scf.if %cond3A_760 {
        %add3A_1210 = arith.constant 1 : i32
        %add3A_1211 = arith.addi %add3A_753, %add3A_1210 : i32
        %mul3A_1212 = arith.constant 64 : i32
        %mul3A_1213 = arith.muli %add3A_1211, %mul3A_1212 : i32
        %dma_start3A_1214 = tpu.memref_slice %arg9[%mul3A_1213] : memref<6400xi32, #tpu.memory_space<vmem>> -> memref<64xi32, #tpu.memory_space<vmem>>
        %dma_start3A_1215 = arith.constant 0 : i32
        %dma_start3A_1216 = arith.constant 0 : i32
        %dma_start3A_1217 = tpu.memref_slice %arg5[%dma_start3A_1215, %dma_start3A_1216] : memref<100002x304xf32, #tpu.memory_space<hbm>> -> memref<100002x304xf32, #tpu.memory_space<hbm>>
        tpu.enqueue_indirect_dma source(%dma_start3A_1217 : memref<100002x304xf32, #tpu.memory_space<hbm>>) target(%arg14 : memref<64x304xf32, #tpu.memory_space<vmem>>) offsets(%dma_start3A_1214 : memref<64xi32, #tpu.memory_space<vmem>>) semaphore(%arg18 : memref<!tpu.dma_semaphore, #tpu.memory_space<semaphore_mem>>)
      } else {
      }
      %mul3A_761 = arith.constant 64 : i32
      %mul3A_762 = arith.muli %add3A_753, %mul3A_761 : i32
      %dma_wait3A_763 = tpu.memref_slice %arg9[%mul3A_762] : memref<6400xi32, #tpu.memory_space<vmem>> -> memref<64xi32, #tpu.memory_space<vmem>>
      %dma_wait3A_764 = arith.constant 0 : i32
      %dma_wait3A_765 = arith.constant 0 : i32
      %dma_wait3A_766 = tpu.memref_slice %arg5[%dma_wait3A_764, %dma_wait3A_765] : memref<100002x304xf32, #tpu.memory_space<hbm>> -> memref<100002x304xf32, #tpu.memory_space<hbm>>
      tpu.wait_indirect_dma semaphore(%arg19 : memref<!tpu.dma_semaphore, #tpu.memory_space<semaphore_mem>>) src(%dma_wait3A_766 : memref<100002x304xf32, #tpu.memory_space<hbm>>) dst(%arg15 : memref<64x304xf32, #tpu.memory_space<vmem>>)
      %ge3A_767 = arith.constant 2 : i32
      %ge3A_768 = arith.cmpi sge, %add3A_753, %ge3A_767 : i32
      %convert_element_type3A_769 = arith.extui %ge3A_768 : i1 to i32
      %cond3A_770 = arith.constant 0 : i32
      %cond3A_771 = arith.cmpi ne, %convert_element_type3A_769, %cond3A_770 : i32
      scf.if %cond3A_771 {
        %sub3A = arith.constant 2 : i32
        %sub3A_1210 = arith.subi %add3A_753, %sub3A : i32
        %mul3A_1211 = arith.constant 24576 : i32
        %mul3A_1212 = arith.muli %sub3A_1210, %mul3A_1211 : i32
        %add3A_1213 = arith.addi %mul3A_4, %mul3A_1212 : i32
        %dma_wait3A_1214 = tpu.memref_slice %arg8[%add3A_1213] : memref<78643200xf32, #tpu.memory_space<hbm>> -> memref<24576xf32, #tpu.memory_space<hbm>>
        %dma_wait3A_1215 = tpu.memref_slice %arg8[%add3A_1213] : memref<78643200xf32, #tpu.memory_space<hbm>> -> memref<24576xf32, #tpu.memory_space<hbm>>
        tpu.wait_dma2 semaphore(%arg21 : memref<!tpu.dma_semaphore, #tpu.memory_space<semaphore_mem>>) src(%arg17 : memref<24576xf32, #tpu.memory_space<vmem>>) dst(%dma_wait3A_1215 : memref<24576xf32, #tpu.memory_space<hbm>>)
      } else {
      }
      %mul3A_772 = arith.constant 64 : i32
      %mul3A_773 = arith.muli %add3A_753, %mul3A_772 : i32
      %iota3A_774 = tpu.iota {dimensions = array<i32: 0>} : vector<16xi32>
      %scan3A_775 = arith.constant 0 : i32
      %scan3A_776 = arith.constant 0 : i32
      %scan3A_777 = arith.constant 64 : i32
      %scan3A_778 = arith.addi %scan3A_776, %scan3A_777 : i32
      %scan3A_779 = arith.constant 1 : i32
      scf.for %scan3A_1210 = %scan3A_776 to %scan3A_778 step %scan3A_779  : i32 {
        %shift_right_arithmetic3A_1211 = arith.constant 3 : i32
        %shift_right_arithmetic3A_1212 = arith.shrsi %scan3A_1210, %shift_right_arithmetic3A_1211 : i32
        %mul3A_1213 = arith.constant 3072 : i32
        %mul3A_1214 = arith.muli %shift_right_arithmetic3A_1212, %mul3A_1213 : i32
        %and3A_1215 = arith.constant 7 : i32
        %and3A_1216 = arith.andi %scan3A_1210, %and3A_1215 : i32
        %mul3A_1217 = arith.constant 128 : i32
        %mul3A_1218 = arith.muli %and3A_1216, %mul3A_1217 : i32
        %add3A_1219 = arith.addi %mul3A_1214, %mul3A_1218 : i32
        %add3A_1220 = arith.constant 0 : i32
        %add3A_1221 = arith.addi %add3A_1219, %add3A_1220 : i32
        %add3A_1222 = arith.constant 0 : i32
        %add3A_1223 = arith.addi %add3A_1221, %add3A_1222 : i32
        %get3A_1224 = arith.index_cast %scan3A_1210 : i32 to index
        %get3A_1225 = arith.constant 0 : index
        %get3A_1226 = tpu.vector_load %arg15[%get3A_1224, %get3A_1225] {strides = array<i32>} : memref<64x304xf32, #tpu.memory_space<vmem>>, vector<16xf32>,
        %add3A_1227 = vector.broadcast %add3A_1223 : i32 to vector<16xi32>
        %add3A_1228 = arith.addi %add3A_1227, %iota3A_774 : vector<16xi32>
        tpu.vector_store_idx %arg17[%add3A_1228], %get3A_1226 : memref<24576xf32, #tpu.memory_space<vmem>>[vector<16xi32>], vector<16xf32>,
        %add3A_1229 = arith.constant 0 : i32
        %add3A_1230 = arith.addi %add3A_1219, %add3A_1229 : i32
        %add3A_1231 = arith.constant 16 : i32
        %add3A_1232 = arith.addi %add3A_1230, %add3A_1231 : i32
        %get3A_1233 = arith.index_cast %scan3A_1210 : i32 to index
        %get3A_1234 = arith.constant 16 : index
        %get3A_1235 = tpu.vector_load %arg15[%get3A_1233, %get3A_1234] {strides = array<i32>} : memref<64x304xf32, #tpu.memory_space<vmem>>, vector<16xf32>,
        %add3A_1236 = vector.broadcast %add3A_1232 : i32 to vector<16xi32>
        %add3A_1237 = arith.addi %add3A_1236, %iota3A_774 : vector<16xi32>
        tpu.vector_store_idx %arg17[%add3A_1237], %get3A_1235 : memref<24576xf32, #tpu.memory_space<vmem>>[vector<16xi32>], vector<16xf32>,
        %add3A_1238 = arith.constant 0 : i32
        %add3A_1239 = arith.addi %add3A_1219, %add3A_1238 : i32
        %add3A_1240 = arith.constant 32 : i32
        %add3A_1241 = arith.addi %add3A_1239, %add3A_1240 : i32
        %get3A_1242 = arith.index_cast %scan3A_1210 : i32 to index
        %get3A_1243 = arith.constant 32 : index
        %get3A_1244 = tpu.vector_load %arg15[%get3A_1242, %get3A_1243] {strides = array<i32>} : memref<64x304xf32, #tpu.memory_space<vmem>>, vector<16xf32>,
        %add3A_1245 = vector.broadcast %add3A_1241 : i32 to vector<16xi32>
        %add3A_1246 = arith.addi %add3A_1245, %iota3A_774 : vector<16xi32>
        tpu.vector_store_idx %arg17[%add3A_1246], %get3A_1244 : memref<24576xf32, #tpu.memory_space<vmem>>[vector<16xi32>], vector<16xf32>,
        %add3A_1247 = arith.constant 0 : i32
        %add3A_1248 = arith.addi %add3A_1219, %add3A_1247 : i32
        %add3A_1249 = arith.constant 48 : i32
        %add3A_1250 = arith.addi %add3A_1248, %add3A_1249 : i32
        %get3A_1251 = arith.index_cast %scan3A_1210 : i32 to index
        %get3A_1252 = arith.constant 48 : index
        %get3A_1253 = tpu.vector_load %arg15[%get3A_1251, %get3A_1252] {strides = array<i32>} : memref<64x304xf32, #tpu.memory_space<vmem>>, vector<16xf32>,
        %add3A_1254 = vector.broadcast %add3A_1250 : i32 to vector<16xi32>
        %add3A_1255 = arith.addi %add3A_1254, %iota3A_774 : vector<16xi32>
        tpu.vector_store_idx %arg17[%add3A_1255], %get3A_1253 : memref<24576xf32, #tpu.memory_space<vmem>>[vector<16xi32>], vector<16xf32>,
        %add3A_1256 = arith.constant 0 : i32
        %add3A_1257 = arith.addi %add3A_1219, %add3A_1256 : i32
        %add3A_1258 = arith.constant 64 : i32
        %add3A_1259 = arith.addi %add3A_1257, %add3A_1258 : i32
        %get3A_1260 = arith.index_cast %scan3A_1210 : i32 to index
        %get3A_1261 = arith.constant 64 : index
        %get3A_1262 = tpu.vector_load %arg15[%get3A_1260, %get3A_1261] {strides = array<i32>} : memref<64x304xf32, #tpu.memory_space<vmem>>, vector<16xf32>,
        %add3A_1263 = vector.broadcast %add3A_1259 : i32 to vector<16xi32>
        %add3A_1264 = arith.addi %add3A_1263, %iota3A_774 : vector<16xi32>
        tpu.vector_store_idx %arg17[%add3A_1264], %get3A_1262 : memref<24576xf32, #tpu.memory_space<vmem>>[vector<16xi32>], vector<16xf32>,
        %add3A_1265 = arith.constant 0 : i32
        %add3A_1266 = arith.addi %add3A_1219, %add3A_1265 : i32
        %add3A_1267 = arith.constant 80 : i32
        %add3A_1268 = arith.addi %add3A_1266, %add3A_1267 : i32
        %get3A_1269 = arith.index_cast %scan3A_1210 : i32 to index
        %get3A_1270 = arith.constant 80 : index
        %get3A_1271 = tpu.vector_load %arg15[%get3A_1269, %get3A_1270] {strides = array<i32>} : memref<64x304xf32, #tpu.memory_space<vmem>>, vector<16xf32>,
        %add3A_1272 = vector.broadcast %add3A_1268 : i32 to vector<16xi32>
        %add3A_1273 = arith.addi %add3A_1272, %iota3A_774 : vector<16xi32>
        tpu.vector_store_idx %arg17[%add3A_1273], %get3A_1271 : memref<24576xf32, #tpu.memory_space<vmem>>[vector<16xi32>], vector<16xf32>,
        %add3A_1274 = arith.constant 0 : i32
        %add3A_1275 = arith.addi %add3A_1219, %add3A_1274 : i32
        %add3A_1276 = arith.constant 96 : i32
        %add3A_1277 = arith.addi %add3A_1275, %add3A_1276 : i32
        %get3A_1278 = arith.index_cast %scan3A_1210 : i32 to index
        %get3A_1279 = arith.constant 96 : index
        %get3A_1280 = tpu.vector_load %arg15[%get3A_1278, %get3A_1279] {strides = array<i32>} : memref<64x304xf32, #tpu.memory_space<vmem>>, vector<16xf32>,
        %add3A_1281 = vector.broadcast %add3A_1277 : i32 to vector<16xi32>
        %add3A_1282 = arith.addi %add3A_1281, %iota3A_774 : vector<16xi32>
        tpu.vector_store_idx %arg17[%add3A_1282], %get3A_1280 : memref<24576xf32, #tpu.memory_space<vmem>>[vector<16xi32>], vector<16xf32>,
        %add3A_1283 = arith.constant 0 : i32
        %add3A_1284 = arith.addi %add3A_1219, %add3A_1283 : i32
        %add3A_1285 = arith.constant 112 : i32
        %add3A_1286 = arith.addi %add3A_1284, %add3A_1285 : i32
        %get3A_1287 = arith.index_cast %scan3A_1210 : i32 to index
        %get3A_1288 = arith.constant 112 : index
        %get3A_1289 = tpu.vector_load %arg15[%get3A_1287, %get3A_1288] {strides = array<i32>} : memref<64x304xf32, #tpu.memory_space<vmem>>, vector<16xf32>,
        %add3A_1290 = vector.broadcast %add3A_1286 : i32 to vector<16xi32>
        %add3A_1291 = arith.addi %add3A_1290, %iota3A_774 : vector<16xi32>
        tpu.vector_store_idx %arg17[%add3A_1291], %get3A_1289 : memref<24576xf32, #tpu.memory_space<vmem>>[vector<16xi32>], vector<16xf32>,
        %add3A_1292 = arith.constant 1024 : i32
        %add3A_1293 = arith.addi %add3A_1219, %add3A_1292 : i32
        %add3A_1294 = arith.constant 0 : i32
        %add3A_1295 = arith.addi %add3A_1293, %add3A_1294 : i32
        %get3A_1296 = arith.index_cast %scan3A_1210 : i32 to index
        %get3A_1297 = arith.constant 128 : index
        %get3A_1298 = tpu.vector_load %arg15[%get3A_1296, %get3A_1297] {strides = array<i32>} : memref<64x304xf32, #tpu.memory_space<vmem>>, vector<16xf32>,
        %add3A_1299 = vector.broadcast %add3A_1295 : i32 to vector<16xi32>
        %add3A_1300 = arith.addi %add3A_1299, %iota3A_774 : vector<16xi32>
        tpu.vector_store_idx %arg17[%add3A_1300], %get3A_1298 : memref<24576xf32, #tpu.memory_space<vmem>>[vector<16xi32>], vector<16xf32>,
        %add3A_1301 = arith.constant 1024 : i32
        %add3A_1302 = arith.addi %add3A_1219, %add3A_1301 : i32
        %add3A_1303 = arith.constant 16 : i32
        %add3A_1304 = arith.addi %add3A_1302, %add3A_1303 : i32
        %get3A_1305 = arith.index_cast %scan3A_1210 : i32 to index
        %get3A_1306 = arith.constant 144 : index
        %get3A_1307 = tpu.vector_load %arg15[%get3A_1305, %get3A_1306] {strides = array<i32>} : memref<64x304xf32, #tpu.memory_space<vmem>>, vector<16xf32>,
        %add3A_1308 = vector.broadcast %add3A_1304 : i32 to vector<16xi32>
        %add3A_1309 = arith.addi %add3A_1308, %iota3A_774 : vector<16xi32>
        tpu.vector_store_idx %arg17[%add3A_1309], %get3A_1307 : memref<24576xf32, #tpu.memory_space<vmem>>[vector<16xi32>], vector<16xf32>,
        %add3A_1310 = arith.constant 1024 : i32
        %add3A_1311 = arith.addi %add3A_1219, %add3A_1310 : i32
        %add3A_1312 = arith.constant 32 : i32
        %add3A_1313 = arith.addi %add3A_1311, %add3A_1312 : i32
        %get3A_1314 = arith.index_cast %scan3A_1210 : i32 to index
        %get3A_1315 = arith.constant 160 : index
        %get3A_1316 = tpu.vector_load %arg15[%get3A_1314, %get3A_1315] {strides = array<i32>} : memref<64x304xf32, #tpu.memory_space<vmem>>, vector<16xf32>,
        %add3A_1317 = vector.broadcast %add3A_1313 : i32 to vector<16xi32>
        %add3A_1318 = arith.addi %add3A_1317, %iota3A_774 : vector<16xi32>
        tpu.vector_store_idx %arg17[%add3A_1318], %get3A_1316 : memref<24576xf32, #tpu.memory_space<vmem>>[vector<16xi32>], vector<16xf32>,
        %add3A_1319 = arith.constant 1024 : i32
        %add3A_1320 = arith.addi %add3A_1219, %add3A_1319 : i32
        %add3A_1321 = arith.constant 48 : i32
        %add3A_1322 = arith.addi %add3A_1320, %add3A_1321 : i32
        %get3A_1323 = arith.index_cast %scan3A_1210 : i32 to index
        %get3A_1324 = arith.constant 176 : index
        %get3A_1325 = tpu.vector_load %arg15[%get3A_1323, %get3A_1324] {strides = array<i32>} : memref<64x304xf32, #tpu.memory_space<vmem>>, vector<16xf32>,
        %add3A_1326 = vector.broadcast %add3A_1322 : i32 to vector<16xi32>
        %add3A_1327 = arith.addi %add3A_1326, %iota3A_774 : vector<16xi32>
        tpu.vector_store_idx %arg17[%add3A_1327], %get3A_1325 : memref<24576xf32, #tpu.memory_space<vmem>>[vector<16xi32>], vector<16xf32>,
        %add3A_1328 = arith.constant 1024 : i32
        %add3A_1329 = arith.addi %add3A_1219, %add3A_1328 : i32
        %add3A_1330 = arith.constant 64 : i32
        %add3A_1331 = arith.addi %add3A_1329, %add3A_1330 : i32
        %get3A_1332 = arith.index_cast %scan3A_1210 : i32 to index
        %get3A_1333 = arith.constant 192 : index
        %get3A_1334 = tpu.vector_load %arg15[%get3A_1332, %get3A_1333] {strides = array<i32>} : memref<64x304xf32, #tpu.memory_space<vmem>>, vector<16xf32>,
        %add3A_1335 = vector.broadcast %add3A_1331 : i32 to vector<16xi32>
        %add3A_1336 = arith.addi %add3A_1335, %iota3A_774 : vector<16xi32>
        tpu.vector_store_idx %arg17[%add3A_1336], %get3A_1334 : memref<24576xf32, #tpu.memory_space<vmem>>[vector<16xi32>], vector<16xf32>,
        %add3A_1337 = arith.constant 1024 : i32
        %add3A_1338 = arith.addi %add3A_1219, %add3A_1337 : i32
        %add3A_1339 = arith.constant 80 : i32
        %add3A_1340 = arith.addi %add3A_1338, %add3A_1339 : i32
        %get3A_1341 = arith.index_cast %scan3A_1210 : i32 to index
        %get3A_1342 = arith.constant 208 : index
        %get3A_1343 = tpu.vector_load %arg15[%get3A_1341, %get3A_1342] {strides = array<i32>} : memref<64x304xf32, #tpu.memory_space<vmem>>, vector<16xf32>,
        %add3A_1344 = vector.broadcast %add3A_1340 : i32 to vector<16xi32>
        %add3A_1345 = arith.addi %add3A_1344, %iota3A_774 : vector<16xi32>
        tpu.vector_store_idx %arg17[%add3A_1345], %get3A_1343 : memref<24576xf32, #tpu.memory_space<vmem>>[vector<16xi32>], vector<16xf32>,
        %add3A_1346 = arith.constant 1024 : i32
        %add3A_1347 = arith.addi %add3A_1219, %add3A_1346 : i32
        %add3A_1348 = arith.constant 96 : i32
        %add3A_1349 = arith.addi %add3A_1347, %add3A_1348 : i32
        %get3A_1350 = arith.index_cast %scan3A_1210 : i32 to index
        %get3A_1351 = arith.constant 224 : index
        %get3A_1352 = tpu.vector_load %arg15[%get3A_1350, %get3A_1351] {strides = array<i32>} : memref<64x304xf32, #tpu.memory_space<vmem>>, vector<16xf32>,
        %add3A_1353 = vector.broadcast %add3A_1349 : i32 to vector<16xi32>
        %add3A_1354 = arith.addi %add3A_1353, %iota3A_774 : vector<16xi32>
        tpu.vector_store_idx %arg17[%add3A_1354], %get3A_1352 : memref<24576xf32, #tpu.memory_space<vmem>>[vector<16xi32>], vector<16xf32>,
        %add3A_1355 = arith.constant 1024 : i32
        %add3A_1356 = arith.addi %add3A_1219, %add3A_1355 : i32
        %add3A_1357 = arith.constant 112 : i32
        %add3A_1358 = arith.addi %add3A_1356, %add3A_1357 : i32
        %get3A_1359 = arith.index_cast %scan3A_1210 : i32 to index
        %get3A_1360 = arith.constant 240 : index
        %get3A_1361 = tpu.vector_load %arg15[%get3A_1359, %get3A_1360] {strides = array<i32>} : memref<64x304xf32, #tpu.memory_space<vmem>>, vector<16xf32>,
        %add3A_1362 = vector.broadcast %add3A_1358 : i32 to vector<16xi32>
        %add3A_1363 = arith.addi %add3A_1362, %iota3A_774 : vector<16xi32>
        tpu.vector_store_idx %arg17[%add3A_1363], %get3A_1361 : memref<24576xf32, #tpu.memory_space<vmem>>[vector<16xi32>], vector<16xf32>,
        %add3A_1364 = arith.constant 2048 : i32
        %add3A_1365 = arith.addi %add3A_1219, %add3A_1364 : i32
        %add3A_1366 = arith.constant 0 : i32
        %add3A_1367 = arith.addi %add3A_1365, %add3A_1366 : i32
        %get3A_1368 = arith.index_cast %scan3A_1210 : i32 to index
        %get3A_1369 = arith.constant 256 : index
        %get3A_1370 = tpu.vector_load %arg15[%get3A_1368, %get3A_1369] {strides = array<i32>} : memref<64x304xf32, #tpu.memory_space<vmem>>, vector<16xf32>,
        %add3A_1371 = vector.broadcast %add3A_1367 : i32 to vector<16xi32>
        %add3A_1372 = arith.addi %add3A_1371, %iota3A_774 : vector<16xi32>
        tpu.vector_store_idx %arg17[%add3A_1372], %get3A_1370 : memref<24576xf32, #tpu.memory_space<vmem>>[vector<16xi32>], vector<16xf32>,
        %add3A_1373 = arith.constant 2048 : i32
        %add3A_1374 = arith.addi %add3A_1219, %add3A_1373 : i32
        %add3A_1375 = arith.constant 16 : i32
        %add3A_1376 = arith.addi %add3A_1374, %add3A_1375 : i32
        %get3A_1377 = arith.index_cast %scan3A_1210 : i32 to index
        %get3A_1378 = arith.constant 272 : index
        %get3A_1379 = tpu.vector_load %arg15[%get3A_1377, %get3A_1378] {strides = array<i32>} : memref<64x304xf32, #tpu.memory_space<vmem>>, vector<16xf32>,
        %add3A_1380 = vector.broadcast %add3A_1376 : i32 to vector<16xi32>
        %add3A_1381 = arith.addi %add3A_1380, %iota3A_774 : vector<16xi32>
        tpu.vector_store_idx %arg17[%add3A_1381], %get3A_1379 : memref<24576xf32, #tpu.memory_space<vmem>>[vector<16xi32>], vector<16xf32>,
        %add3A_1382 = arith.constant 2048 : i32
        %add3A_1383 = arith.addi %add3A_1219, %add3A_1382 : i32
        %add3A_1384 = arith.constant 32 : i32
        %add3A_1385 = arith.addi %add3A_1383, %add3A_1384 : i32
        %get3A_1386 = arith.index_cast %scan3A_1210 : i32 to index
        %get3A_1387 = arith.constant 288 : index
        %get3A_1388 = tpu.vector_load %arg15[%get3A_1386, %get3A_1387] {strides = array<i32>} : memref<64x304xf32, #tpu.memory_space<vmem>>, vector<16xf32>,
        %add3A_1389 = vector.broadcast %add3A_1385 : i32 to vector<16xi32>
        %add3A_1390 = arith.addi %add3A_1389, %iota3A_774 : vector<16xi32>
        tpu.vector_store_idx %arg17[%add3A_1390], %get3A_1388 : memref<24576xf32, #tpu.memory_space<vmem>>[vector<16xi32>], vector<16xf32>,
      }
      %scan3A_780 = arith.constant 64 : i32
      %add3A_781 = arith.constant 0 : i32
      %add3A_782 = vector.broadcast %add3A_781 : i32 to vector<16xi32>
      %add3A_783 = arith.addi %iota3A_774, %add3A_782 : vector<16xi32>
      %shift_right_arithmetic3A_784 = arith.constant 3 : i32
      %shift_right_arithmetic3A_785 = vector.broadcast %shift_right_arithmetic3A_784 : i32 to vector<16xi32>
      %shift_right_arithmetic3A_786 = arith.shrsi %add3A_783, %shift_right_arithmetic3A_785 : vector<16xi32>
      %mul3A_787 = arith.constant 3072 : i32
      %mul3A_788 = vector.broadcast %mul3A_787 : i32 to vector<16xi32>
      %mul3A_789 = arith.muli %shift_right_arithmetic3A_786, %mul3A_788 : vector<16xi32>
      %add3A_790 = arith.constant 2048 : i32
      %add3A_791 = vector.broadcast %add3A_790 : i32 to vector<16xi32>
      %add3A_792 = arith.addi %mul3A_789, %add3A_791 : vector<16xi32>
      %and3A_793 = arith.constant 7 : i32
      %and3A_794 = vector.broadcast %and3A_793 : i32 to vector<16xi32>
      %and3A_795 = arith.andi %add3A_783, %and3A_794 : vector<16xi32>
      %mul3A_796 = arith.constant 128 : i32
      %mul3A_797 = vector.broadcast %mul3A_796 : i32 to vector<16xi32>
      %mul3A_798 = arith.muli %and3A_795, %mul3A_797 : vector<16xi32>
      %add3A_799 = arith.addi %add3A_792, %mul3A_798 : vector<16xi32>
      %add3A_800 = arith.constant 44 : i32
      %add3A_801 = vector.broadcast %add3A_800 : i32 to vector<16xi32>
      %add3A_802 = arith.addi %add3A_799, %add3A_801 : vector<16xi32>
      %add3A_803 = arith.constant 0 : i32
      %add3A_804 = arith.addi %mul3A_773, %add3A_803 : i32
      %get3A_805 = arith.index_cast %add3A_804 : i32 to index
      %get3A_806 = tpu.vector_load %arg10[%get3A_805] {strides = array<i32>} : memref<6400xi32, #tpu.memory_space<vmem>>, vector<16xi32>,
      %mul3A_807 = arith.constant 5 : i32
      %mul3A_808 = vector.broadcast %mul3A_807 : i32 to vector<16xi32>
      %mul3A_809 = arith.muli %get3A_806, %mul3A_808 : vector<16xi32>
      %add3A_810 = arith.constant 0 : i32
      %add3A_811 = arith.addi %mul3A_773, %add3A_810 : i32
      %get3A_812 = arith.index_cast %add3A_811 : i32 to index
      %get3A_813 = tpu.vector_load %arg11[%get3A_812] {strides = array<i32>} : memref<6400xi32, #tpu.memory_space<vmem>>, vector<16xi32>,
      %mul3A_814 = arith.constant 5 : i32
      %mul3A_815 = vector.broadcast %mul3A_814 : i32 to vector<16xi32>
      %mul3A_816 = arith.muli %get3A_813, %mul3A_815 : vector<16xi32>
      %add3A_817 = arith.constant 0 : i32
      %add3A_818 = vector.broadcast %add3A_817 : i32 to vector<16xi32>
      %add3A_819 = arith.addi %mul3A_809, %add3A_818 : vector<16xi32>
      %gather3A_820 = tpu.vector_load_idx %arg12[%add3A_819] : memref<2000xf32, #tpu.memory_space<vmem>>[vector<16xi32>], vector<16xf32>,
      %add3A_821 = arith.constant 0 : i32
      %add3A_822 = vector.broadcast %add3A_821 : i32 to vector<16xi32>
      %add3A_823 = arith.addi %add3A_802, %add3A_822 : vector<16xi32>
      tpu.vector_store_idx %arg17[%add3A_823], %gather3A_820 : memref<24576xf32, #tpu.memory_space<vmem>>[vector<16xi32>], vector<16xf32>,
      %add3A_824 = arith.constant 0 : i32
      %add3A_825 = vector.broadcast %add3A_824 : i32 to vector<16xi32>
      %add3A_826 = arith.addi %mul3A_816, %add3A_825 : vector<16xi32>
      %gather3A_827 = tpu.vector_load_idx %arg13[%add3A_826] : memref<2000xf32, #tpu.memory_space<vmem>>[vector<16xi32>], vector<16xf32>,
      %add3A_828 = arith.constant 5 : i32
      %add3A_829 = vector.broadcast %add3A_828 : i32 to vector<16xi32>
      %add3A_830 = arith.addi %add3A_802, %add3A_829 : vector<16xi32>
      tpu.vector_store_idx %arg17[%add3A_830], %gather3A_827 : memref<24576xf32, #tpu.memory_space<vmem>>[vector<16xi32>], vector<16xf32>,
      %add3A_831 = arith.constant 1 : i32
      %add3A_832 = vector.broadcast %add3A_831 : i32 to vector<16xi32>
      %add3A_833 = arith.addi %mul3A_809, %add3A_832 : vector<16xi32>
      %gather3A_834 = tpu.vector_load_idx %arg12[%add3A_833] : memref<2000xf32, #tpu.memory_space<vmem>>[vector<16xi32>], vector<16xf32>,
      %add3A_835 = arith.constant 1 : i32
      %add3A_836 = vector.broadcast %add3A_835 : i32 to vector<16xi32>
      %add3A_837 = arith.addi %add3A_802, %add3A_836 : vector<16xi32>
      tpu.vector_store_idx %arg17[%add3A_837], %gather3A_834 : memref<24576xf32, #tpu.memory_space<vmem>>[vector<16xi32>], vector<16xf32>,
      %add3A_838 = arith.constant 1 : i32
      %add3A_839 = vector.broadcast %add3A_838 : i32 to vector<16xi32>
      %add3A_840 = arith.addi %mul3A_816, %add3A_839 : vector<16xi32>
      %gather3A_841 = tpu.vector_load_idx %arg13[%add3A_840] : memref<2000xf32, #tpu.memory_space<vmem>>[vector<16xi32>], vector<16xf32>,
      %add3A_842 = arith.constant 6 : i32
      %add3A_843 = vector.broadcast %add3A_842 : i32 to vector<16xi32>
      %add3A_844 = arith.addi %add3A_802, %add3A_843 : vector<16xi32>
      tpu.vector_store_idx %arg17[%add3A_844], %gather3A_841 : memref<24576xf32, #tpu.memory_space<vmem>>[vector<16xi32>], vector<16xf32>,
      %add3A_845 = arith.constant 2 : i32
      %add3A_846 = vector.broadcast %add3A_845 : i32 to vector<16xi32>
      %add3A_847 = arith.addi %mul3A_809, %add3A_846 : vector<16xi32>
      %gather3A_848 = tpu.vector_load_idx %arg12[%add3A_847] : memref<2000xf32, #tpu.memory_space<vmem>>[vector<16xi32>], vector<16xf32>,
      %add3A_849 = arith.constant 2 : i32
      %add3A_850 = vector.broadcast %add3A_849 : i32 to vector<16xi32>
      %add3A_851 = arith.addi %add3A_802, %add3A_850 : vector<16xi32>
      tpu.vector_store_idx %arg17[%add3A_851], %gather3A_848 : memref<24576xf32, #tpu.memory_space<vmem>>[vector<16xi32>], vector<16xf32>,
      %add3A_852 = arith.constant 2 : i32
      %add3A_853 = vector.broadcast %add3A_852 : i32 to vector<16xi32>
      %add3A_854 = arith.addi %mul3A_816, %add3A_853 : vector<16xi32>
      %gather3A_855 = tpu.vector_load_idx %arg13[%add3A_854] : memref<2000xf32, #tpu.memory_space<vmem>>[vector<16xi32>], vector<16xf32>,
      %add3A_856 = arith.constant 7 : i32
      %add3A_857 = vector.broadcast %add3A_856 : i32 to vector<16xi32>
      %add3A_858 = arith.addi %add3A_802, %add3A_857 : vector<16xi32>
      tpu.vector_store_idx %arg17[%add3A_858], %gather3A_855 : memref<24576xf32, #tpu.memory_space<vmem>>[vector<16xi32>], vector<16xf32>,
      %add3A_859 = arith.constant 3 : i32
      %add3A_860 = vector.broadcast %add3A_859 : i32 to vector<16xi32>
      %add3A_861 = arith.addi %mul3A_809, %add3A_860 : vector<16xi32>
      %gather3A_862 = tpu.vector_load_idx %arg12[%add3A_861] : memref<2000xf32, #tpu.memory_space<vmem>>[vector<16xi32>], vector<16xf32>,
      %add3A_863 = arith.constant 3 : i32
      %add3A_864 = vector.broadcast %add3A_863 : i32 to vector<16xi32>
      %add3A_865 = arith.addi %add3A_802, %add3A_864 : vector<16xi32>
      tpu.vector_store_idx %arg17[%add3A_865], %gather3A_862 : memref<24576xf32, #tpu.memory_space<vmem>>[vector<16xi32>], vector<16xf32>,
      %add3A_866 = arith.constant 3 : i32
      %add3A_867 = vector.broadcast %add3A_866 : i32 to vector<16xi32>
      %add3A_868 = arith.addi %mul3A_816, %add3A_867 : vector<16xi32>
      %gather3A_869 = tpu.vector_load_idx %arg13[%add3A_868] : memref<2000xf32, #tpu.memory_space<vmem>>[vector<16xi32>], vector<16xf32>,
      %add3A_870 = arith.constant 8 : i32
      %add3A_871 = vector.broadcast %add3A_870 : i32 to vector<16xi32>
      %add3A_872 = arith.addi %add3A_802, %add3A_871 : vector<16xi32>
      tpu.vector_store_idx %arg17[%add3A_872], %gather3A_869 : memref<24576xf32, #tpu.memory_space<vmem>>[vector<16xi32>], vector<16xf32>,
      %add3A_873 = arith.constant 4 : i32
      %add3A_874 = vector.broadcast %add3A_873 : i32 to vector<16xi32>
      %add3A_875 = arith.addi %mul3A_809, %add3A_874 : vector<16xi32>
      %gather3A_876 = tpu.vector_load_idx %arg12[%add3A_875] : memref<2000xf32, #tpu.memory_space<vmem>>[vector<16xi32>], vector<16xf32>,
      %add3A_877 = arith.constant 4 : i32
      %add3A_878 = vector.broadcast %add3A_877 : i32 to vector<16xi32>
      %add3A_879 = arith.addi %add3A_802, %add3A_878 : vector<16xi32>
      tpu.vector_store_idx %arg17[%add3A_879], %gather3A_876 : memref<24576xf32, #tpu.memory_space<vmem>>[vector<16xi32>], vector<16xf32>,
      %add3A_880 = arith.constant 4 : i32
      %add3A_881 = vector.broadcast %add3A_880 : i32 to vector<16xi32>
      %add3A_882 = arith.addi %mul3A_816, %add3A_881 : vector<16xi32>
      %gather3A_883 = tpu.vector_load_idx %arg13[%add3A_882] : memref<2000xf32, #tpu.memory_space<vmem>>[vector<16xi32>], vector<16xf32>,
      %add3A_884 = arith.constant 9 : i32
      %add3A_885 = vector.broadcast %add3A_884 : i32 to vector<16xi32>
      %add3A_886 = arith.addi %add3A_802, %add3A_885 : vector<16xi32>
      tpu.vector_store_idx %arg17[%add3A_886], %gather3A_883 : memref<24576xf32, #tpu.memory_space<vmem>>[vector<16xi32>], vector<16xf32>,
      %add3A_887 = arith.constant 16 : i32
      %add3A_888 = vector.broadcast %add3A_887 : i32 to vector<16xi32>
      %add3A_889 = arith.addi %iota3A_774, %add3A_888 : vector<16xi32>
      %shift_right_arithmetic3A_890 = arith.constant 3 : i32
      %shift_right_arithmetic3A_891 = vector.broadcast %shift_right_arithmetic3A_890 : i32 to vector<16xi32>
      %shift_right_arithmetic3A_892 = arith.shrsi %add3A_889, %shift_right_arithmetic3A_891 : vector<16xi32>
      %mul3A_893 = arith.constant 3072 : i32
      %mul3A_894 = vector.broadcast %mul3A_893 : i32 to vector<16xi32>
      %mul3A_895 = arith.muli %shift_right_arithmetic3A_892, %mul3A_894 : vector<16xi32>
      %add3A_896 = arith.constant 2048 : i32
      %add3A_897 = vector.broadcast %add3A_896 : i32 to vector<16xi32>
      %add3A_898 = arith.addi %mul3A_895, %add3A_897 : vector<16xi32>
      %and3A_899 = arith.constant 7 : i32
      %and3A_900 = vector.broadcast %and3A_899 : i32 to vector<16xi32>
      %and3A_901 = arith.andi %add3A_889, %and3A_900 : vector<16xi32>
      %mul3A_902 = arith.constant 128 : i32
      %mul3A_903 = vector.broadcast %mul3A_902 : i32 to vector<16xi32>
      %mul3A_904 = arith.muli %and3A_901, %mul3A_903 : vector<16xi32>
      %add3A_905 = arith.addi %add3A_898, %mul3A_904 : vector<16xi32>
      %add3A_906 = arith.constant 44 : i32
      %add3A_907 = vector.broadcast %add3A_906 : i32 to vector<16xi32>
      %add3A_908 = arith.addi %add3A_905, %add3A_907 : vector<16xi32>
      %add3A_909 = arith.constant 16 : i32
      %add3A_910 = arith.addi %mul3A_773, %add3A_909 : i32
      %get3A_911 = arith.index_cast %add3A_910 : i32 to index
      %get3A_912 = tpu.vector_load %arg10[%get3A_911] {strides = array<i32>} : memref<6400xi32, #tpu.memory_space<vmem>>, vector<16xi32>,
      %mul3A_913 = arith.constant 5 : i32
      %mul3A_914 = vector.broadcast %mul3A_913 : i32 to vector<16xi32>
      %mul3A_915 = arith.muli %get3A_912, %mul3A_914 : vector<16xi32>
      %add3A_916 = arith.constant 16 : i32
      %add3A_917 = arith.addi %mul3A_773, %add3A_916 : i32
      %get3A_918 = arith.index_cast %add3A_917 : i32 to index
      %get3A_919 = tpu.vector_load %arg11[%get3A_918] {strides = array<i32>} : memref<6400xi32, #tpu.memory_space<vmem>>, vector<16xi32>,
      %mul3A_920 = arith.constant 5 : i32
      %mul3A_921 = vector.broadcast %mul3A_920 : i32 to vector<16xi32>
      %mul3A_922 = arith.muli %get3A_919, %mul3A_921 : vector<16xi32>
      %add3A_923 = arith.constant 0 : i32
      %add3A_924 = vector.broadcast %add3A_923 : i32 to vector<16xi32>
      %add3A_925 = arith.addi %mul3A_915, %add3A_924 : vector<16xi32>
      %gather3A_926 = tpu.vector_load_idx %arg12[%add3A_925] : memref<2000xf32, #tpu.memory_space<vmem>>[vector<16xi32>], vector<16xf32>,
      %add3A_927 = arith.constant 0 : i32
      %add3A_928 = vector.broadcast %add3A_927 : i32 to vector<16xi32>
      %add3A_929 = arith.addi %add3A_908, %add3A_928 : vector<16xi32>
      tpu.vector_store_idx %arg17[%add3A_929], %gather3A_926 : memref<24576xf32, #tpu.memory_space<vmem>>[vector<16xi32>], vector<16xf32>,
      %add3A_930 = arith.constant 0 : i32
      %add3A_931 = vector.broadcast %add3A_930 : i32 to vector<16xi32>
      %add3A_932 = arith.addi %mul3A_922, %add3A_931 : vector<16xi32>
      %gather3A_933 = tpu.vector_load_idx %arg13[%add3A_932] : memref<2000xf32, #tpu.memory_space<vmem>>[vector<16xi32>], vector<16xf32>,
      %add3A_934 = arith.constant 5 : i32
      %add3A_935 = vector.broadcast %add3A_934 : i32 to vector<16xi32>
      %add3A_936 = arith.addi %add3A_908, %add3A_935 : vector<16xi32>
      tpu.vector_store_idx %arg17[%add3A_936], %gather3A_933 : memref<24576xf32, #tpu.memory_space<vmem>>[vector<16xi32>], vector<16xf32>,
      %add3A_937 = arith.constant 1 : i32
      %add3A_938 = vector.broadcast %add3A_937 : i32 to vector<16xi32>
      %add3A_939 = arith.addi %mul3A_915, %add3A_938 : vector<16xi32>
      %gather3A_940 = tpu.vector_load_idx %arg12[%add3A_939] : memref<2000xf32, #tpu.memory_space<vmem>>[vector<16xi32>], vector<16xf32>,
      %add3A_941 = arith.constant 1 : i32
      %add3A_942 = vector.broadcast %add3A_941 : i32 to vector<16xi32>
      %add3A_943 = arith.addi %add3A_908, %add3A_942 : vector<16xi32>
      tpu.vector_store_idx %arg17[%add3A_943], %gather3A_940 : memref<24576xf32, #tpu.memory_space<vmem>>[vector<16xi32>], vector<16xf32>,
      %add3A_944 = arith.constant 1 : i32
      %add3A_945 = vector.broadcast %add3A_944 : i32 to vector<16xi32>
      %add3A_946 = arith.addi %mul3A_922, %add3A_945 : vector<16xi32>
      %gather3A_947 = tpu.vector_load_idx %arg13[%add3A_946] : memref<2000xf32, #tpu.memory_space<vmem>>[vector<16xi32>], vector<16xf32>,
      %add3A_948 = arith.constant 6 : i32
      %add3A_949 = vector.broadcast %add3A_948 : i32 to vector<16xi32>
      %add3A_950 = arith.addi %add3A_908, %add3A_949 : vector<16xi32>
      tpu.vector_store_idx %arg17[%add3A_950], %gather3A_947 : memref<24576xf32, #tpu.memory_space<vmem>>[vector<16xi32>], vector<16xf32>,
      %add3A_951 = arith.constant 2 : i32
      %add3A_952 = vector.broadcast %add3A_951 : i32 to vector<16xi32>
      %add3A_953 = arith.addi %mul3A_915, %add3A_952 : vector<16xi32>
      %gather3A_954 = tpu.vector_load_idx %arg12[%add3A_953] : memref<2000xf32, #tpu.memory_space<vmem>>[vector<16xi32>], vector<16xf32>,
      %add3A_955 = arith.constant 2 : i32
      %add3A_956 = vector.broadcast %add3A_955 : i32 to vector<16xi32>
      %add3A_957 = arith.addi %add3A_908, %add3A_956 : vector<16xi32>
      tpu.vector_store_idx %arg17[%add3A_957], %gather3A_954 : memref<24576xf32, #tpu.memory_space<vmem>>[vector<16xi32>], vector<16xf32>,
      %add3A_958 = arith.constant 2 : i32
      %add3A_959 = vector.broadcast %add3A_958 : i32 to vector<16xi32>
      %add3A_960 = arith.addi %mul3A_922, %add3A_959 : vector<16xi32>
      %gather3A_961 = tpu.vector_load_idx %arg13[%add3A_960] : memref<2000xf32, #tpu.memory_space<vmem>>[vector<16xi32>], vector<16xf32>,
      %add3A_962 = arith.constant 7 : i32
      %add3A_963 = vector.broadcast %add3A_962 : i32 to vector<16xi32>
      %add3A_964 = arith.addi %add3A_908, %add3A_963 : vector<16xi32>
      tpu.vector_store_idx %arg17[%add3A_964], %gather3A_961 : memref<24576xf32, #tpu.memory_space<vmem>>[vector<16xi32>], vector<16xf32>,
      %add3A_965 = arith.constant 3 : i32
      %add3A_966 = vector.broadcast %add3A_965 : i32 to vector<16xi32>
      %add3A_967 = arith.addi %mul3A_915, %add3A_966 : vector<16xi32>
      %gather3A_968 = tpu.vector_load_idx %arg12[%add3A_967] : memref<2000xf32, #tpu.memory_space<vmem>>[vector<16xi32>], vector<16xf32>,
      %add3A_969 = arith.constant 3 : i32
      %add3A_970 = vector.broadcast %add3A_969 : i32 to vector<16xi32>
      %add3A_971 = arith.addi %add3A_908, %add3A_970 : vector<16xi32>
      tpu.vector_store_idx %arg17[%add3A_971], %gather3A_968 : memref<24576xf32, #tpu.memory_space<vmem>>[vector<16xi32>], vector<16xf32>,
      %add3A_972 = arith.constant 3 : i32
      %add3A_973 = vector.broadcast %add3A_972 : i32 to vector<16xi32>
      %add3A_974 = arith.addi %mul3A_922, %add3A_973 : vector<16xi32>
      %gather3A_975 = tpu.vector_load_idx %arg13[%add3A_974] : memref<2000xf32, #tpu.memory_space<vmem>>[vector<16xi32>], vector<16xf32>,
      %add3A_976 = arith.constant 8 : i32
      %add3A_977 = vector.broadcast %add3A_976 : i32 to vector<16xi32>
      %add3A_978 = arith.addi %add3A_908, %add3A_977 : vector<16xi32>
      tpu.vector_store_idx %arg17[%add3A_978], %gather3A_975 : memref<24576xf32, #tpu.memory_space<vmem>>[vector<16xi32>], vector<16xf32>,
      %add3A_979 = arith.constant 4 : i32
      %add3A_980 = vector.broadcast %add3A_979 : i32 to vector<16xi32>
      %add3A_981 = arith.addi %mul3A_915, %add3A_980 : vector<16xi32>
      %gather3A_982 = tpu.vector_load_idx %arg12[%add3A_981] : memref<2000xf32, #tpu.memory_space<vmem>>[vector<16xi32>], vector<16xf32>,
      %add3A_983 = arith.constant 4 : i32
      %add3A_984 = vector.broadcast %add3A_983 : i32 to vector<16xi32>
      %add3A_985 = arith.addi %add3A_908, %add3A_984 : vector<16xi32>
      tpu.vector_store_idx %arg17[%add3A_985], %gather3A_982 : memref<24576xf32, #tpu.memory_space<vmem>>[vector<16xi32>], vector<16xf32>,
      %add3A_986 = arith.constant 4 : i32
      %add3A_987 = vector.broadcast %add3A_986 : i32 to vector<16xi32>
      %add3A_988 = arith.addi %mul3A_922, %add3A_987 : vector<16xi32>
      %gather3A_989 = tpu.vector_load_idx %arg13[%add3A_988] : memref<2000xf32, #tpu.memory_space<vmem>>[vector<16xi32>], vector<16xf32>,
      %add3A_990 = arith.constant 9 : i32
      %add3A_991 = vector.broadcast %add3A_990 : i32 to vector<16xi32>
      %add3A_992 = arith.addi %add3A_908, %add3A_991 : vector<16xi32>
      tpu.vector_store_idx %arg17[%add3A_992], %gather3A_989 : memref<24576xf32, #tpu.memory_space<vmem>>[vector<16xi32>], vector<16xf32>,
      %add3A_993 = arith.constant 32 : i32
      %add3A_994 = vector.broadcast %add3A_993 : i32 to vector<16xi32>
      %add3A_995 = arith.addi %iota3A_774, %add3A_994 : vector<16xi32>
      %shift_right_arithmetic3A_996 = arith.constant 3 : i32
      %shift_right_arithmetic3A_997 = vector.broadcast %shift_right_arithmetic3A_996 : i32 to vector<16xi32>
      %shift_right_arithmetic3A_998 = arith.shrsi %add3A_995, %shift_right_arithmetic3A_997 : vector<16xi32>
      %mul3A_999 = arith.constant 3072 : i32
      %mul3A_1000 = vector.broadcast %mul3A_999 : i32 to vector<16xi32>
      %mul3A_1001 = arith.muli %shift_right_arithmetic3A_998, %mul3A_1000 : vector<16xi32>
      %add3A_1002 = arith.constant 2048 : i32
      %add3A_1003 = vector.broadcast %add3A_1002 : i32 to vector<16xi32>
      %add3A_1004 = arith.addi %mul3A_1001, %add3A_1003 : vector<16xi32>
      %and3A_1005 = arith.constant 7 : i32
      %and3A_1006 = vector.broadcast %and3A_1005 : i32 to vector<16xi32>
      %and3A_1007 = arith.andi %add3A_995, %and3A_1006 : vector<16xi32>
      %mul3A_1008 = arith.constant 128 : i32
      %mul3A_1009 = vector.broadcast %mul3A_1008 : i32 to vector<16xi32>
      %mul3A_1010 = arith.muli %and3A_1007, %mul3A_1009 : vector<16xi32>
      %add3A_1011 = arith.addi %add3A_1004, %mul3A_1010 : vector<16xi32>
      %add3A_1012 = arith.constant 44 : i32
      %add3A_1013 = vector.broadcast %add3A_1012 : i32 to vector<16xi32>
      %add3A_1014 = arith.addi %add3A_1011, %add3A_1013 : vector<16xi32>
      %add3A_1015 = arith.constant 32 : i32
      %add3A_1016 = arith.addi %mul3A_773, %add3A_1015 : i32
      %get3A_1017 = arith.index_cast %add3A_1016 : i32 to index
      %get3A_1018 = tpu.vector_load %arg10[%get3A_1017] {strides = array<i32>} : memref<6400xi32, #tpu.memory_space<vmem>>, vector<16xi32>,
      %mul3A_1019 = arith.constant 5 : i32
      %mul3A_1020 = vector.broadcast %mul3A_1019 : i32 to vector<16xi32>
      %mul3A_1021 = arith.muli %get3A_1018, %mul3A_1020 : vector<16xi32>
      %add3A_1022 = arith.constant 32 : i32
      %add3A_1023 = arith.addi %mul3A_773, %add3A_1022 : i32
      %get3A_1024 = arith.index_cast %add3A_1023 : i32 to index
      %get3A_1025 = tpu.vector_load %arg11[%get3A_1024] {strides = array<i32>} : memref<6400xi32, #tpu.memory_space<vmem>>, vector<16xi32>,
      %mul3A_1026 = arith.constant 5 : i32
      %mul3A_1027 = vector.broadcast %mul3A_1026 : i32 to vector<16xi32>
      %mul3A_1028 = arith.muli %get3A_1025, %mul3A_1027 : vector<16xi32>
      %add3A_1029 = arith.constant 0 : i32
      %add3A_1030 = vector.broadcast %add3A_1029 : i32 to vector<16xi32>
      %add3A_1031 = arith.addi %mul3A_1021, %add3A_1030 : vector<16xi32>
      %gather3A_1032 = tpu.vector_load_idx %arg12[%add3A_1031] : memref<2000xf32, #tpu.memory_space<vmem>>[vector<16xi32>], vector<16xf32>,
      %add3A_1033 = arith.constant 0 : i32
      %add3A_1034 = vector.broadcast %add3A_1033 : i32 to vector<16xi32>
      %add3A_1035 = arith.addi %add3A_1014, %add3A_1034 : vector<16xi32>
      tpu.vector_store_idx %arg17[%add3A_1035], %gather3A_1032 : memref<24576xf32, #tpu.memory_space<vmem>>[vector<16xi32>], vector<16xf32>,
      %add3A_1036 = arith.constant 0 : i32
      %add3A_1037 = vector.broadcast %add3A_1036 : i32 to vector<16xi32>
      %add3A_1038 = arith.addi %mul3A_1028, %add3A_1037 : vector<16xi32>
      %gather3A_1039 = tpu.vector_load_idx %arg13[%add3A_1038] : memref<2000xf32, #tpu.memory_space<vmem>>[vector<16xi32>], vector<16xf32>,
      %add3A_1040 = arith.constant 5 : i32
      %add3A_1041 = vector.broadcast %add3A_1040 : i32 to vector<16xi32>
      %add3A_1042 = arith.addi %add3A_1014, %add3A_1041 : vector<16xi32>
      tpu.vector_store_idx %arg17[%add3A_1042], %gather3A_1039 : memref<24576xf32, #tpu.memory_space<vmem>>[vector<16xi32>], vector<16xf32>,
      %add3A_1043 = arith.constant 1 : i32
      %add3A_1044 = vector.broadcast %add3A_1043 : i32 to vector<16xi32>
      %add3A_1045 = arith.addi %mul3A_1021, %add3A_1044 : vector<16xi32>
      %gather3A_1046 = tpu.vector_load_idx %arg12[%add3A_1045] : memref<2000xf32, #tpu.memory_space<vmem>>[vector<16xi32>], vector<16xf32>,
      %add3A_1047 = arith.constant 1 : i32
      %add3A_1048 = vector.broadcast %add3A_1047 : i32 to vector<16xi32>
      %add3A_1049 = arith.addi %add3A_1014, %add3A_1048 : vector<16xi32>
      tpu.vector_store_idx %arg17[%add3A_1049], %gather3A_1046 : memref<24576xf32, #tpu.memory_space<vmem>>[vector<16xi32>], vector<16xf32>,
      %add3A_1050 = arith.constant 1 : i32
      %add3A_1051 = vector.broadcast %add3A_1050 : i32 to vector<16xi32>
      %add3A_1052 = arith.addi %mul3A_1028, %add3A_1051 : vector<16xi32>
      %gather3A_1053 = tpu.vector_load_idx %arg13[%add3A_1052] : memref<2000xf32, #tpu.memory_space<vmem>>[vector<16xi32>], vector<16xf32>,
      %add3A_1054 = arith.constant 6 : i32
      %add3A_1055 = vector.broadcast %add3A_1054 : i32 to vector<16xi32>
      %add3A_1056 = arith.addi %add3A_1014, %add3A_1055 : vector<16xi32>
      tpu.vector_store_idx %arg17[%add3A_1056], %gather3A_1053 : memref<24576xf32, #tpu.memory_space<vmem>>[vector<16xi32>], vector<16xf32>,
      %add3A_1057 = arith.constant 2 : i32
      %add3A_1058 = vector.broadcast %add3A_1057 : i32 to vector<16xi32>
      %add3A_1059 = arith.addi %mul3A_1021, %add3A_1058 : vector<16xi32>
      %gather3A_1060 = tpu.vector_load_idx %arg12[%add3A_1059] : memref<2000xf32, #tpu.memory_space<vmem>>[vector<16xi32>], vector<16xf32>,
      %add3A_1061 = arith.constant 2 : i32
      %add3A_1062 = vector.broadcast %add3A_1061 : i32 to vector<16xi32>
      %add3A_1063 = arith.addi %add3A_1014, %add3A_1062 : vector<16xi32>
      tpu.vector_store_idx %arg17[%add3A_1063], %gather3A_1060 : memref<24576xf32, #tpu.memory_space<vmem>>[vector<16xi32>], vector<16xf32>,
      %add3A_1064 = arith.constant 2 : i32
      %add3A_1065 = vector.broadcast %add3A_1064 : i32 to vector<16xi32>
      %add3A_1066 = arith.addi %mul3A_1028, %add3A_1065 : vector<16xi32>
      %gather3A_1067 = tpu.vector_load_idx %arg13[%add3A_1066] : memref<2000xf32, #tpu.memory_space<vmem>>[vector<16xi32>], vector<16xf32>,
      %add3A_1068 = arith.constant 7 : i32
      %add3A_1069 = vector.broadcast %add3A_1068 : i32 to vector<16xi32>
      %add3A_1070 = arith.addi %add3A_1014, %add3A_1069 : vector<16xi32>
      tpu.vector_store_idx %arg17[%add3A_1070], %gather3A_1067 : memref<24576xf32, #tpu.memory_space<vmem>>[vector<16xi32>], vector<16xf32>,
      %add3A_1071 = arith.constant 3 : i32
      %add3A_1072 = vector.broadcast %add3A_1071 : i32 to vector<16xi32>
      %add3A_1073 = arith.addi %mul3A_1021, %add3A_1072 : vector<16xi32>
      %gather3A_1074 = tpu.vector_load_idx %arg12[%add3A_1073] : memref<2000xf32, #tpu.memory_space<vmem>>[vector<16xi32>], vector<16xf32>,
      %add3A_1075 = arith.constant 3 : i32
      %add3A_1076 = vector.broadcast %add3A_1075 : i32 to vector<16xi32>
      %add3A_1077 = arith.addi %add3A_1014, %add3A_1076 : vector<16xi32>
      tpu.vector_store_idx %arg17[%add3A_1077], %gather3A_1074 : memref<24576xf32, #tpu.memory_space<vmem>>[vector<16xi32>], vector<16xf32>,
      %add3A_1078 = arith.constant 3 : i32
      %add3A_1079 = vector.broadcast %add3A_1078 : i32 to vector<16xi32>
      %add3A_1080 = arith.addi %mul3A_1028, %add3A_1079 : vector<16xi32>
      %gather3A_1081 = tpu.vector_load_idx %arg13[%add3A_1080] : memref<2000xf32, #tpu.memory_space<vmem>>[vector<16xi32>], vector<16xf32>,
      %add3A_1082 = arith.constant 8 : i32
      %add3A_1083 = vector.broadcast %add3A_1082 : i32 to vector<16xi32>
      %add3A_1084 = arith.addi %add3A_1014, %add3A_1083 : vector<16xi32>
      tpu.vector_store_idx %arg17[%add3A_1084], %gather3A_1081 : memref<24576xf32, #tpu.memory_space<vmem>>[vector<16xi32>], vector<16xf32>,
      %add3A_1085 = arith.constant 4 : i32
      %add3A_1086 = vector.broadcast %add3A_1085 : i32 to vector<16xi32>
      %add3A_1087 = arith.addi %mul3A_1021, %add3A_1086 : vector<16xi32>
      %gather3A_1088 = tpu.vector_load_idx %arg12[%add3A_1087] : memref<2000xf32, #tpu.memory_space<vmem>>[vector<16xi32>], vector<16xf32>,
      %add3A_1089 = arith.constant 4 : i32
      %add3A_1090 = vector.broadcast %add3A_1089 : i32 to vector<16xi32>
      %add3A_1091 = arith.addi %add3A_1014, %add3A_1090 : vector<16xi32>
      tpu.vector_store_idx %arg17[%add3A_1091], %gather3A_1088 : memref<24576xf32, #tpu.memory_space<vmem>>[vector<16xi32>], vector<16xf32>,
      %add3A_1092 = arith.constant 4 : i32
      %add3A_1093 = vector.broadcast %add3A_1092 : i32 to vector<16xi32>
      %add3A_1094 = arith.addi %mul3A_1028, %add3A_1093 : vector<16xi32>
      %gather3A_1095 = tpu.vector_load_idx %arg13[%add3A_1094] : memref<2000xf32, #tpu.memory_space<vmem>>[vector<16xi32>], vector<16xf32>,
      %add3A_1096 = arith.constant 9 : i32
      %add3A_1097 = vector.broadcast %add3A_1096 : i32 to vector<16xi32>
      %add3A_1098 = arith.addi %add3A_1014, %add3A_1097 : vector<16xi32>
      tpu.vector_store_idx %arg17[%add3A_1098], %gather3A_1095 : memref<24576xf32, #tpu.memory_space<vmem>>[vector<16xi32>], vector<16xf32>,
      %add3A_1099 = arith.constant 48 : i32
      %add3A_1100 = vector.broadcast %add3A_1099 : i32 to vector<16xi32>
      %add3A_1101 = arith.addi %iota3A_774, %add3A_1100 : vector<16xi32>
      %shift_right_arithmetic3A_1102 = arith.constant 3 : i32
      %shift_right_arithmetic3A_1103 = vector.broadcast %shift_right_arithmetic3A_1102 : i32 to vector<16xi32>
      %shift_right_arithmetic3A_1104 = arith.shrsi %add3A_1101, %shift_right_arithmetic3A_1103 : vector<16xi32>
      %mul3A_1105 = arith.constant 3072 : i32
      %mul3A_1106 = vector.broadcast %mul3A_1105 : i32 to vector<16xi32>
      %mul3A_1107 = arith.muli %shift_right_arithmetic3A_1104, %mul3A_1106 : vector<16xi32>
      %add3A_1108 = arith.constant 2048 : i32
      %add3A_1109 = vector.broadcast %add3A_1108 : i32 to vector<16xi32>
      %add3A_1110 = arith.addi %mul3A_1107, %add3A_1109 : vector<16xi32>
      %and3A_1111 = arith.constant 7 : i32
      %and3A_1112 = vector.broadcast %and3A_1111 : i32 to vector<16xi32>
      %and3A_1113 = arith.andi %add3A_1101, %and3A_1112 : vector<16xi32>
      %mul3A_1114 = arith.constant 128 : i32
      %mul3A_1115 = vector.broadcast %mul3A_1114 : i32 to vector<16xi32>
      %mul3A_1116 = arith.muli %and3A_1113, %mul3A_1115 : vector<16xi32>
      %add3A_1117 = arith.addi %add3A_1110, %mul3A_1116 : vector<16xi32>
      %add3A_1118 = arith.constant 44 : i32
      %add3A_1119 = vector.broadcast %add3A_1118 : i32 to vector<16xi32>
      %add3A_1120 = arith.addi %add3A_1117, %add3A_1119 : vector<16xi32>
      %add3A_1121 = arith.constant 48 : i32
      %add3A_1122 = arith.addi %mul3A_773, %add3A_1121 : i32
      %get3A_1123 = arith.index_cast %add3A_1122 : i32 to index
      %get3A_1124 = tpu.vector_load %arg10[%get3A_1123] {strides = array<i32>} : memref<6400xi32, #tpu.memory_space<vmem>>, vector<16xi32>,
      %mul3A_1125 = arith.constant 5 : i32
      %mul3A_1126 = vector.broadcast %mul3A_1125 : i32 to vector<16xi32>
      %mul3A_1127 = arith.muli %get3A_1124, %mul3A_1126 : vector<16xi32>
      %add3A_1128 = arith.constant 48 : i32
      %add3A_1129 = arith.addi %mul3A_773, %add3A_1128 : i32
      %get3A_1130 = arith.index_cast %add3A_1129 : i32 to index
      %get3A_1131 = tpu.vector_load %arg11[%get3A_1130] {strides = array<i32>} : memref<6400xi32, #tpu.memory_space<vmem>>, vector<16xi32>,
      %mul3A_1132 = arith.constant 5 : i32
      %mul3A_1133 = vector.broadcast %mul3A_1132 : i32 to vector<16xi32>
      %mul3A_1134 = arith.muli %get3A_1131, %mul3A_1133 : vector<16xi32>
      %add3A_1135 = arith.constant 0 : i32
      %add3A_1136 = vector.broadcast %add3A_1135 : i32 to vector<16xi32>
      %add3A_1137 = arith.addi %mul3A_1127, %add3A_1136 : vector<16xi32>
      %gather3A_1138 = tpu.vector_load_idx %arg12[%add3A_1137] : memref<2000xf32, #tpu.memory_space<vmem>>[vector<16xi32>], vector<16xf32>,
      %add3A_1139 = arith.constant 0 : i32
      %add3A_1140 = vector.broadcast %add3A_1139 : i32 to vector<16xi32>
      %add3A_1141 = arith.addi %add3A_1120, %add3A_1140 : vector<16xi32>
      tpu.vector_store_idx %arg17[%add3A_1141], %gather3A_1138 : memref<24576xf32, #tpu.memory_space<vmem>>[vector<16xi32>], vector<16xf32>,
      %add3A_1142 = arith.constant 0 : i32
      %add3A_1143 = vector.broadcast %add3A_1142 : i32 to vector<16xi32>
      %add3A_1144 = arith.addi %mul3A_1134, %add3A_1143 : vector<16xi32>
      %gather3A_1145 = tpu.vector_load_idx %arg13[%add3A_1144] : memref<2000xf32, #tpu.memory_space<vmem>>[vector<16xi32>], vector<16xf32>,
      %add3A_1146 = arith.constant 5 : i32
      %add3A_1147 = vector.broadcast %add3A_1146 : i32 to vector<16xi32>
      %add3A_1148 = arith.addi %add3A_1120, %add3A_1147 : vector<16xi32>
      tpu.vector_store_idx %arg17[%add3A_1148], %gather3A_1145 : memref<24576xf32, #tpu.memory_space<vmem>>[vector<16xi32>], vector<16xf32>,
      %add3A_1149 = arith.constant 1 : i32
      %add3A_1150 = vector.broadcast %add3A_1149 : i32 to vector<16xi32>
      %add3A_1151 = arith.addi %mul3A_1127, %add3A_1150 : vector<16xi32>
      %gather3A_1152 = tpu.vector_load_idx %arg12[%add3A_1151] : memref<2000xf32, #tpu.memory_space<vmem>>[vector<16xi32>], vector<16xf32>,
      %add3A_1153 = arith.constant 1 : i32
      %add3A_1154 = vector.broadcast %add3A_1153 : i32 to vector<16xi32>
      %add3A_1155 = arith.addi %add3A_1120, %add3A_1154 : vector<16xi32>
      tpu.vector_store_idx %arg17[%add3A_1155], %gather3A_1152 : memref<24576xf32, #tpu.memory_space<vmem>>[vector<16xi32>], vector<16xf32>,
      %add3A_1156 = arith.constant 1 : i32
      %add3A_1157 = vector.broadcast %add3A_1156 : i32 to vector<16xi32>
      %add3A_1158 = arith.addi %mul3A_1134, %add3A_1157 : vector<16xi32>
      %gather3A_1159 = tpu.vector_load_idx %arg13[%add3A_1158] : memref<2000xf32, #tpu.memory_space<vmem>>[vector<16xi32>], vector<16xf32>,
      %add3A_1160 = arith.constant 6 : i32
      %add3A_1161 = vector.broadcast %add3A_1160 : i32 to vector<16xi32>
      %add3A_1162 = arith.addi %add3A_1120, %add3A_1161 : vector<16xi32>
      tpu.vector_store_idx %arg17[%add3A_1162], %gather3A_1159 : memref<24576xf32, #tpu.memory_space<vmem>>[vector<16xi32>], vector<16xf32>,
      %add3A_1163 = arith.constant 2 : i32
      %add3A_1164 = vector.broadcast %add3A_1163 : i32 to vector<16xi32>
      %add3A_1165 = arith.addi %mul3A_1127, %add3A_1164 : vector<16xi32>
      %gather3A_1166 = tpu.vector_load_idx %arg12[%add3A_1165] : memref<2000xf32, #tpu.memory_space<vmem>>[vector<16xi32>], vector<16xf32>,
      %add3A_1167 = arith.constant 2 : i32
      %add3A_1168 = vector.broadcast %add3A_1167 : i32 to vector<16xi32>
      %add3A_1169 = arith.addi %add3A_1120, %add3A_1168 : vector<16xi32>
      tpu.vector_store_idx %arg17[%add3A_1169], %gather3A_1166 : memref<24576xf32, #tpu.memory_space<vmem>>[vector<16xi32>], vector<16xf32>,
      %add3A_1170 = arith.constant 2 : i32
      %add3A_1171 = vector.broadcast %add3A_1170 : i32 to vector<16xi32>
      %add3A_1172 = arith.addi %mul3A_1134, %add3A_1171 : vector<16xi32>
      %gather3A_1173 = tpu.vector_load_idx %arg13[%add3A_1172] : memref<2000xf32, #tpu.memory_space<vmem>>[vector<16xi32>], vector<16xf32>,
      %add3A_1174 = arith.constant 7 : i32
      %add3A_1175 = vector.broadcast %add3A_1174 : i32 to vector<16xi32>
      %add3A_1176 = arith.addi %add3A_1120, %add3A_1175 : vector<16xi32>
      tpu.vector_store_idx %arg17[%add3A_1176], %gather3A_1173 : memref<24576xf32, #tpu.memory_space<vmem>>[vector<16xi32>], vector<16xf32>,
      %add3A_1177 = arith.constant 3 : i32
      %add3A_1178 = vector.broadcast %add3A_1177 : i32 to vector<16xi32>
      %add3A_1179 = arith.addi %mul3A_1127, %add3A_1178 : vector<16xi32>
      %gather3A_1180 = tpu.vector_load_idx %arg12[%add3A_1179] : memref<2000xf32, #tpu.memory_space<vmem>>[vector<16xi32>], vector<16xf32>,
      %add3A_1181 = arith.constant 3 : i32
      %add3A_1182 = vector.broadcast %add3A_1181 : i32 to vector<16xi32>
      %add3A_1183 = arith.addi %add3A_1120, %add3A_1182 : vector<16xi32>
      tpu.vector_store_idx %arg17[%add3A_1183], %gather3A_1180 : memref<24576xf32, #tpu.memory_space<vmem>>[vector<16xi32>], vector<16xf32>,
      %add3A_1184 = arith.constant 3 : i32
      %add3A_1185 = vector.broadcast %add3A_1184 : i32 to vector<16xi32>
      %add3A_1186 = arith.addi %mul3A_1134, %add3A_1185 : vector<16xi32>
      %gather3A_1187 = tpu.vector_load_idx %arg13[%add3A_1186] : memref<2000xf32, #tpu.memory_space<vmem>>[vector<16xi32>], vector<16xf32>,
      %add3A_1188 = arith.constant 8 : i32
      %add3A_1189 = vector.broadcast %add3A_1188 : i32 to vector<16xi32>
      %add3A_1190 = arith.addi %add3A_1120, %add3A_1189 : vector<16xi32>
      tpu.vector_store_idx %arg17[%add3A_1190], %gather3A_1187 : memref<24576xf32, #tpu.memory_space<vmem>>[vector<16xi32>], vector<16xf32>,
      %add3A_1191 = arith.constant 4 : i32
      %add3A_1192 = vector.broadcast %add3A_1191 : i32 to vector<16xi32>
      %add3A_1193 = arith.addi %mul3A_1127, %add3A_1192 : vector<16xi32>
      %gather3A_1194 = tpu.vector_load_idx %arg12[%add3A_1193] : memref<2000xf32, #tpu.memory_space<vmem>>[vector<16xi32>], vector<16xf32>,
      %add3A_1195 = arith.constant 4 : i32
      %add3A_1196 = vector.broadcast %add3A_1195 : i32 to vector<16xi32>
      %add3A_1197 = arith.addi %add3A_1120, %add3A_1196 : vector<16xi32>
      tpu.vector_store_idx %arg17[%add3A_1197], %gather3A_1194 : memref<24576xf32, #tpu.memory_space<vmem>>[vector<16xi32>], vector<16xf32>,
      %add3A_1198 = arith.constant 4 : i32
      %add3A_1199 = vector.broadcast %add3A_1198 : i32 to vector<16xi32>
      %add3A_1200 = arith.addi %mul3A_1134, %add3A_1199 : vector<16xi32>
      %gather3A_1201 = tpu.vector_load_idx %arg13[%add3A_1200] : memref<2000xf32, #tpu.memory_space<vmem>>[vector<16xi32>], vector<16xf32>,
      %add3A_1202 = arith.constant 9 : i32
      %add3A_1203 = vector.broadcast %add3A_1202 : i32 to vector<16xi32>
      %add3A_1204 = arith.addi %add3A_1120, %add3A_1203 : vector<16xi32>
      tpu.vector_store_idx %arg17[%add3A_1204], %gather3A_1201 : memref<24576xf32, #tpu.memory_space<vmem>>[vector<16xi32>], vector<16xf32>,
      %mul3A_1205 = arith.constant 24576 : i32
      %mul3A_1206 = arith.muli %add3A_753, %mul3A_1205 : i32
      %add3A_1207 = arith.addi %mul3A_4, %mul3A_1206 : i32
      %dma_start3A_1208 = tpu.memref_slice %arg8[%add3A_1207] : memref<78643200xf32, #tpu.memory_space<hbm>> -> memref<24576xf32, #tpu.memory_space<hbm>>
      %dma_start3A_1209 = tpu.memref_slice %arg8[%add3A_1207] : memref<78643200xf32, #tpu.memory_space<hbm>> -> memref<24576xf32, #tpu.memory_space<hbm>>
      tpu.enqueue_dma source(%arg17 : memref<24576xf32, #tpu.memory_space<vmem>>) target(%dma_start3A_1209 : memref<24576xf32, #tpu.memory_space<hbm>>) target_semaphore(%arg21 : memref<!tpu.dma_semaphore, #tpu.memory_space<semaphore_mem>>)
    }
    %scan3A_287 = arith.constant 50 : i32
    %add3A_288 = arith.constant 2408448 : i32
    %add3A_289 = arith.addi %mul3A_4, %add3A_288 : i32
    %dma_wait3A = tpu.memref_slice %arg8[%add3A_289] : memref<78643200xf32, #tpu.memory_space<hbm>> -> memref<24576xf32, #tpu.memory_space<hbm>>
    %dma_wait3A_290 = tpu.memref_slice %arg8[%add3A_289] : memref<78643200xf32, #tpu.memory_space<hbm>> -> memref<24576xf32, #tpu.memory_space<hbm>>
    tpu.wait_dma2 semaphore(%arg20 : memref<!tpu.dma_semaphore, #tpu.memory_space<semaphore_mem>>) src(%arg16 : memref<24576xf32, #tpu.memory_space<vmem>>) dst(%dma_wait3A_290 : memref<24576xf32, #tpu.memory_space<hbm>>)
    %add3A_291 = arith.constant 2433024 : i32
    %add3A_292 = arith.addi %mul3A_4, %add3A_291 : i32
    %dma_wait3A_293 = tpu.memref_slice %arg8[%add3A_292] : memref<78643200xf32, #tpu.memory_space<hbm>> -> memref<24576xf32, #tpu.memory_space<hbm>>
    %dma_wait3A_294 = tpu.memref_slice %arg8[%add3A_292] : memref<78643200xf32, #tpu.memory_space<hbm>> -> memref<24576xf32, #tpu.memory_space<hbm>>
    tpu.wait_dma2 semaphore(%arg21 : memref<!tpu.dma_semaphore, #tpu.memory_space<semaphore_mem>>) src(%arg17 : memref<24576xf32, #tpu.memory_space<vmem>>) dst(%dma_wait3A_294 : memref<24576xf32, #tpu.memory_space<hbm>>)
    return
  }
}

</mosaic_0001>

<sc_bundles>
// kernel: _run.3.cloned.1.call-start
scs
__scs_entry_jumppad:
0x0: {  	(pc) =	sbr.rel $0x88, $3  }
0x1: {  	(tag) =	ssettag $0x0;
	lr =	simm.s32 $0x1  }
0x2: {  	[smem:$0x3F9B] =	sst lr;
	_ =	strace $0xD0000000  }
0x3: {  	_ = 	snop  }
0x4: {  	_ = 	snop  }
0x5: {  	_ = 	snop  }
0x6: {  	_ = 	snop  }
0x7: {  	_ = 	snop  }
__scs_overlays_trampoline_lowered:
0x8: {  	[smem:$0x3FAA] =	sst s0  }
0x9: {  	[smem:$0x3FAB] =	sst s1  }
0xa: {  	[smem:$0x3FAC] =	sst s2  }
0xb: {  	[smem:$0x3FAD] =	sst s3  }
0xc: {  	[smem:$0x3FAE] =	sst s4  }
0xd: {  	[smem:$0x3FAF] =	sst s5  }
0xe: {  	[smem:$0x3FB0] =	sst s6  }
0xf: {  	[smem:$0x3FB1] =	sst s7  }
0x10: {  	[smem:$0x3FB2] =	sst s8  }
0x11: {  	[smem:$0x3FB3] =	sst s9;
	s0 =	simm.s32 @!p0 $0x0  }
0x12: {  	s1 =	sld [smem:$0x3F99];
	s0 =	simm.s32 @p0 $0x1  }
0x13: {  	[smem:$0x3FB4] =	sst s0;
	s0 =	simm.s32 @!p1 $0x0  }
0x14: {  	s2 =	sld [smem:$0x3F98];
	s0 =	simm.s32 @p1 $0x1  }
0x15: {  	[smem:$0x3FB5] =	sst s0;
	s0 =	simm.s32 @!p2 $0x0  }
0x16: {  	s3 =	sld [smem:$0x3FDB];
	s0 =	simm.s32 @p2 $0x1  }
0x17: {  	s4 =	simm.s32 $0x1BF5;
	[smem:$0x3FB7] =	sst s0  }
0x18: {  	s0 =	sld [smem:$0x3F9A];
	_ =	swait.ge [sflag:s4], $0x0  }
0x19: {  	s7 =	sld [smem:$0x3F9B]  }
0x1a: {  	s8 =	sadd.s32 $0xFFFFE003, lr  }
0x1b: {  	s9 =	sadd.s32 $0xFFFFFEF7, lr;
	s5 =	simm.s32 $0xFFFFFFFF;
	p2 =	slt.u32 s8, $0xFFFFF086  }
0x1c: {  	p1 =	slt.u32 s9, $0xF7A;
	s5 =	simm.s32 @!p2 $0x0  }
0x1d: {  	s5 =	simm.s32 @p1 $0x1;
	p0 =	seq.s32 s7, s2  }
0x1e: {  	s7 =	smul.u32 @!p0 $0xF7A, s2;
	p2 =	seq.s32 @!p0 s5, $0x0  }
0x1f: {  	s9 =	smul.u32 $0xF7A, s1;
	s8 =	simm.s32 @!p0 $0x1BF5;
	p2 =	por !p2, p0  }
0x20: {  	[sflag:s8] =	ssyncset.s32 @!p0 $0xFFFFF086;
	s6 =	sadd.s32 @!p0 s3, s7;
	s7 =	simm.s32 @!p0 $0x108  }
0x21: {  	s3 =	sadd.s32 s3, s9;
	s6 =	sadd.s32 @!p0 $0x88, s6;
	s7 =	simm.s32 @p2 $0x1082  }
0x22: {  	[simem:s7], [sflag:s8] =	dma.local @!p0 [hbm:s6], $0xF7A  }
0x23: {  	s9 =	sor.u32 $0xD0000000, s2;
	s6 =	simm.s32 $0x108;
	_ =	swait.ge @!p0 [sflag:s8], $0x0  }
0x24: {  	s3 =	sadd.s32 $0x88, s3;
	s6 =	simm.s32 @!p1 $0x1082;
	[sflag:s4] =	ssyncset.s32 $0xFFFFF086  }
0x25: {  	[simem:s6], [sflag:s4] =	dma.local [hbm:s3], $0xF7A  }
0x26: {  	[smem:$0x3F9B] =	sst s1;
	(tag) =	ssettag s2;
	_ =	strace s9  }
0x27: {  	s1 =	sld [smem:$0x3FAB]  }
0x28: {  	s2 =	sld [smem:$0x3FAC]  }
0x29: {  	s4 =	sld [smem:$0x3FAE]  }
0x2a: {  	p0 =	seq.s32 s5, $0x0;
	s5 =	sld [smem:$0x3FAF]  }
0x2b: {  	s6 =	sld [smem:$0x3FB0]  }
0x2c: {  	s7 =	sld [smem:$0x3FB1]  }
0x2d: {  	s3 =	simm.s32 $0x108;
	s8 =	sld [smem:$0x3FB2]  }
0x2e: {  	s3 =	simm.s32 @!p0 $0x1082;
	s9 =	sld [smem:$0x3FB3]  }
0x2f: {  	lr =	sadd.s32 s0, s3;
	s0 =	sld [smem:$0x3FAA]  }
0x30: {  	s3 =	sld [smem:$0x3FAD]  }
0x31: {  	[smem:$0x3FB6] =	sst s10  }
0x32: {  	s10 =	sld [smem:$0x3FB4];
	_ =	sdelay $0x3  }
0x33: {  	p0 =	seq.s32 s10, $0x1;
	s10 =	sld [smem:$0x3FB6];
	_ =	sdelay $0x3  }
0x34: {  	[smem:$0x3FB6] =	sst s10  }
0x35: {  	s10 =	sld [smem:$0x3FB5];
	_ =	sdelay $0x3  }
0x36: {  	p1 =	seq.s32 s10, $0x1;
	s10 =	sld [smem:$0x3FB6];
	_ =	sdelay $0x3  }
0x37: {  	[smem:$0x3FB6] =	sst s10  }
0x38: {  	s10 =	sld [smem:$0x3FB7]  }
0x39: {  	_ = 	snop;
	(pc) =	sbr.ind lr, $3  }
0x3a: {  	_ = 	snop  }
0x3b: {  	_ = 	snop  }
0x3c: {  	p2 =	seq.s32 s10, $0x1;
	s10 =	sld [smem:$0x3FB6]  }
0x3d: {  	_ =	shalt  }
0x3e: {  	_ =	shalt  }
0x3f: {  	_ =	shalt  }
0x40: {  	_ =	shalt  }
0x41: {  	_ =	shalt  }
0x42: {  	_ =	shalt  }
0x43: {  	_ =	shalt  }
0x44: {  	_ =	shalt  }
0x45: {  	_ =	shalt  }
0x46: {  	_ =	shalt  }
0x47: {  	_ =	shalt  }
0x48: {  	_ =	shalt  }
0x49: {  	_ =	shalt  }
0x4a: {  	_ =	shalt  }
0x4b: {  	_ =	shalt  }
0x4c: {  	_ =	shalt  }
0x4d: {  	_ =	shalt  }
0x4e: {  	_ =	shalt  }
0x4f: {  	_ =	shalt  }
0x50: {  	_ =	shalt  }
0x51: {  	_ =	shalt  }
0x52: {  	_ =	shalt  }
0x53: {  	_ =	shalt  }
0x54: {  	_ =	shalt  }
0x55: {  	_ =	shalt  }
0x56: {  	_ =	shalt  }
0x57: {  	_ =	shalt  }
0x58: {  	_ =	shalt  }
0x59: {  	_ =	shalt  }
0x5a: {  	_ =	shalt  }
0x5b: {  	_ =	shalt  }
0x5c: {  	_ =	shalt  }
0x5d: {  	_ =	shalt  }
0x5e: {  	_ =	shalt  }
0x5f: {  	_ =	shalt  }
0x60: {  	_ =	shalt  }
0x61: {  	_ =	shalt  }
0x62: {  	_ =	shalt  }
0x63: {  	_ =	shalt  }
0x64: {  	_ =	shalt  }
0x65: {  	_ =	shalt  }
0x66: {  	_ =	shalt  }
0x67: {  	_ =	shalt  }
0x68: {  	_ =	shalt  }
0x69: {  	_ =	shalt  }
0x6a: {  	_ =	shalt  }
0x6b: {  	_ =	shalt  }
0x6c: {  	_ =	shalt  }
0x6d: {  	_ =	shalt  }
0x6e: {  	_ =	shalt  }
0x6f: {  	_ =	shalt  }
0x70: {  	_ =	shalt  }
0x71: {  	_ =	shalt  }
0x72: {  	_ =	shalt  }
0x73: {  	_ =	shalt  }
0x74: {  	_ =	shalt  }
0x75: {  	_ =	shalt  }
0x76: {  	_ =	shalt  }
0x77: {  	_ =	shalt  }
0x78: {  	_ =	shalt  }
0x79: {  	_ =	shalt  }
0x7a: {  	_ =	shalt  }
0x7b: {  	_ =	shalt  }
0x7c: {  	_ =	shalt  }
0x7d: {  	_ =	shalt  }
0x7e: {  	_ =	shalt  }
0x7f: {  	_ =	shalt  }
0x80: {  	_ =	shalt  }
0x81: {  	_ =	shalt  }
0x82: {  	_ =	shalt  }
0x83: {  	_ =	shalt  }
0x84: {  	_ =	shalt  }
0x85: {  	_ =	shalt  }
0x86: {  	_ =	shalt  }
0x87: {  	_ =	shalt  }
.Lfunc_end0:
.L_simem_size_0:
called_computation_lowered:
.L_overlay_start_0:
0x88: {  	s2 =	sld [smem:$0x3FD9]  }
0x89: {  	s3 =	sld [smem:$0x3FFE];
	_ =	sdelay $0x1  }
0x8a: {  	s1 =	srdreg.scid  }
0x8b: {  	s0 =	sand.u32 $0x1, s1  }
0x8c: {  	s17 =	sshll.u32 s0, $0xA;
	s2 =	sadd.s32 s3, s2  }
0x8d: {  	s2 =	sadd.s32 s2, s17  }
0x8e: {  	[smem:$0x3FC2] =	sst s2  }
0x8f: {  	_ = 	snop  }
0x90: {  	s2 =	sld [smem:$0x3FC9]  }
0x91: {  	s18 =	sld [smem:$0x3FC8]  }
0x92: {  	s4 =	sld [smem:$0x3FC7]  }
0x93: {  	s5 =	sld [smem:$0x3FC5]  }
0x94: {  	s6 =	sld [smem:$0x3FC4]  }
0x95: {  	s7 =	sld [smem:$0x3FD0];
	(tm) =	ssettm $0x1  }
0x96: {  	s8 =	sld [smem:$0x3FFB];
	_ =	sdelay $0x3  }
0x97: {  	_ =	strace s8  }
0x98: {  	s8 =	sld [smem:$0x3FFC];
	_ =	sdelay $0x3  }
0x99: {  	_ =	strace s8  }
0x9a: {  	s8 =	sld [smem:$0x3FFD];
	_ =	sdelay $0x3  }
0x9b: {  	_ =	strace s8  }
0x9c: {  	_ =	strace $0x8FFFFFFF  }
0x9d: {  	s19 =	sld [smem:$0x3FDB];
	_ =	sdelay $0x1  }
0x9e: {  	s9 =	simm.s32 $_scs_section_size  }
0x9f: {  	s10 =	simm.s32 $_size__tile_overlayer_lowered;
	s11 =	simm.s32 $_tile_overlayer_lowered  }
0xa0: {  	s22 =	simm.s32 $0x1BFF;
	s21 =	sshll.u32 s11, $0x1;
	s8 =	sadd.s32 s9, s19  }
0xa1: {  	s12 =	simm.s32 $0x0;
	s20 =	sshll.u32 s10, $0x1;
	s10 =	sadd.s32 s21, s8  }
0xa2: {  	[timem:s12], [sflag:s22] =	dma.local [hbm:s10], s20  }
0xa3: {  	_ =	swait.ge [sflag:s22], s20  }
0xa4: {  	s9 =	ssub.s32 $0x0, s20;
	[sflag:s22] =	ssyncset.done $0x0  }
0xa5: {  	[sflag:s22] =	ssyncadd.s32 s9;
	_ =	sdelay $0x1  }
0xa6: {  	s23 =	simm.s32 $0x1B8B  }
0xa7: {  	_ =	swait.ge [sflag:s23], $0x1  }
0xa8: {  	[sflag:s23] =	ssyncset.done $0x0  }
0xa9: {  	s25 =	simm.s32 $0x1B8E;
	s24 =	sld [smem:$0x3FFE];
	[sflag:s23] =	ssyncadd.s32 $0xFFFFFFFF  }
0xaa: {  	s26 =	simm.s32 $execute0_lowered;
	[smem:$0x3FD2] =	sst s25  }
0xab: {  	s10 =	sshll.u32 s26, $0x1;
	_ =	strace $0x80000046;
	[dreg:$0x1] =	wrdreg $0xFFFFFFFF  }
0xac: {  	s28 =	simm.s32 $_size_execute0_lowered;
	s8 =	sadd.s32 s8, s10;
	[dreg:$0x0] =	wrdreg $0x0  }
0xad: {  	s10 =	sshll.u32 s28, $0x1;
	[dreg:$0x2] =	wrdreg s8  }
0xae: {  	[dreg:$0x3] =	wrdreg s10  }
0xaf: {  	[dreg:$0x4] =	wrdreg $0xC0  }
0xb0: {  	_ =	task [dreg:s12], $0x5FFFF  }
0xb1: {  	[dreg:$0x1] =	wrdreg $0xFFFFFFFF  }
0xb2: {  	[dreg:$0x0] =	wrdreg $0x60  }
0xb3: {  	[dreg:$0x2] =	wrdreg s2  }
0xb4: {  	[dreg:$0x3] =	wrdreg s18  }
0xb5: {  	[dreg:$0x4] =	wrdreg s4  }
0xb6: {  	[dreg:$0x5] =	wrdreg s24  }
0xb7: {  	[dreg:$0x6] =	wrdreg s5  }
0xb8: {  	[dreg:$0x7] =	wrdreg s6  }
0xb9: {  	[dreg:$0x8] =	wrdreg s7  }
0xba: {  	[dreg:$0x9] =	wrdreg $0x9  }
0xbb: {  	_ =	task.clear_ibuf [dreg:s12], $0xAFFFF;
	_ =	strace $0x90000046  }
0xbc: {  	s29 =	simm.s32 $0x9;
	_ =	strace $0x80000048  }
0xbd: {  	_ =	swait.ge [sflag:s29], $0x1  }
0xbe: {  	[sflag:s29] =	ssyncadd.s32 $0xFFFFFFFF  }
0xbf: {  	_ =	strace $0x90000048  }
0xc0: {  	_ =	sfence  }
0xc1: {  	s30 =	sld [smem:$0x0];
	_ =	sdelay $0x2  }
0xc2: {  	s31 =	sshll.u32 s1, $0xD;
	s1 =	sshrl.u32 s1, $0x2  }
0xc3: {  	s3 =	sand.u32 $0x4000, s31;
	s1 =	sadd.s32 s1, s30  }
0xc4: {  	s0 =	sor.u32 s3, s0;
	s1 =	sshll.u32 s1, $0x11  }
0xc5: {  	s0 =	sor.u32 s1, s0  }
0xc6: {  	s0 =	sadd.s32 $0x8F2B, s0  }
0xc7: {  	[sflag:s0] =	ssyncadd.remote.s32 $0x1  }
0xc8: {  	_ =	sfence.sel $0xFFFF  }
0xc9: {  	[dreg:$0x0] =	wrdreg $0xFFFFFFFF;
	(pc) =	sbr.abs _section_cstart, $3  }
0xca: {  	[dreg:$0x1] =	wrdreg $0xFFFFFFFF  }
0xcb: {  	_ =	task.clear_ibuf [dreg:s12], $0x2FFFF;
	_ =	strace $0x9FFFFFFF  }
0xcc: {  	(tm) =	ssettm $0x7FFFFFFF  }
0xcd: {  	_ =	shalt  }
tec
execute0_lowered:
.L_overlay_start_1:
0x0: {  	(tag) =	ssettag $0x1  }
0x1: {  	v0 =	vimm.s32 $0x17B0  }
0x2: {  	vm14 =	vcmask $0x300;
	vm13 =	vcmask $0x704;
	v1 =	vimm.s32 $0x17C0  }
0x3: {  	vm12 =	vcmask $0xB08;
	vm11 =	vcmask $0xF0C;
	vm10 =	vcmask $0x1310  }
0x4: {  	vm9 =	vcmask $0x1714;
	vm8 =	vcmask $0x1B18;
	vm7 =	vcmask $0x1F1C  }
0x5: {  	vm6 =	vcmask $0x2320;
	vm5 =	vcmask $0x2724;
	vm4 =	vcmask $0x2B28  }
0x6: {  	vm3 =	vcmask $0x2F2C;
	vm2 =	vcmask $0x3330;
	vm1 =	vcmask $0x3734  }
0x7: {  	vm0 =	vcmask $0x3B38;
	v3 =	vimm.s32 $0x17D0;
	v4 =	vimm.s32 $0x17E0  }
0x8: {  	v5 =	vimm.s32 $0x17F0;
	v6 =	vimm.s32 $0x2FB0;
	v7 =	vimm.s32 $0x2FC0  }
0x9: {  	v8 =	vimm.s32 $0x2FD0;
	v9 =	vimm.s32 $0x2FE0;
	v10 =	vimm.s32 $0x2FF0  }
0xa: {  	v11 =	vimm.s32 $0x47B0;
	v12 =	vimm.s32 $0x47C0;
	v13 =	vimm.s32 $0x47D0  }
0xb: {  	v14 =	vimm.s32 $0x47E0;
	v15 =	vimm.s32 $0x47F0;
	v16 =	vimm.s32 $0x5FB0  }
0xc: {  	v17 =	vimm.s32 $0x5FC0;
	v18 =	vimm.s32 $0x5FD0;
	v19 =	vimm.s32 $0x5FE0  }
0xd: {  	v20 =	vimm.s32 $0x5FF0;
	v21 =	vlaneseq.u32;
	v22 =	vimm.s32 $0x17AC  }
0xe: {  	v23 =	vimm.s32 $0x17B1;
	v24 =	vimm.s32 $0x17AD;
	v25 =	vimm.s32 $0x17B2  }
0xf: {  	v26 =	vimm.s32 $0x17AE;
	v27 =	vimm.s32 $0x17B3;
	v28 =	vimm.s32 $0x17AF  }
0x10: {  	v29 =	vimm.s32 $0x17B4;
	v30 =	vimm.s32 $0x17B5;
	v31 =	vimm.s32 $0x2FAC  }
0x11: {  	v32 =	vimm.s32 $0x2FB1;
	v33 =	vimm.s32 $0x2FAD;
	v34 =	vimm.s32 $0x2FB2  }
0x12: {  	v35 =	vimm.s32 $0x2FAE;
	v36 =	vimm.s32 $0x2FB3;
	v37 =	vimm.s32 $0x2FAF  }
0x13: {  	v38 =	vimm.s32 $0x2FB4;
	v39 =	vimm.s32 $0x2FB5;
	v40 =	vimm.s32 $0x47AC  }
0x14: {  	v41 =	vimm.s32 $0x47B1;
	v42 =	vimm.s32 $0x47AD;
	v43 =	vimm.s32 $0x47B2  }
0x15: {  	v44 =	vimm.s32 $0x47AE;
	v45 =	vimm.s32 $0x47B3;
	v46 =	vimm.s32 $0x47AF  }
0x16: {  	v47 =	vimm.s32 $0x47B4;
	v48 =	vimm.s32 $0x47B5;
	v49 =	vimm.s32 $0x5FAC  }
0x17: {  	v50 =	vimm.s32 $0x5FB1;
	v51 =	vimm.s32 $0x5FAD;
	v52 =	vimm.s32 $0x5FB2  }
0x18: {  	v53 =	vimm.s32 $0x5FAE;
	v54 =	vimm.s32 $0x5FB3;
	v55 =	vimm.s32 $0x5FAF  }
0x19: {  	v56 =	vimm.s32 $0x5FB4;
	v57 =	vimm.s32 $0x5FB5;
	v0 =	vsel vm14, $0x830, v0  }
0x1a: {  	v1 =	vsel vm14, $0x840, v1;
	v3 =	vsel vm14, $0x850, v3;
	v4 =	vsel vm14, $0x860, v4  }
0x1b: {  	v5 =	vsel vm14, $0x870, v5;
	v6 =	vsel vm14, $0x2030, v6;
	v7 =	vsel vm14, $0x2040, v7  }
0x1c: {  	v8 =	vsel vm14, $0x2050, v8;
	v9 =	vsel vm14, $0x2060, v9;
	v10 =	vsel vm14, $0x2070, v10  }
0x1d: {  	v11 =	vsel vm14, $0x3830, v11;
	v12 =	vsel vm14, $0x3840, v12;
	v13 =	vsel vm14, $0x3850, v13  }
0x1e: {  	v14 =	vsel vm14, $0x3860, v14;
	v15 =	vsel vm14, $0x3870, v15;
	v16 =	vsel vm14, $0x5030, v16  }
0x1f: {  	v17 =	vsel vm14, $0x5040, v17;
	v18 =	vsel vm14, $0x5050, v18;
	v19 =	vsel vm14, $0x5060, v19  }
0x20: {  	v20 =	vsel vm14, $0x5070, v20;
	v22 =	vsel vm14, $0x82C, v22;
	v23 =	vsel vm14, $0x831, v23  }
0x21: {  	v24 =	vsel vm14, $0x82D, v24;
	v25 =	vsel vm14, $0x832, v25;
	v26 =	vsel vm14, $0x82E, v26  }
0x22: {  	v27 =	vsel vm14, $0x833, v27;
	v28 =	vsel vm14, $0x82F, v28;
	v29 =	vsel vm14, $0x834, v29  }
0x23: {  	v30 =	vsel vm14, $0x835, v30;
	v31 =	vsel vm14, $0x202C, v31;
	v32 =	vsel vm14, $0x2031, v32  }
0x24: {  	v33 =	vsel vm14, $0x202D, v33;
	v34 =	vsel vm14, $0x2032, v34;
	v35 =	vsel vm14, $0x202E, v35  }
0x25: {  	v36 =	vsel vm14, $0x2033, v36;
	v37 =	vsel vm14, $0x202F, v37;
	v38 =	vsel vm14, $0x2034, v38  }
0x26: {  	v39 =	vsel vm14, $0x2035, v39;
	v40 =	vsel vm14, $0x382C, v40;
	v41 =	vsel vm14, $0x3831, v41  }
0x27: {  	v42 =	vsel vm14, $0x382D, v42;
	v43 =	vsel vm14, $0x3832, v43;
	v44 =	vsel vm14, $0x382E, v44  }
0x28: {  	v45 =	vsel vm14, $0x3833, v45;
	v46 =	vsel vm14, $0x382F, v46;
	v47 =	vsel vm14, $0x3834, v47  }
0x29: {  	v48 =	vsel vm14, $0x3835, v48;
	v49 =	vsel vm14, $0x502C, v49;
	v50 =	vsel vm14, $0x5031, v50  }
0x2a: {  	v51 =	vsel vm14, $0x502D, v51;
	v52 =	vsel vm14, $0x5032, v52;
	v53 =	vsel vm14, $0x502E, v53  }
0x2b: {  	v54 =	vsel vm14, $0x5033, v54;
	v55 =	vsel vm14, $0x502F, v55;
	v56 =	vsel vm14, $0x5034, v56  }
0x2c: {  	v57 =	vsel vm14, $0x5035, v57;
	v0 =	vsel vm13, $0x8B0, v0;
	v1 =	vsel vm13, $0x8C0, v1  }
0x2d: {  	v3 =	vsel vm13, $0x8D0, v3;
	v4 =	vsel vm13, $0x8E0, v4;
	v5 =	vsel vm13, $0x8F0, v5  }
0x2e: {  	v6 =	vsel vm13, $0x20B0, v6;
	v7 =	vsel vm13, $0x20C0, v7;
	v8 =	vsel vm13, $0x20D0, v8  }
0x2f: {  	v9 =	vsel vm13, $0x20E0, v9;
	v10 =	vsel vm13, $0x20F0, v10;
	v11 =	vsel vm13, $0x38B0, v11  }
0x30: {  	v12 =	vsel vm13, $0x38C0, v12;
	v13 =	vsel vm13, $0x38D0, v13;
	v14 =	vsel vm13, $0x38E0, v14  }
0x31: {  	v15 =	vsel vm13, $0x38F0, v15;
	v16 =	vsel vm13, $0x50B0, v16;
	v17 =	vsel vm13, $0x50C0, v17  }
0x32: {  	v18 =	vsel vm13, $0x50D0, v18;
	v19 =	vsel vm13, $0x50E0, v19;
	v20 =	vsel vm13, $0x50F0, v20  }
0x33: {  	v22 =	vsel vm13, $0x8AC, v22;
	v23 =	vsel vm13, $0x8B1, v23;
	v24 =	vsel vm13, $0x8AD, v24  }
0x34: {  	v25 =	vsel vm13, $0x8B2, v25;
	v26 =	vsel vm13, $0x8AE, v26;
	v27 =	vsel vm13, $0x8B3, v27  }
0x35: {  	v28 =	vsel vm13, $0x8AF, v28;
	v29 =	vsel vm13, $0x8B4, v29;
	v30 =	vsel vm13, $0x8B5, v30  }
0x36: {  	v31 =	vsel vm13, $0x20AC, v31;
	v32 =	vsel vm13, $0x20B1, v32;
	v33 =	vsel vm13, $0x20AD, v33  }
0x37: {  	v34 =	vsel vm13, $0x20B2, v34;
	v35 =	vsel vm13, $0x20AE, v35;
	v36 =	vsel vm13, $0x20B3, v36  }
0x38: {  	v37 =	vsel vm13, $0x20AF, v37;
	v38 =	vsel vm13, $0x20B4, v38;
	v39 =	vsel vm13, $0x20B5, v39  }
0x39: {  	v40 =	vsel vm13, $0x38AC, v40;
	v41 =	vsel vm13, $0x38B1, v41;
	v42 =	vsel vm13, $0x38AD, v42  }
0x3a: {  	v43 =	vsel vm13, $0x38B2, v43;
	v44 =	vsel vm13, $0x38AE, v44;
	v45 =	vsel vm13, $0x38B3, v45  }
0x3b: {  	v46 =	vsel vm13, $0x38AF, v46;
	v47 =	vsel vm13, $0x38B4, v47;
	v48 =	vsel vm13, $0x38B5, v48  }
0x3c: {  	v49 =	vsel vm13, $0x50AC, v49;
	v50 =	vsel vm13, $0x50B1, v50;
	v51 =	vsel vm13, $0x50AD, v51  }
0x3d: {  	v52 =	vsel vm13, $0x50B2, v52;
	v53 =	vsel vm13, $0x50AE, v53;
	v54 =	vsel vm13, $0x50B3, v54  }
0x3e: {  	v55 =	vsel vm13, $0x50AF, v55;
	v56 =	vsel vm13, $0x50B4, v56;
	v57 =	vsel vm13, $0x50B5, v57  }
0x3f: {  	v0 =	vsel vm12, $0x930, v0;
	v1 =	vsel vm12, $0x940, v1;
	v3 =	vsel vm12, $0x950, v3  }
0x40: {  	v4 =	vsel vm12, $0x960, v4;
	v5 =	vsel vm12, $0x970, v5;
	v6 =	vsel vm12, $0x2130, v6  }
0x41: {  	v7 =	vsel vm12, $0x2140, v7;
	v8 =	vsel vm12, $0x2150, v8;
	v9 =	vsel vm12, $0x2160, v9  }
0x42: {  	v10 =	vsel vm12, $0x2170, v10;
	v11 =	vsel vm12, $0x3930, v11;
	v12 =	vsel vm12, $0x3940, v12  }
0x43: {  	v13 =	vsel vm12, $0x3950, v13;
	v14 =	vsel vm12, $0x3960, v14;
	v15 =	vsel vm12, $0x3970, v15  }
0x44: {  	v16 =	vsel vm12, $0x5130, v16;
	v17 =	vsel vm12, $0x5140, v17;
	v18 =	vsel vm12, $0x5150, v18  }
0x45: {  	v19 =	vsel vm12, $0x5160, v19;
	v20 =	vsel vm12, $0x5170, v20;
	v22 =	vsel vm12, $0x92C, v22  }
0x46: {  	v23 =	vsel vm12, $0x931, v23;
	v24 =	vsel vm12, $0x92D, v24;
	v25 =	vsel vm12, $0x932, v25  }
0x47: {  	v26 =	vsel vm12, $0x92E, v26;
	v27 =	vsel vm12, $0x933, v27;
	v28 =	vsel vm12, $0x92F, v28  }
0x48: {  	v29 =	vsel vm12, $0x934, v29;
	v30 =	vsel vm12, $0x935, v30;
	v31 =	vsel vm12, $0x212C, v31  }
0x49: {  	v32 =	vsel vm12, $0x2131, v32;
	v33 =	vsel vm12, $0x212D, v33;
	v34 =	vsel vm12, $0x2132, v34  }
0x4a: {  	v35 =	vsel vm12, $0x212E, v35;
	v36 =	vsel vm12, $0x2133, v36;
	v37 =	vsel vm12, $0x212F, v37  }
0x4b: {  	v38 =	vsel vm12, $0x2134, v38;
	v39 =	vsel vm12, $0x2135, v39;
	v40 =	vsel vm12, $0x392C, v40  }
0x4c: {  	v41 =	vsel vm12, $0x3931, v41;
	v42 =	vsel vm12, $0x392D, v42;
	v43 =	vsel vm12, $0x3932, v43  }
0x4d: {  	v44 =	vsel vm12, $0x392E, v44;
	v45 =	vsel vm12, $0x3933, v45;
	v46 =	vsel vm12, $0x392F, v46  }
0x4e: {  	v47 =	vsel vm12, $0x3934, v47;
	v48 =	vsel vm12, $0x3935, v48;
	v49 =	vsel vm12, $0x512C, v49  }
0x4f: {  	v50 =	vsel vm12, $0x5131, v50;
	v51 =	vsel vm12, $0x512D, v51;
	v52 =	vsel vm12, $0x5132, v52  }
0x50: {  	v53 =	vsel vm12, $0x512E, v53;
	v54 =	vsel vm12, $0x5133, v54;
	v55 =	vsel vm12, $0x512F, v55  }
0x51: {  	v56 =	vsel vm12, $0x5134, v56;
	v57 =	vsel vm12, $0x5135, v57;
	v0 =	vsel vm11, $0x9B0, v0  }
0x52: {  	v1 =	vsel vm11, $0x9C0, v1;
	v3 =	vsel vm11, $0x9D0, v3;
	v4 =	vsel vm11, $0x9E0, v4  }
0x53: {  	v5 =	vsel vm11, $0x9F0, v5;
	v6 =	vsel vm11, $0x21B0, v6;
	v7 =	vsel vm11, $0x21C0, v7  }
0x54: {  	v8 =	vsel vm11, $0x21D0, v8;
	v9 =	vsel vm11, $0x21E0, v9;
	v10 =	vsel vm11, $0x21F0, v10  }
0x55: {  	v11 =	vsel vm11, $0x39B0, v11;
	v12 =	vsel vm11, $0x39C0, v12;
	v13 =	vsel vm11, $0x39D0, v13  }
0x56: {  	v14 =	vsel vm11, $0x39E0, v14;
	v15 =	vsel vm11, $0x39F0, v15;
	v16 =	vsel vm11, $0x51B0, v16  }
0x57: {  	v17 =	vsel vm11, $0x51C0, v17;
	v18 =	vsel vm11, $0x51D0, v18;
	v19 =	vsel vm11, $0x51E0, v19  }
0x58: {  	v20 =	vsel vm11, $0x51F0, v20;
	v22 =	vsel vm11, $0x9AC, v22;
	v23 =	vsel vm11, $0x9B1, v23  }
0x59: {  	v24 =	vsel vm11, $0x9AD, v24;
	v25 =	vsel vm11, $0x9B2, v25;
	v26 =	vsel vm11, $0x9AE, v26  }
0x5a: {  	v27 =	vsel vm11, $0x9B3, v27;
	v28 =	vsel vm11, $0x9AF, v28;
	v29 =	vsel vm11, $0x9B4, v29  }
0x5b: {  	v30 =	vsel vm11, $0x9B5, v30;
	v31 =	vsel vm11, $0x21AC, v31;
	v32 =	vsel vm11, $0x21B1, v32  }
0x5c: {  	v33 =	vsel vm11, $0x21AD, v33;
	v34 =	vsel vm11, $0x21B2, v34;
	v35 =	vsel vm11, $0x21AE, v35  }
0x5d: {  	v36 =	vsel vm11, $0x21B3, v36;
	v37 =	vsel vm11, $0x21AF, v37;
	v38 =	vsel vm11, $0x21B4, v38  }
0x5e: {  	v39 =	vsel vm11, $0x21B5, v39;
	v40 =	vsel vm11, $0x39AC, v40;
	v41 =	vsel vm11, $0x39B1, v41  }
0x5f: {  	v42 =	vsel vm11, $0x39AD, v42;
	v43 =	vsel vm11, $0x39B2, v43;
	v44 =	vsel vm11, $0x39AE, v44  }
0x60: {  	v45 =	vsel vm11, $0x39B3, v45;
	v46 =	vsel vm11, $0x39AF, v46;
	v47 =	vsel vm11, $0x39B4, v47  }
0x61: {  	v48 =	vsel vm11, $0x39B5, v48;
	v49 =	vsel vm11, $0x51AC, v49;
	v50 =	vsel vm11, $0x51B1, v50  }
0x62: {  	v51 =	vsel vm11, $0x51AD, v51;
	v52 =	vsel vm11, $0x51B2, v52;
	v53 =	vsel vm11, $0x51AE, v53  }
0x63: {  	v54 =	vsel vm11, $0x51B3, v54;
	v55 =	vsel vm11, $0x51AF, v55;
	v56 =	vsel vm11, $0x51B4, v56  }
0x64: {  	v57 =	vsel vm11, $0x51B5, v57;
	v0 =	vsel vm10, $0xA30, v0;
	v1 =	vsel vm10, $0xA40, v1  }
0x65: {  	v3 =	vsel vm10, $0xA50, v3;
	v4 =	vsel vm10, $0xA60, v4;
	v5 =	vsel vm10, $0xA70, v5  }
0x66: {  	v6 =	vsel vm10, $0x2230, v6;
	v7 =	vsel vm10, $0x2240, v7;
	v8 =	vsel vm10, $0x2250, v8  }
0x67: {  	v9 =	vsel vm10, $0x2260, v9;
	v10 =	vsel vm10, $0x2270, v10;
	v11 =	vsel vm10, $0x3A30, v11  }
0x68: {  	v12 =	vsel vm10, $0x3A40, v12;
	v13 =	vsel vm10, $0x3A50, v13;
	v14 =	vsel vm10, $0x3A60, v14  }
0x69: {  	v15 =	vsel vm10, $0x3A70, v15;
	v16 =	vsel vm10, $0x5230, v16;
	v17 =	vsel vm10, $0x5240, v17  }
0x6a: {  	v18 =	vsel vm10, $0x5250, v18;
	v19 =	vsel vm10, $0x5260, v19;
	v20 =	vsel vm10, $0x5270, v20  }
0x6b: {  	v22 =	vsel vm10, $0xA2C, v22;
	v23 =	vsel vm10, $0xA31, v23;
	v24 =	vsel vm10, $0xA2D, v24  }
0x6c: {  	v25 =	vsel vm10, $0xA32, v25;
	v26 =	vsel vm10, $0xA2E, v26;
	v27 =	vsel vm10, $0xA33, v27  }
0x6d: {  	v28 =	vsel vm10, $0xA2F, v28;
	v29 =	vsel vm10, $0xA34, v29;
	v30 =	vsel vm10, $0xA35, v30  }
0x6e: {  	v31 =	vsel vm10, $0x222C, v31;
	v32 =	vsel vm10, $0x2231, v32;
	v33 =	vsel vm10, $0x222D, v33  }
0x6f: {  	v34 =	vsel vm10, $0x2232, v34;
	v35 =	vsel vm10, $0x222E, v35;
	v36 =	vsel vm10, $0x2233, v36  }
0x70: {  	v37 =	vsel vm10, $0x222F, v37;
	v38 =	vsel vm10, $0x2234, v38;
	v39 =	vsel vm10, $0x2235, v39  }
0x71: {  	v40 =	vsel vm10, $0x3A2C, v40;
	v41 =	vsel vm10, $0x3A31, v41;
	v42 =	vsel vm10, $0x3A2D, v42  }
0x72: {  	v43 =	vsel vm10, $0x3A32, v43;
	v44 =	vsel vm10, $0x3A2E, v44;
	v45 =	vsel vm10, $0x3A33, v45  }
0x73: {  	v46 =	vsel vm10, $0x3A2F, v46;
	v47 =	vsel vm10, $0x3A34, v47;
	v48 =	vsel vm10, $0x3A35, v48  }
0x74: {  	v49 =	vsel vm10, $0x522C, v49;
	v50 =	vsel vm10, $0x5231, v50;
	v51 =	vsel vm10, $0x522D, v51  }
0x75: {  	v52 =	vsel vm10, $0x5232, v52;
	v53 =	vsel vm10, $0x522E, v53;
	v54 =	vsel vm10, $0x5233, v54  }
0x76: {  	v55 =	vsel vm10, $0x522F, v55;
	v56 =	vsel vm10, $0x5234, v56;
	v57 =	vsel vm10, $0x5235, v57  }
0x77: {  	v0 =	vsel vm9, $0xAB0, v0;
	v1 =	vsel vm9, $0xAC0, v1;
	v3 =	vsel vm9, $0xAD0, v3  }
0x78: {  	v4 =	vsel vm9, $0xAE0, v4;
	v5 =	vsel vm9, $0xAF0, v5;
	v6 =	vsel vm9, $0x22B0, v6  }
0x79: {  	v7 =	vsel vm9, $0x22C0, v7;
	v8 =	vsel vm9, $0x22D0, v8;
	v9 =	vsel vm9, $0x22E0, v9  }
0x7a: {  	v10 =	vsel vm9, $0x22F0, v10;
	v11 =	vsel vm9, $0x3AB0, v11;
	v12 =	vsel vm9, $0x3AC0, v12  }
0x7b: {  	v13 =	vsel vm9, $0x3AD0, v13;
	v14 =	vsel vm9, $0x3AE0, v14;
	v15 =	vsel vm9, $0x3AF0, v15  }
0x7c: {  	v16 =	vsel vm9, $0x52B0, v16;
	v17 =	vsel vm9, $0x52C0, v17;
	v18 =	vsel vm9, $0x52D0, v18  }
0x7d: {  	v19 =	vsel vm9, $0x52E0, v19;
	v20 =	vsel vm9, $0x52F0, v20;
	v22 =	vsel vm9, $0xAAC, v22  }
0x7e: {  	v23 =	vsel vm9, $0xAB1, v23;
	v24 =	vsel vm9, $0xAAD, v24;
	v25 =	vsel vm9, $0xAB2, v25  }
0x7f: {  	v26 =	vsel vm9, $0xAAE, v26;
	v27 =	vsel vm9, $0xAB3, v27;
	v28 =	vsel vm9, $0xAAF, v28  }
0x80: {  	v29 =	vsel vm9, $0xAB4, v29;
	v30 =	vsel vm9, $0xAB5, v30;
	v31 =	vsel vm9, $0x22AC, v31  }
0x81: {  	v32 =	vsel vm9, $0x22B1, v32;
	v33 =	vsel vm9, $0x22AD, v33;
	v34 =	vsel vm9, $0x22B2, v34  }
0x82: {  	v35 =	vsel vm9, $0x22AE, v35;
	v36 =	vsel vm9, $0x22B3, v36;
	v37 =	vsel vm9, $0x22AF, v37  }
0x83: {  	v38 =	vsel vm9, $0x22B4, v38;
	v39 =	vsel vm9, $0x22B5, v39;
	v40 =	vsel vm9, $0x3AAC, v40  }
0x84: {  	v41 =	vsel vm9, $0x3AB1, v41;
	v42 =	vsel vm9, $0x3AAD, v42;
	v43 =	vsel vm9, $0x3AB2, v43  }
0x85: {  	v44 =	vsel vm9, $0x3AAE, v44;
	v45 =	vsel vm9, $0x3AB3, v45;
	v46 =	vsel vm9, $0x3AAF, v46  }
0x86: {  	v47 =	vsel vm9, $0x3AB4, v47;
	v48 =	vsel vm9, $0x3AB5, v48;
	v49 =	vsel vm9, $0x52AC, v49  }
0x87: {  	v50 =	vsel vm9, $0x52B1, v50;
	v51 =	vsel vm9, $0x52AD, v51;
	v52 =	vsel vm9, $0x52B2, v52  }
0x88: {  	v53 =	vsel vm9, $0x52AE, v53;
	v54 =	vsel vm9, $0x52B3, v54;
	v55 =	vsel vm9, $0x52AF, v55  }
0x89: {  	v56 =	vsel vm9, $0x52B4, v56;
	v57 =	vsel vm9, $0x52B5, v57;
	v0 =	vsel vm8, $0xB30, v0  }
0x8a: {  	v1 =	vsel vm8, $0xB40, v1;
	v3 =	vsel vm8, $0xB50, v3;
	v4 =	vsel vm8, $0xB60, v4  }
0x8b: {  	v5 =	vsel vm8, $0xB70, v5;
	v6 =	vsel vm8, $0x2330, v6;
	v7 =	vsel vm8, $0x2340, v7  }
0x8c: {  	v8 =	vsel vm8, $0x2350, v8;
	v9 =	vsel vm8, $0x2360, v9;
	v10 =	vsel vm8, $0x2370, v10  }
0x8d: {  	v11 =	vsel vm8, $0x3B30, v11;
	v12 =	vsel vm8, $0x3B40, v12;
	v13 =	vsel vm8, $0x3B50, v13  }
0x8e: {  	v14 =	vsel vm8, $0x3B60, v14;
	v15 =	vsel vm8, $0x3B70, v15;
	v16 =	vsel vm8, $0x5330, v16  }
0x8f: {  	v17 =	vsel vm8, $0x5340, v17;
	v18 =	vsel vm8, $0x5350, v18;
	v19 =	vsel vm8, $0x5360, v19  }
0x90: {  	v20 =	vsel vm8, $0x5370, v20;
	v22 =	vsel vm8, $0xB2C, v22;
	v23 =	vsel vm8, $0xB31, v23  }
0x91: {  	v24 =	vsel vm8, $0xB2D, v24;
	v25 =	vsel vm8, $0xB32, v25;
	v26 =	vsel vm8, $0xB2E, v26  }
0x92: {  	v27 =	vsel vm8, $0xB33, v27;
	v28 =	vsel vm8, $0xB2F, v28;
	v29 =	vsel vm8, $0xB34, v29  }
0x93: {  	v30 =	vsel vm8, $0xB35, v30;
	v31 =	vsel vm8, $0x232C, v31;
	v32 =	vsel vm8, $0x2331, v32  }
0x94: {  	v33 =	vsel vm8, $0x232D, v33;
	v34 =	vsel vm8, $0x2332, v34;
	v35 =	vsel vm8, $0x232E, v35  }
0x95: {  	v36 =	vsel vm8, $0x2333, v36;
	v37 =	vsel vm8, $0x232F, v37;
	v38 =	vsel vm8, $0x2334, v38  }
0x96: {  	v39 =	vsel vm8, $0x2335, v39;
	v40 =	vsel vm8, $0x3B2C, v40;
	v41 =	vsel vm8, $0x3B31, v41  }
0x97: {  	v42 =	vsel vm8, $0x3B2D, v42;
	v43 =	vsel vm8, $0x3B32, v43;
	v44 =	vsel vm8, $0x3B2E, v44  }
0x98: {  	v45 =	vsel vm8, $0x3B33, v45;
	v46 =	vsel vm8, $0x3B2F, v46;
	v47 =	vsel vm8, $0x3B34, v47  }
0x99: {  	v48 =	vsel vm8, $0x3B35, v48;
	v49 =	vsel vm8, $0x532C, v49;
	v50 =	vsel vm8, $0x5331, v50  }
0x9a: {  	v51 =	vsel vm8, $0x532D, v51;
	v52 =	vsel vm8, $0x5332, v52;
	v53 =	vsel vm8, $0x532E, v53  }
0x9b: {  	v54 =	vsel vm8, $0x5333, v54;
	v55 =	vsel vm8, $0x532F, v55;
	v56 =	vsel vm8, $0x5334, v56  }
0x9c: {  	v57 =	vsel vm8, $0x5335, v57;
	v0 =	vsel vm7, $0xBB0, v0;
	v1 =	vsel vm7, $0xBC0, v1  }
0x9d: {  	v3 =	vsel vm7, $0xBD0, v3;
	v4 =	vsel vm7, $0xBE0, v4;
	v5 =	vsel vm7, $0xBF0, v5  }
0x9e: {  	v6 =	vsel vm7, $0x23B0, v6;
	v7 =	vsel vm7, $0x23C0, v7;
	v8 =	vsel vm7, $0x23D0, v8  }
0x9f: {  	v9 =	vsel vm7, $0x23E0, v9;
	v10 =	vsel vm7, $0x23F0, v10;
	v11 =	vsel vm7, $0x3BB0, v11  }
0xa0: {  	v12 =	vsel vm7, $0x3BC0, v12;
	v13 =	vsel vm7, $0x3BD0, v13;
	v14 =	vsel vm7, $0x3BE0, v14  }
0xa1: {  	v15 =	vsel vm7, $0x3BF0, v15;
	v16 =	vsel vm7, $0x53B0, v16;
	v17 =	vsel vm7, $0x53C0, v17  }
0xa2: {  	v18 =	vsel vm7, $0x53D0, v18;
	v19 =	vsel vm7, $0x53E0, v19;
	v20 =	vsel vm7, $0x53F0, v20  }
0xa3: {  	v22 =	vsel vm7, $0xBAC, v22;
	v23 =	vsel vm7, $0xBB1, v23;
	v24 =	vsel vm7, $0xBAD, v24  }
0xa4: {  	v25 =	vsel vm7, $0xBB2, v25;
	v26 =	vsel vm7, $0xBAE, v26;
	v27 =	vsel vm7, $0xBB3, v27  }
0xa5: {  	v28 =	vsel vm7, $0xBAF, v28;
	v29 =	vsel vm7, $0xBB4, v29;
	v30 =	vsel vm7, $0xBB5, v30  }
0xa6: {  	v31 =	vsel vm7, $0x23AC, v31;
	v32 =	vsel vm7, $0x23B1, v32;
	v33 =	vsel vm7, $0x23AD, v33  }
0xa7: {  	v34 =	vsel vm7, $0x23B2, v34;
	v35 =	vsel vm7, $0x23AE, v35;
	v36 =	vsel vm7, $0x23B3, v36  }
0xa8: {  	v37 =	vsel vm7, $0x23AF, v37;
	v38 =	vsel vm7, $0x23B4, v38;
	v39 =	vsel vm7, $0x23B5, v39  }
0xa9: {  	v40 =	vsel vm7, $0x3BAC, v40;
	v41 =	vsel vm7, $0x3BB1, v41;
	v42 =	vsel vm7, $0x3BAD, v42  }
0xaa: {  	v43 =	vsel vm7, $0x3BB2, v43;
	v44 =	vsel vm7, $0x3BAE, v44;
	v45 =	vsel vm7, $0x3BB3, v45  }
0xab: {  	v46 =	vsel vm7, $0x3BAF, v46;
	v47 =	vsel vm7, $0x3BB4, v47;
	v48 =	vsel vm7, $0x3BB5, v48  }
0xac: {  	v49 =	vsel vm7, $0x53AC, v49;
	v50 =	vsel vm7, $0x53B1, v50;
	v51 =	vsel vm7, $0x53AD, v51  }
0xad: {  	v52 =	vsel vm7, $0x53B2, v52;
	v53 =	vsel vm7, $0x53AE, v53;
	v54 =	vsel vm7, $0x53B3, v54  }
0xae: {  	v55 =	vsel vm7, $0x53AF, v55;
	v56 =	vsel vm7, $0x53B4, v56;
	v57 =	vsel vm7, $0x53B5, v57  }
0xaf: {  	v0 =	vsel vm6, $0x1430, v0;
	v1 =	vsel vm6, $0x1440, v1;
	v3 =	vsel vm6, $0x1450, v3  }
0xb0: {  	v4 =	vsel vm6, $0x1460, v4;
	v5 =	vsel vm6, $0x1470, v5;
	v6 =	vsel vm6, $0x2C30, v6  }
0xb1: {  	v7 =	vsel vm6, $0x2C40, v7;
	v8 =	vsel vm6, $0x2C50, v8;
	v9 =	vsel vm6, $0x2C60, v9  }
0xb2: {  	v10 =	vsel vm6, $0x2C70, v10;
	v11 =	vsel vm6, $0x4430, v11;
	v12 =	vsel vm6, $0x4440, v12  }
0xb3: {  	v13 =	vsel vm6, $0x4450, v13;
	v14 =	vsel vm6, $0x4460, v14;
	v15 =	vsel vm6, $0x4470, v15  }
0xb4: {  	v16 =	vsel vm6, $0x5C30, v16;
	v17 =	vsel vm6, $0x5C40, v17;
	v18 =	vsel vm6, $0x5C50, v18  }
0xb5: {  	v19 =	vsel vm6, $0x5C60, v19;
	v20 =	vsel vm6, $0x5C70, v20;
	v22 =	vsel vm6, $0x142C, v22  }
0xb6: {  	v23 =	vsel vm6, $0x1431, v23;
	v24 =	vsel vm6, $0x142D, v24;
	v25 =	vsel vm6, $0x1432, v25  }
0xb7: {  	v26 =	vsel vm6, $0x142E, v26;
	v27 =	vsel vm6, $0x1433, v27;
	v28 =	vsel vm6, $0x142F, v28  }
0xb8: {  	v29 =	vsel vm6, $0x1434, v29;
	v30 =	vsel vm6, $0x1435, v30;
	v31 =	vsel vm6, $0x2C2C, v31  }
0xb9: {  	v32 =	vsel vm6, $0x2C31, v32;
	v33 =	vsel vm6, $0x2C2D, v33;
	v34 =	vsel vm6, $0x2C32, v34  }
0xba: {  	v35 =	vsel vm6, $0x2C2E, v35;
	v36 =	vsel vm6, $0x2C33, v36;
	v37 =	vsel vm6, $0x2C2F, v37  }
0xbb: {  	v38 =	vsel vm6, $0x2C34, v38;
	v39 =	vsel vm6, $0x2C35, v39;
	v40 =	vsel vm6, $0x442C, v40  }
0xbc: {  	v41 =	vsel vm6, $0x4431, v41;
	v42 =	vsel vm6, $0x442D, v42;
	v43 =	vsel vm6, $0x4432, v43  }
0xbd: {  	v44 =	vsel vm6, $0x442E, v44;
	v45 =	vsel vm6, $0x4433, v45;
	v46 =	vsel vm6, $0x442F, v46  }
0xbe: {  	v47 =	vsel vm6, $0x4434, v47;
	v48 =	vsel vm6, $0x4435, v48;
	v49 =	vsel vm6, $0x5C2C, v49  }
0xbf: {  	v50 =	vsel vm6, $0x5C31, v50;
	v51 =	vsel vm6, $0x5C2D, v51;
	v52 =	vsel vm6, $0x5C32, v52  }
0xc0: {  	v53 =	vsel vm6, $0x5C2E, v53;
	v54 =	vsel vm6, $0x5C33, v54;
	v55 =	vsel vm6, $0x5C2F, v55  }
0xc1: {  	v56 =	vsel vm6, $0x5C34, v56;
	v57 =	vsel vm6, $0x5C35, v57;
	v0 =	vsel vm5, $0x14B0, v0  }
0xc2: {  	v1 =	vsel vm5, $0x14C0, v1;
	v3 =	vsel vm5, $0x14D0, v3;
	v4 =	vsel vm5, $0x14E0, v4  }
0xc3: {  	v5 =	vsel vm5, $0x14F0, v5;
	v6 =	vsel vm5, $0x2CB0, v6;
	v7 =	vsel vm5, $0x2CC0, v7  }
0xc4: {  	v8 =	vsel vm5, $0x2CD0, v8;
	v9 =	vsel vm5, $0x2CE0, v9;
	v10 =	vsel vm5, $0x2CF0, v10  }
0xc5: {  	v11 =	vsel vm5, $0x44B0, v11;
	v12 =	vsel vm5, $0x44C0, v12;
	v13 =	vsel vm5, $0x44D0, v13  }
0xc6: {  	v14 =	vsel vm5, $0x44E0, v14;
	v15 =	vsel vm5, $0x44F0, v15;
	v16 =	vsel vm5, $0x5CB0, v16  }
0xc7: {  	v17 =	vsel vm5, $0x5CC0, v17;
	v18 =	vsel vm5, $0x5CD0, v18;
	v19 =	vsel vm5, $0x5CE0, v19  }
0xc8: {  	v20 =	vsel vm5, $0x5CF0, v20;
	v22 =	vsel vm5, $0x14AC, v22;
	v23 =	vsel vm5, $0x14B1, v23  }
0xc9: {  	v24 =	vsel vm5, $0x14AD, v24;
	v25 =	vsel vm5, $0x14B2, v25;
	v26 =	vsel vm5, $0x14AE, v26  }
0xca: {  	v27 =	vsel vm5, $0x14B3, v27;
	v28 =	vsel vm5, $0x14AF, v28;
	v29 =	vsel vm5, $0x14B4, v29  }
0xcb: {  	v30 =	vsel vm5, $0x14B5, v30;
	v31 =	vsel vm5, $0x2CAC, v31;
	v32 =	vsel vm5, $0x2CB1, v32  }
0xcc: {  	v33 =	vsel vm5, $0x2CAD, v33;
	v34 =	vsel vm5, $0x2CB2, v34;
	v35 =	vsel vm5, $0x2CAE, v35  }
0xcd: {  	v36 =	vsel vm5, $0x2CB3, v36;
	v37 =	vsel vm5, $0x2CAF, v37;
	v38 =	vsel vm5, $0x2CB4, v38  }
0xce: {  	v39 =	vsel vm5, $0x2CB5, v39;
	v40 =	vsel vm5, $0x44AC, v40;
	v41 =	vsel vm5, $0x44B1, v41  }
0xcf: {  	v42 =	vsel vm5, $0x44AD, v42;
	v43 =	vsel vm5, $0x44B2, v43;
	v44 =	vsel vm5, $0x44AE, v44  }
0xd0: {  	v45 =	vsel vm5, $0x44B3, v45;
	v46 =	vsel vm5, $0x44AF, v46;
	v47 =	vsel vm5, $0x44B4, v47  }
0xd1: {  	v48 =	vsel vm5, $0x44B5, v48;
	v49 =	vsel vm5, $0x5CAC, v49;
	v50 =	vsel vm5, $0x5CB1, v50  }
0xd2: {  	v51 =	vsel vm5, $0x5CAD, v51;
	v52 =	vsel vm5, $0x5CB2, v52;
	v53 =	vsel vm5, $0x5CAE, v53  }
0xd3: {  	v54 =	vsel vm5, $0x5CB3, v54;
	v55 =	vsel vm5, $0x5CAF, v55;
	v56 =	vsel vm5, $0x5CB4, v56  }
0xd4: {  	v57 =	vsel vm5, $0x5CB5, v57;
	v0 =	vsel vm4, $0x1530, v0;
	v1 =	vsel vm4, $0x1540, v1  }
0xd5: {  	v3 =	vsel vm4, $0x1550, v3;
	v4 =	vsel vm4, $0x1560, v4;
	v5 =	vsel vm4, $0x1570, v5  }
0xd6: {  	v6 =	vsel vm4, $0x2D30, v6;
	v7 =	vsel vm4, $0x2D40, v7;
	v8 =	vsel vm4, $0x2D50, v8  }
0xd7: {  	v9 =	vsel vm4, $0x2D60, v9;
	v10 =	vsel vm4, $0x2D70, v10;
	v11 =	vsel vm4, $0x4530, v11  }
0xd8: {  	v12 =	vsel vm4, $0x4540, v12;
	v13 =	vsel vm4, $0x4550, v13;
	v14 =	vsel vm4, $0x4560, v14  }
0xd9: {  	v15 =	vsel vm4, $0x4570, v15;
	v16 =	vsel vm4, $0x5D30, v16;
	v17 =	vsel vm4, $0x5D40, v17  }
0xda: {  	v18 =	vsel vm4, $0x5D50, v18;
	v19 =	vsel vm4, $0x5D60, v19;
	v20 =	vsel vm4, $0x5D70, v20  }
0xdb: {  	v22 =	vsel vm4, $0x152C, v22;
	v23 =	vsel vm4, $0x1531, v23;
	v24 =	vsel vm4, $0x152D, v24  }
0xdc: {  	v25 =	vsel vm4, $0x1532, v25;
	v26 =	vsel vm4, $0x152E, v26;
	v27 =	vsel vm4, $0x1533, v27  }
0xdd: {  	v28 =	vsel vm4, $0x152F, v28;
	v29 =	vsel vm4, $0x1534, v29;
	v30 =	vsel vm4, $0x1535, v30  }
0xde: {  	v31 =	vsel vm4, $0x2D2C, v31;
	v32 =	vsel vm4, $0x2D31, v32;
	v33 =	vsel vm4, $0x2D2D, v33  }
0xdf: {  	v34 =	vsel vm4, $0x2D32, v34;
	v35 =	vsel vm4, $0x2D2E, v35;
	v36 =	vsel vm4, $0x2D33, v36  }
0xe0: {  	v37 =	vsel vm4, $0x2D2F, v37;
	v38 =	vsel vm4, $0x2D34, v38;
	v39 =	vsel vm4, $0x2D35, v39  }
0xe1: {  	v40 =	vsel vm4, $0x452C, v40;
	v41 =	vsel vm4, $0x4531, v41;
	v42 =	vsel vm4, $0x452D, v42  }
0xe2: {  	v43 =	vsel vm4, $0x4532, v43;
	v44 =	vsel vm4, $0x452E, v44;
	v45 =	vsel vm4, $0x4533, v45  }
0xe3: {  	v46 =	vsel vm4, $0x452F, v46;
	v47 =	vsel vm4, $0x4534, v47;
	v48 =	vsel vm4, $0x4535, v48  }
0xe4: {  	v49 =	vsel vm4, $0x5D2C, v49;
	v50 =	vsel vm4, $0x5D31, v50;
	v51 =	vsel vm4, $0x5D2D, v51  }
0xe5: {  	v52 =	vsel vm4, $0x5D32, v52;
	v53 =	vsel vm4, $0x5D2E, v53;
	v54 =	vsel vm4, $0x5D33, v54  }
0xe6: {  	v55 =	vsel vm4, $0x5D2F, v55;
	v56 =	vsel vm4, $0x5D34, v56;
	v57 =	vsel vm4, $0x5D35, v57  }
0xe7: {  	v0 =	vsel vm3, $0x15B0, v0;
	v1 =	vsel vm3, $0x15C0, v1;
	v3 =	vsel vm3, $0x15D0, v3  }
0xe8: {  	v4 =	vsel vm3, $0x15E0, v4;
	v5 =	vsel vm3, $0x15F0, v5;
	v6 =	vsel vm3, $0x2DB0, v6  }
0xe9: {  	v7 =	vsel vm3, $0x2DC0, v7;
	v8 =	vsel vm3, $0x2DD0, v8;
	v9 =	vsel vm3, $0x2DE0, v9  }
0xea: {  	v10 =	vsel vm3, $0x2DF0, v10;
	v11 =	vsel vm3, $0x45B0, v11;
	v12 =	vsel vm3, $0x45C0, v12  }
0xeb: {  	v13 =	vsel vm3, $0x45D0, v13;
	v14 =	vsel vm3, $0x45E0, v14;
	v15 =	vsel vm3, $0x45F0, v15  }
0xec: {  	v16 =	vsel vm3, $0x5DB0, v16;
	v17 =	vsel vm3, $0x5DC0, v17;
	v18 =	vsel vm3, $0x5DD0, v18  }
0xed: {  	v19 =	vsel vm3, $0x5DE0, v19;
	v20 =	vsel vm3, $0x5DF0, v20;
	v22 =	vsel vm3, $0x15AC, v22  }
0xee: {  	v23 =	vsel vm3, $0x15B1, v23;
	v24 =	vsel vm3, $0x15AD, v24;
	v25 =	vsel vm3, $0x15B2, v25  }
0xef: {  	v26 =	vsel vm3, $0x15AE, v26;
	v27 =	vsel vm3, $0x15B3, v27;
	v28 =	vsel vm3, $0x15AF, v28  }
0xf0: {  	v29 =	vsel vm3, $0x15B4, v29;
	v30 =	vsel vm3, $0x15B5, v30;
	v31 =	vsel vm3, $0x2DAC, v31  }
0xf1: {  	v32 =	vsel vm3, $0x2DB1, v32;
	v33 =	vsel vm3, $0x2DAD, v33;
	v34 =	vsel vm3, $0x2DB2, v34  }
0xf2: {  	v35 =	vsel vm3, $0x2DAE, v35;
	v36 =	vsel vm3, $0x2DB3, v36;
	v37 =	vsel vm3, $0x2DAF, v37  }
0xf3: {  	v38 =	vsel vm3, $0x2DB4, v38;
	v39 =	vsel vm3, $0x2DB5, v39;
	v40 =	vsel vm3, $0x45AC, v40  }
0xf4: {  	v41 =	vsel vm3, $0x45B1, v41;
	v42 =	vsel vm3, $0x45AD, v42;
	v43 =	vsel vm3, $0x45B2, v43  }
0xf5: {  	v44 =	vsel vm3, $0x45AE, v44;
	v45 =	vsel vm3, $0x45B3, v45;
	v46 =	vsel vm3, $0x45AF, v46  }
0xf6: {  	v47 =	vsel vm3, $0x45B4, v47;
	v48 =	vsel vm3, $0x45B5, v48;
	v49 =	vsel vm3, $0x5DAC, v49  }
0xf7: {  	v50 =	vsel vm3, $0x5DB1, v50;
	v51 =	vsel vm3, $0x5DAD, v51;
	v52 =	vsel vm3, $0x5DB2, v52  }
0xf8: {  	v53 =	vsel vm3, $0x5DAE, v53;
	v54 =	vsel vm3, $0x5DB3, v54;
	v55 =	vsel vm3, $0x5DAF, v55  }
0xf9: {  	v56 =	vsel vm3, $0x5DB4, v56;
	v57 =	vsel vm3, $0x5DB5, v57;
	v0 =	vsel vm2, $0x1630, v0  }
0xfa: {  	v1 =	vsel vm2, $0x1640, v1;
	v3 =	vsel vm2, $0x1650, v3;
	v4 =	vsel vm2, $0x1660, v4  }
0xfb: {  	v5 =	vsel vm2, $0x1670, v5;
	v6 =	vsel vm2, $0x2E30, v6;
	v7 =	vsel vm2, $0x2E40, v7  }
0xfc: {  	v8 =	vsel vm2, $0x2E50, v8;
	v9 =	vsel vm2, $0x2E60, v9;
	v10 =	vsel vm2, $0x2E70, v10  }
0xfd: {  	v11 =	vsel vm2, $0x4630, v11;
	v12 =	vsel vm2, $0x4640, v12;
	v13 =	vsel vm2, $0x4650, v13  }
0xfe: {  	v14 =	vsel vm2, $0x4660, v14;
	v15 =	vsel vm2, $0x4670, v15;
	v16 =	vsel vm2, $0x5E30, v16  }
0xff: {  	v17 =	vsel vm2, $0x5E40, v17;
	v18 =	vsel vm2, $0x5E50, v18;
	v19 =	vsel vm2, $0x5E60, v19  }
0x100: {  	v20 =	vsel vm2, $0x5E70, v20;
	v22 =	vsel vm2, $0x162C, v22;
	v23 =	vsel vm2, $0x1631, v23  }
0x101: {  	v24 =	vsel vm2, $0x162D, v24;
	v25 =	vsel vm2, $0x1632, v25;
	v26 =	vsel vm2, $0x162E, v26  }
0x102: {  	v27 =	vsel vm2, $0x1633, v27;
	v28 =	vsel vm2, $0x162F, v28;
	v29 =	vsel vm2, $0x1634, v29  }
0x103: {  	v30 =	vsel vm2, $0x1635, v30;
	v31 =	vsel vm2, $0x2E2C, v31;
	v32 =	vsel vm2, $0x2E31, v32  }
0x104: {  	v33 =	vsel vm2, $0x2E2D, v33;
	v34 =	vsel vm2, $0x2E32, v34;
	v35 =	vsel vm2, $0x2E2E, v35  }
0x105: {  	v36 =	vsel vm2, $0x2E33, v36;
	v37 =	vsel vm2, $0x2E2F, v37;
	v38 =	vsel vm2, $0x2E34, v38  }
0x106: {  	v39 =	vsel vm2, $0x2E35, v39;
	v40 =	vsel vm2, $0x462C, v40;
	v41 =	vsel vm2, $0x4631, v41  }
0x107: {  	v42 =	vsel vm2, $0x462D, v42;
	v43 =	vsel vm2, $0x4632, v43;
	v44 =	vsel vm2, $0x462E, v44  }
0x108: {  	v45 =	vsel vm2, $0x4633, v45;
	v46 =	vsel vm2, $0x462F, v46;
	v47 =	vsel vm2, $0x4634, v47  }
0x109: {  	v48 =	vsel vm2, $0x4635, v48;
	v49 =	vsel vm2, $0x5E2C, v49;
	v50 =	vsel vm2, $0x5E31, v50  }
0x10a: {  	v51 =	vsel vm2, $0x5E2D, v51;
	v52 =	vsel vm2, $0x5E32, v52;
	v53 =	vsel vm2, $0x5E2E, v53  }
0x10b: {  	v54 =	vsel vm2, $0x5E33, v54;
	v55 =	vsel vm2, $0x5E2F, v55;
	v56 =	vsel vm2, $0x5E34, v56  }
0x10c: {  	v57 =	vsel vm2, $0x5E35, v57;
	v0 =	vsel vm1, $0x16B0, v0;
	v2 =	vsel vm1, $0x16C0, v1  }
0x10d: {  	v1 =	vimm.f32 $0.0e+00;
	v3 =	vsel vm1, $0x16D0, v3;
	v4 =	vsel vm1, $0x16E0, v4  }
0x10e: {  	v5 =	vsel vm1, $0x16F0, v5;
	v6 =	vsel vm1, $0x2EB0, v6;
	v7 =	vsel vm1, $0x2EC0, v7  }
0x10f: {  	v8 =	vsel vm1, $0x2ED0, v8;
	v9 =	vsel vm1, $0x2EE0, v9;
	v10 =	vsel vm1, $0x2EF0, v10  }
0x110: {  	v11 =	vsel vm1, $0x46B0, v11;
	v12 =	vsel vm1, $0x46C0, v12;
	v13 =	vsel vm1, $0x46D0, v13  }
0x111: {  	v14 =	vsel vm1, $0x46E0, v14;
	v15 =	vsel vm1, $0x46F0, v15;
	v16 =	vsel vm1, $0x5EB0, v16  }
0x112: {  	v17 =	vsel vm1, $0x5EC0, v17;
	v18 =	vsel vm1, $0x5ED0, v18;
	v19 =	vsel vm1, $0x5EE0, v19  }
0x113: {  	v20 =	vsel vm1, $0x5EF0, v20;
	v22 =	vsel vm1, $0x16AC, v22;
	v23 =	vsel vm1, $0x16B1, v23  }
0x114: {  	v24 =	vsel vm1, $0x16AD, v24;
	v25 =	vsel vm1, $0x16B2, v25;
	v26 =	vsel vm1, $0x16AE, v26  }
0x115: {  	v27 =	vsel vm1, $0x16B3, v27;
	v28 =	vsel vm1, $0x16AF, v28;
	v29 =	vsel vm1, $0x16B4, v29  }
0x116: {  	v30 =	vsel vm1, $0x16B5, v30;
	v31 =	vsel vm1, $0x2EAC, v31;
	v32 =	vsel vm1, $0x2EB1, v32  }
0x117: {  	v33 =	vsel vm1, $0x2EAD, v33;
	v34 =	vsel vm1, $0x2EB2, v34;
	v35 =	vsel vm1, $0x2EAE, v35  }
0x118: {  	v36 =	vsel vm1, $0x2EB3, v36;
	v37 =	vsel vm1, $0x2EAF, v37;
	v38 =	vsel vm1, $0x2EB4, v38  }
0x119: {  	v39 =	vsel vm1, $0x2EB5, v39;
	v40 =	vsel vm1, $0x46AC, v40;
	v41 =	vsel vm1, $0x46B1, v41  }
0x11a: {  	v42 =	vsel vm1, $0x46AD, v42;
	v43 =	vsel vm1, $0x46B2, v43;
	v44 =	vsel vm1, $0x46AE, v44  }
0x11b: {  	v45 =	vsel vm1, $0x46B3, v45;
	v46 =	vsel vm1, $0x46AF, v46;
	v47 =	vsel vm1, $0x46B4, v47  }
0x11c: {  	v48 =	vsel vm1, $0x46B5, v48;
	v49 =	vsel vm1, $0x5EAC, v49;
	v50 =	vsel vm1, $0x5EB1, v50  }
0x11d: {  	v51 =	vsel vm1, $0x5EAD, v51;
	v52 =	vsel vm1, $0x5EB2, v52;
	v53 =	vsel vm1, $0x5EAE, v53  }
0x11e: {  	v54 =	vsel vm1, $0x5EB3, v54;
	v55 =	vsel vm1, $0x5EAF, v55;
	v56 =	vsel vm1, $0x5EB4, v56  }
0x11f: {  	v57 =	vsel vm1, $0x5EB5, v57;
	v0 =	vsel vm0, $0x1730, v0;
	v2 =	vsel vm0, $0x1740, v2  }
0x120: {  	v3 =	vsel vm0, $0x1750, v3;
	v4 =	vsel vm0, $0x1760, v4;
	v5 =	vsel vm0, $0x1770, v5  }
0x121: {  	v6 =	vsel vm0, $0x2F30, v6;
	v7 =	vsel vm0, $0x2F40, v7;
	v8 =	vsel vm0, $0x2F50, v8  }
0x122: {  	v9 =	vsel vm0, $0x2F60, v9;
	v10 =	vsel vm0, $0x2F70, v10;
	v11 =	vsel vm0, $0x4730, v11  }
0x123: {  	s0 =	rddreg [dreg:$0x0];
	v12 =	vsel vm0, $0x4740, v12;
	v13 =	vsel vm0, $0x4750, v13;
	v14 =	vsel vm0, $0x4760, v14  }
0x124: {  	s2 =	rddreg [dreg:$0x1];
	v15 =	vsel vm0, $0x4770, v15;
	v16 =	vsel vm0, $0x5F30, v16;
	v17 =	vsel vm0, $0x5F40, v17  }
0x125: {  	s3 =	rddreg [dreg:$0x2];
	v18 =	vsel vm0, $0x5F50, v18;
	v19 =	vsel vm0, $0x5F60, v19;
	v20 =	vsel vm0, $0x5F70, v20  }
0x126: {  	s6 =	rddreg [dreg:$0x3];
	s5 =	srdreg.scid;
	v22 =	vsel vm0, $0x172C, v22;
	v23 =	vsel vm0, $0x1731, v23;
	v24 =	vsel vm0, $0x172D, v24  }
0x127: {  	s1 =	stileid.u32;
	s4 =	rddreg [dreg:$0x6];
	s12 =	simm.s32 $0x4B00;
	v25 =	vsel vm0, $0x1732, v25;
	v26 =	vsel vm0, $0x172E, v26;
	v27 =	vsel vm0, $0x1733, v27  }
0x128: {  	s13 =	simm.s32 $0x5;
	s14 =	simm.s32 $0x52D0;
	s15 =	simm.s32 $0x1900;
	v28 =	vsel vm0, $0x172F, v28;
	v29 =	vsel vm0, $0x1734, v29;
	v30 =	vsel vm0, $0x1735, v30  }
0x129: {  	s16 =	simm.s32 $0x3200;
	s17 =	simm.s32 $0xF2A0;
	s18 =	simm.s32 $0x152A0;
	v31 =	vsel vm0, $0x2F2C, v31;
	v32 =	vsel vm0, $0x2F31, v32;
	v33 =	vsel vm0, $0x2F2D, v33  }
0x12a: {  	s19 =	simm.s32 $0x40;
	s20 =	simm.s32 $0x5AA0;
	s21 =	simm.s32 $0xA6A0;
	v34 =	vsel vm0, $0x2F32, v34;
	v35 =	vsel vm0, $0x2F2E, v35;
	v36 =	vsel vm0, $0x2F33, v36  }
0x12b: {  	s22 =	simm.s32 $0x1;
	s23 =	simm.s32 $0x2;
	s24 =	simm.s32 $0x4;
	v37 =	vsel vm0, $0x2F2F, v37;
	v38 =	vsel vm0, $0x2F34, v38;
	v39 =	vsel vm0, $0x2F35, v39  }
0x12c: {  	s25 =	simm.s32 $0x3;
	s7 =	sand.u32 $0x1, s5;
	s8 =	sshll.u32 s1, $0x1;
	v40 =	vsel vm0, $0x472C, v40;
	v41 =	vsel vm0, $0x4731, v41;
	v42 =	vsel vm0, $0x472D, v42  }
0x12d: {  	s26 =	simm.s32 $0x0;
	s5 =	simm.s32 $0x0;
	s8 =	sor.u32 s7, s8;
	v43 =	vsel vm0, $0x4732, v43;
	v44 =	vsel vm0, $0x472E, v44;
	v45 =	vsel vm0, $0x4733, v45  }
0x12e: {  	[smem:$0x7FF] =	sst s5;
	s7 =	ssub.s32 $0x2, s7;
	s10 =	smul.u32 $0x320, s8;
	v46 =	vsel vm0, $0x472F, v46;
	v47 =	vsel vm0, $0x4734, v47;
	v48 =	vsel vm0, $0x4735, v48  }
0x12f: {  	s6 =	sadd.s32 $0x400, s6;
	_ =	strace $0x80000047;
	s9 =	sshrl.u32 s7, $0x1;
	v49 =	vsel vm0, $0x5F2C, v49;
	v50 =	vsel vm0, $0x5F31, v50;
	v51 =	vsel vm0, $0x5F2D, v51  }
0x130: {  	s11 =	ssub.s32 s7, s9;
	s7 =	smul.u32 $0x258000, s8;
	s8 =	sadd.s32 s0, s10;
	v52 =	vsel vm0, $0x5F32, v52;
	v53 =	vsel vm0, $0x5F2E, v53;
	v54 =	vsel vm0, $0x5F33, v54  }
0x131: {  	s9 =	sadd.s32 s2, s10;
	s10 =	sadd.s32 s3, s10;
	s11 =	smax.u32 s11, $0x1;
	v55 =	vsel vm0, $0x5F2F, v55;
	v56 =	vsel vm0, $0x5F34, v56;
	v57 =	vsel vm0, $0x5F35, v57  }
.LBB2_1:
0x132: {  	s0 =	rddreg [dreg:$0x4]  }
0x133: {  	[tilespmem:s12], [sflag:$0x5] =	stream.linear.gather [hbm4b:s0+s5], $0x7D0, $0x38;
	[tilespmem:$0x1B2A0] =	vst v63  }
0x134: {  	_ =	swait.ge [sflag:s13], $0x7D0  }
0x135: {  	[sflag:s13] =	ssyncset.done $0x0  }
0x136: {  	[sflag:s13] =	ssyncadd.s32 $0xFFFFF830  }
0x137: {  	s31 =	rddreg [dreg:$0x5]  }
0x138: {  	[tilespmem:s14], [sflag:$0x5] =	stream.linear.gather [hbm4b:s31+s5], $0x7D0, $0x38;
	[tilespmem:$0x1B2A0] =	vst v63  }
0x139: {  	_ =	swait.ge [sflag:s13], $0x7D0  }
0x13a: {  	[sflag:s13] =	ssyncset.done $0x0  }
0x13b: {  	[sflag:s13] =	ssyncadd.s32 $0xFFFFF830  }
0x13c: {  	[tilespmem:s5], [sflag:$0x5] =	stream.linear.gather [hbm4b:s8+s5], $0x1900, $0x38;
	[tilespmem:$0x1B2A0] =	vst v63  }
0x13d: {  	_ =	swait.ge [sflag:s13], $0x1900  }
0x13e: {  	[sflag:s13] =	ssyncset.done $0x0  }
0x13f: {  	[sflag:s13] =	ssyncadd.s32 $0xFFFFE700  }
0x140: {  	[tilespmem:s15], [sflag:$0x5] =	stream.linear.gather [hbm4b:s9+s5], $0x1900, $0x38;
	[tilespmem:$0x1B2A0] =	vst v63  }
0x141: {  	_ =	swait.ge [sflag:s13], $0x1900  }
0x142: {  	[sflag:s13] =	ssyncset.done $0x0  }
0x143: {  	[sflag:s13] =	ssyncadd.s32 $0xFFFFE700  }
0x144: {  	[tilespmem:s16], [sflag:$0x5] =	stream.linear.gather [hbm4b:s10+s5], $0x1900, $0x38;
	[tilespmem:$0x1B2A0] =	vst v63  }
0x145: {  	_ =	swait.ge [sflag:s13], $0x1900  }
0x146: {  	[sflag:s13] =	ssyncset.done $0x0  }
0x147: {  	[sflag:s13] =	ssyncadd.s32 $0xFFFFE700  }
0x148: {  	[tilespmem:v0+s17+$0x0] =	vst.idx.msk $0xffff, v1  }
0x149: {  	[tilespmem:v2+s17+$0x0] =	vst.idx.msk $0xffff, v1  }
0x14a: {  	[tilespmem:v3+s17+$0x0] =	vst.idx.msk $0xffff, v1  }
0x14b: {  	[tilespmem:v4+s17+$0x0] =	vst.idx.msk $0xffff, v1  }
0x14c: {  	[tilespmem:v5+s17+$0x0] =	vst.idx.msk $0xffff, v1  }
0x14d: {  	[tilespmem:v6+s17+$0x0] =	vst.idx.msk $0xffff, v1  }
0x14e: {  	[tilespmem:v7+s17+$0x0] =	vst.idx.msk $0xffff, v1  }
0x14f: {  	[tilespmem:v8+s17+$0x0] =	vst.idx.msk $0xffff, v1  }
0x150: {  	[tilespmem:v9+s17+$0x0] =	vst.idx.msk $0xffff, v1  }
0x151: {  	[tilespmem:v10+s17+$0x0] =	vst.idx.msk $0xffff, v1  }
0x152: {  	[tilespmem:v11+s17+$0x0] =	vst.idx.msk $0xffff, v1  }
0x153: {  	[tilespmem:v12+s17+$0x0] =	vst.idx.msk $0xffff, v1  }
0x154: {  	[tilespmem:v13+s17+$0x0] =	vst.idx.msk $0xffff, v1  }
0x155: {  	[tilespmem:v14+s17+$0x0] =	vst.idx.msk $0xffff, v1  }
0x156: {  	[tilespmem:v15+s17+$0x0] =	vst.idx.msk $0xffff, v1  }
0x157: {  	[tilespmem:v16+s17+$0x0] =	vst.idx.msk $0xffff, v1  }
0x158: {  	[tilespmem:v17+s17+$0x0] =	vst.idx.msk $0xffff, v1  }
0x159: {  	[tilespmem:v18+s17+$0x0] =	vst.idx.msk $0xffff, v1  }
0x15a: {  	[tilespmem:v19+s17+$0x0] =	vst.idx.msk $0xffff, v1  }
0x15b: {  	[tilespmem:v20+s17+$0x0] =	vst.idx.msk $0xffff, v1  }
0x15c: {  	[tilespmem:v0+s18+$0x0] =	vst.idx.msk $0xffff, v1  }
0x15d: {  	[tilespmem:v2+s18+$0x0] =	vst.idx.msk $0xffff, v1  }
0x15e: {  	[tilespmem:v3+s18+$0x0] =	vst.idx.msk $0xffff, v1  }
0x15f: {  	[tilespmem:v4+s18+$0x0] =	vst.idx.msk $0xffff, v1  }
0x160: {  	[tilespmem:v5+s18+$0x0] =	vst.idx.msk $0xffff, v1  }
0x161: {  	[tilespmem:v6+s18+$0x0] =	vst.idx.msk $0xffff, v1  }
0x162: {  	[tilespmem:v7+s18+$0x0] =	vst.idx.msk $0xffff, v1  }
0x163: {  	[tilespmem:v8+s18+$0x0] =	vst.idx.msk $0xffff, v1  }
0x164: {  	[tilespmem:v9+s18+$0x0] =	vst.idx.msk $0xffff, v1  }
0x165: {  	[tilespmem:v10+s18+$0x0] =	vst.idx.msk $0xffff, v1  }
0x166: {  	[tilespmem:v11+s18+$0x0] =	vst.idx.msk $0xffff, v1  }
0x167: {  	[tilespmem:v12+s18+$0x0] =	vst.idx.msk $0xffff, v1  }
0x168: {  	[tilespmem:v13+s18+$0x0] =	vst.idx.msk $0xffff, v1  }
0x169: {  	[tilespmem:v14+s18+$0x0] =	vst.idx.msk $0xffff, v1  }
0x16a: {  	[tilespmem:v15+s18+$0x0] =	vst.idx.msk $0xffff, v1  }
0x16b: {  	[tilespmem:v16+s18+$0x0] =	vst.idx.msk $0xffff, v1  }
0x16c: {  	[tilespmem:v17+s18+$0x0] =	vst.idx.msk $0xffff, v1  }
0x16d: {  	[tilespmem:v18+s18+$0x0] =	vst.idx.msk $0xffff, v1  }
0x16e: {  	[tilespmem:v19+s18+$0x0] =	vst.idx.msk $0xffff, v1  }
0x16f: {  	s28 =	simm.s32 $0x0;
	[tilespmem:v20+s18+$0x0] =	vst.idx.msk $0xffff, v1  }
0x170: {  	[tilespmem:s20], [sflag:$0x1] =	stream.indirect.gather [hbm4b:s6+s19], $0x130, s5, s19, $0xb8;
	[tilespmem:$0x1B2A0] =	vst v63  }
.LBB2_2:
0x171: {  	s29 =	sshllo.u32 s28, $0x1  }
0x172: {  	s30 =	sshll.u32 s29, $0x6  }
0x173: {  	s0 =	sand.u32 $0x3FFFFFC0, s30  }
0x174: {  	[tilespmem:s21], [sflag:$0x2] =	stream.indirect.gather [hbm4b:s6+s19], $0x130, s0, s19, $0xb8;
	[tilespmem:$0x1B2A0] =	vst v63  }
0x175: {  	_ =	swait.ge [sflag:s22], $0x4C00  }
0x176: {  	p0 =	seq.s32 s28, $0x0;
	[sflag:s22] =	ssyncset.done $0x0  }
0x177: {  	s2 =	simm.s32 $0x0;
	s0 =	simm.s32 @!p0 $0x3;
	[sflag:s22] =	ssyncadd.s32 $0xFFFFB400  }
0x178: {  	s31 =	simm.s32 $0x0;
	s2 =	smul.u32 $0xC00, s2;
	_ =	swait.ge @!p0 [sflag:s0], $0x6000  }
0x179: {  	s1 =	sand.u32 $0x380, s31;
	[sflag:s0] =	ssyncset.done @!p0 $0x0  }
0x17a: {  	s3 =	simm.s32 $0x5B30;
	[sflag:s0] =	ssyncadd.s32 @!p0 $0xFFFFA000;
	s0 =	sor.u32 s1, s2  }
0x17b: {  	v58 =	vld [tilespmem:s3+$0xFFFFFF70];
	v59 =	vor.u32 s0, v21;
	_ =	sdelay $0x4  }
0x17c: {  	s1 =	sor.u32 $0x10, s0;
	[tilespmem:v59+s17+$0x0] =	vst.idx.msk $0xffff, v58  }
0x17d: {  	v63 =	vor.u32 s1, v21;
	v58 =	vld [tilespmem:s3+$0xFFFFFF80];
	_ =	sdelay $0x4  }
0x17e: {  	s2 =	sor.u32 $0x20, s0;
	[tilespmem:v63+s17+$0x0] =	vst.idx.msk $0xffff, v58  }
0x17f: {  	v60 =	vor.u32 s2, v21;
	v58 =	vld [tilespmem:s3+$0xFFFFFF90];
	_ =	sdelay $0x4  }
0x180: {  	s2 =	sor.u32 $0x30, s0;
	[tilespmem:v60+s17+$0x0] =	vst.idx.msk $0xffff, v58  }
0x181: {  	v61 =	vor.u32 s2, v21;
	v58 =	vld [tilespmem:s3+$0xFFFFFFA0];
	_ =	sdelay $0x4  }
0x182: {  	s2 =	sor.u32 $0x40, s0;
	[tilespmem:v61+s17+$0x0] =	vst.idx.msk $0xffff, v58  }
0x183: {  	v62 =	vor.u32 s2, v21;
	v58 =	vld [tilespmem:s3+$0xFFFFFFB0];
	_ =	sdelay $0x4  }
0x184: {  	s2 =	sor.u32 $0x50, s0;
	[tilespmem:v62+s17+$0x0] =	vst.idx.msk $0xffff, v58  }
0x185: {  	v63 =	vor.u32 s2, v21;
	v58 =	vld [tilespmem:s3+$0xFFFFFFC0];
	_ =	sdelay $0x4  }
0x186: {  	s2 =	sor.u32 $0x60, s0;
	[tilespmem:v63+s17+$0x0] =	vst.idx.msk $0xffff, v58  }
0x187: {  	v60 =	vor.u32 s2, v21;
	v58 =	vld [tilespmem:s3+$0xFFFFFFD0];
	_ =	sdelay $0x4  }
0x188: {  	s2 =	sor.u32 $0x70, s0;
	[tilespmem:v60+s17+$0x0] =	vst.idx.msk $0xffff, v58  }
0x189: {  	v61 =	vor.u32 s2, v21;
	v58 =	vld [tilespmem:s3+$0xFFFFFFE0];
	_ =	sdelay $0x4  }
0x18a: {  	s2 =	sadd.s32 $0x400, s0;
	[tilespmem:v61+s17+$0x0] =	vst.idx.msk $0xffff, v58  }
0x18b: {  	v62 =	vor.u32 s2, v21;
	v58 =	vld [tilespmem:s3+$0xFFFFFFF0];
	_ =	sdelay $0x4  }
0x18c: {  	s2 =	sadd.s32 $0x410, s0;
	[tilespmem:v62+s17+$0x0] =	vst.idx.msk $0xffff, v58  }
0x18d: {  	v63 =	vor.u32 s2, v21;
	v58 =	vld [tilespmem:s3+$0x0];
	_ =	sdelay $0x4  }
0x18e: {  	s2 =	sadd.s32 $0x420, s0;
	[tilespmem:v63+s17+$0x0] =	vst.idx.msk $0xffff, v58  }
0x18f: {  	v60 =	vor.u32 s2, v21;
	v58 =	vld [tilespmem:s3+$0x10];
	_ =	sdelay $0x4  }
0x190: {  	s2 =	sadd.s32 $0x430, s0;
	[tilespmem:v60+s17+$0x0] =	vst.idx.msk $0xffff, v58  }
0x191: {  	v61 =	vor.u32 s2, v21;
	v58 =	vld [tilespmem:s3+$0x20];
	_ =	sdelay $0x4  }
0x192: {  	s2 =	sadd.s32 $0x440, s0;
	[tilespmem:v61+s17+$0x0] =	vst.idx.msk $0xffff, v58  }
0x193: {  	v62 =	vor.u32 s2, v21;
	v58 =	vld [tilespmem:s3+$0x30];
	_ =	sdelay $0x4  }
0x194: {  	s2 =	sadd.s32 $0x450, s0;
	[tilespmem:v62+s17+$0x0] =	vst.idx.msk $0xffff, v58  }
0x195: {  	v63 =	vor.u32 s2, v21;
	v58 =	vld [tilespmem:s3+$0x40];
	_ =	sdelay $0x4  }
0x196: {  	s2 =	sadd.s32 $0x460, s0;
	[tilespmem:v63+s17+$0x0] =	vst.idx.msk $0xffff, v58  }
0x197: {  	v60 =	vor.u32 s2, v21;
	v58 =	vld [tilespmem:s3+$0x50];
	_ =	sdelay $0x4  }
0x198: {  	s2 =	sadd.s32 $0x470, s0;
	[tilespmem:v60+s17+$0x0] =	vst.idx.msk $0xffff, v58  }
0x199: {  	v61 =	vor.u32 s2, v21;
	v58 =	vld [tilespmem:s3+$0x60];
	_ =	sdelay $0x4  }
0x19a: {  	s2 =	sadd.s32 $0x800, s0;
	[tilespmem:v61+s17+$0x0] =	vst.idx.msk $0xffff, v58  }
0x19b: {  	v62 =	vor.u32 s2, v21;
	v58 =	vld [tilespmem:s3+$0x70];
	_ =	sdelay $0x4  }
0x19c: {  	s2 =	sadd.s32 $0x810, s0;
	[tilespmem:v62+s17+$0x0] =	vst.idx.msk $0xffff, v58  }
0x19d: {  	v63 =	vor.u32 s2, v21;
	v58 =	vld [tilespmem:s3+$0x80];
	_ =	sdelay $0x4  }
0x19e: {  	s0 =	sadd.s32 $0x820, s0;
	[tilespmem:v63+s17+$0x0] =	vst.idx.msk $0xffff, v58  }
0x19f: {  	v59 =	vor.u32 s0, v21;
	v58 =	vld [tilespmem:s3+$0x90];
	_ =	sdelay $0x1  }
0x1a0: {  	s0 =	simm.s32 $0x0;
	s2 =	simm.s32 $0x2  }
.LBB2_3:
0x1a1: {  	p1 =	sne.s32 s2, $0x3F;
	s0 =	smul.u32 $0xC00, s0;
	s31 =	sadd.s32 $0x80, s31  }
0x1a2: {  	s1 =	sand.u32 $0x380, s31  }
0x1a3: {  	s3 =	sadd.s32 $0x130, s3;
	s0 =	sor.u32 s1, s0;
	[tilespmem:v59+s17+$0x0] =	vst.idx.msk $0xffff, v58  }
0x1a4: {  	v58 =	vld [tilespmem:s3+$0xFFFFFF70];
	v59 =	vor.u32 s0, v21;
	_ =	sdelay $0x4  }
0x1a5: {  	s1 =	sor.u32 $0x10, s0;
	[tilespmem:v59+s17+$0x0] =	vst.idx.msk $0xffff, v58  }
0x1a6: {  	v59 =	vor.u32 s1, v21;
	v58 =	vld [tilespmem:s3+$0xFFFFFF80];
	_ =	sdelay $0x4  }
0x1a7: {  	s1 =	sor.u32 $0x20, s0;
	[tilespmem:v59+s17+$0x0] =	vst.idx.msk $0xffff, v58  }
0x1a8: {  	v59 =	vor.u32 s1, v21;
	v58 =	vld [tilespmem:s3+$0xFFFFFF90];
	_ =	sdelay $0x4  }
0x1a9: {  	s1 =	sor.u32 $0x30, s0;
	[tilespmem:v59+s17+$0x0] =	vst.idx.msk $0xffff, v58  }
0x1aa: {  	v59 =	vor.u32 s1, v21;
	v58 =	vld [tilespmem:s3+$0xFFFFFFA0];
	_ =	sdelay $0x4  }
0x1ab: {  	s1 =	sor.u32 $0x40, s0;
	[tilespmem:v59+s17+$0x0] =	vst.idx.msk $0xffff, v58  }
0x1ac: {  	v59 =	vor.u32 s1, v21;
	v58 =	vld [tilespmem:s3+$0xFFFFFFB0];
	_ =	sdelay $0x4  }
0x1ad: {  	s1 =	sor.u32 $0x50, s0;
	[tilespmem:v59+s17+$0x0] =	vst.idx.msk $0xffff, v58  }
0x1ae: {  	v59 =	vor.u32 s1, v21;
	v58 =	vld [tilespmem:s3+$0xFFFFFFC0];
	_ =	sdelay $0x4  }
0x1af: {  	s1 =	sor.u32 $0x60, s0;
	[tilespmem:v59+s17+$0x0] =	vst.idx.msk $0xffff, v58  }
0x1b0: {  	v59 =	vor.u32 s1, v21;
	v58 =	vld [tilespmem:s3+$0xFFFFFFD0];
	_ =	sdelay $0x4  }
0x1b1: {  	s1 =	sor.u32 $0x70, s0;
	[tilespmem:v59+s17+$0x0] =	vst.idx.msk $0xffff, v58  }
0x1b2: {  	v59 =	vor.u32 s1, v21;
	v58 =	vld [tilespmem:s3+$0xFFFFFFE0];
	_ =	sdelay $0x4  }
0x1b3: {  	s1 =	sadd.s32 $0x400, s0;
	[tilespmem:v59+s17+$0x0] =	vst.idx.msk $0xffff, v58  }
0x1b4: {  	v59 =	vor.u32 s1, v21;
	v58 =	vld [tilespmem:s3+$0xFFFFFFF0];
	_ =	sdelay $0x4  }
0x1b5: {  	s1 =	sadd.s32 $0x410, s0;
	[tilespmem:v59+s17+$0x0] =	vst.idx.msk $0xffff, v58  }
0x1b6: {  	v59 =	vor.u32 s1, v21;
	v58 =	vld [tilespmem:s3+$0x0];
	_ =	sdelay $0x4  }
0x1b7: {  	s1 =	sadd.s32 $0x420, s0;
	[tilespmem:v59+s17+$0x0] =	vst.idx.msk $0xffff, v58  }
0x1b8: {  	v59 =	vor.u32 s1, v21;
	v58 =	vld [tilespmem:s3+$0x10];
	_ =	sdelay $0x4  }
0x1b9: {  	s1 =	sadd.s32 $0x430, s0;
	[tilespmem:v59+s17+$0x0] =	vst.idx.msk $0xffff, v58  }
0x1ba: {  	v59 =	vor.u32 s1, v21;
	v58 =	vld [tilespmem:s3+$0x20];
	_ =	sdelay $0x4  }
0x1bb: {  	s1 =	sadd.s32 $0x440, s0;
	[tilespmem:v59+s17+$0x0] =	vst.idx.msk $0xffff, v58  }
0x1bc: {  	v59 =	vor.u32 s1, v21;
	v58 =	vld [tilespmem:s3+$0x30];
	_ =	sdelay $0x4  }
0x1bd: {  	s1 =	sadd.s32 $0x450, s0;
	[tilespmem:v59+s17+$0x0] =	vst.idx.msk $0xffff, v58  }
0x1be: {  	v59 =	vor.u32 s1, v21;
	v58 =	vld [tilespmem:s3+$0x40];
	_ =	sdelay $0x4  }
0x1bf: {  	s1 =	sadd.s32 $0x460, s0;
	[tilespmem:v59+s17+$0x0] =	vst.idx.msk $0xffff, v58  }
0x1c0: {  	v59 =	vor.u32 s1, v21;
	v58 =	vld [tilespmem:s3+$0x50];
	_ =	sdelay $0x4  }
0x1c1: {  	s1 =	sadd.s32 $0x470, s0;
	[tilespmem:v59+s17+$0x0] =	vst.idx.msk $0xffff, v58  }
0x1c2: {  	v59 =	vor.u32 s1, v21;
	v58 =	vld [tilespmem:s3+$0x60];
	_ =	sdelay $0x4  }
0x1c3: {  	s1 =	sadd.s32 $0x800, s0;
	[tilespmem:v59+s17+$0x0] =	vst.idx.msk $0xffff, v58  }
0x1c4: {  	v59 =	vor.u32 s1, v21;
	v58 =	vld [tilespmem:s3+$0x70];
	_ =	sdelay $0x4  }
0x1c5: {  	s1 =	sadd.s32 $0x810, s0;
	[tilespmem:v59+s17+$0x0] =	vst.idx.msk $0xffff, v58  }
0x1c6: {  	v59 =	vor.u32 s1, v21;
	v58 =	vld [tilespmem:s3+$0x80];
	_ =	sdelay $0x3  }
.Ltmp0:
0x1c7: {  	(pc) =	sbr.rel @p1 .LBB2_3-.Ltmp0, $3  }
0x1c8: {  	s0 =	sadd.s32 $0x820, s0;
	[tilespmem:v59+s17+$0x0] =	vst.idx.msk $0xffff, v58  }
0x1c9: {  	v59 =	vor.u32 s0, v21;
	v58 =	vld [tilespmem:s3+$0x90];
	_ =	sdelay $0x1  }
0x1ca: {  	s0 =	sshrl.u32 s2, $0x3;
	s2 =	sadd.s32 $0x1, s2  }
0x1cb: {  	_ =	sdelay $0x1  }
0x1cc: {  	s0 =	smul.u32 $0xC00, s0;
	s1 =	sadd.s32 $0x80, s31  }
0x1cd: {  	s1 =	sand.u32 $0x380, s1  }
0x1ce: {  	s2 =	sadd.s32 $0x130, s3;
	s0 =	sor.u32 s1, s0;
	[tilespmem:v59+s17+$0x0] =	vst.idx.msk $0xffff, v58  }
0x1cf: {  	v58 =	vld [tilespmem:s2+$0xFFFFFF70];
	v62 =	vor.u32 s0, v21;
	_ =	sdelay $0x4  }
0x1d0: {  	s1 =	sor.u32 $0x10, s0;
	[tilespmem:v62+s17+$0x0] =	vst.idx.msk $0xffff, v58  }
0x1d1: {  	v63 =	vor.u32 s1, v21;
	v58 =	vld [tilespmem:s2+$0xFFFFFF80];
	_ =	sdelay $0x4  }
0x1d2: {  	s31 =	sor.u32 $0x20, s0;
	[tilespmem:v63+s17+$0x0] =	vst.idx.msk $0xffff, v58  }
0x1d3: {  	v60 =	vor.u32 s31, v21;
	v58 =	vld [tilespmem:s2+$0xFFFFFF90];
	_ =	sdelay $0x4  }
0x1d4: {  	s3 =	sor.u32 $0x30, s0;
	[tilespmem:v60+s17+$0x0] =	vst.idx.msk $0xffff, v58  }
0x1d5: {  	v61 =	vor.u32 s3, v21;
	v58 =	vld [tilespmem:s2+$0xFFFFFFA0];
	_ =	sdelay $0x4  }
0x1d6: {  	s31 =	sor.u32 $0x40, s0;
	[tilespmem:v61+s17+$0x0] =	vst.idx.msk $0xffff, v58  }
0x1d7: {  	v62 =	vor.u32 s31, v21;
	v58 =	vld [tilespmem:s2+$0xFFFFFFB0];
	_ =	sdelay $0x4  }
0x1d8: {  	s3 =	sor.u32 $0x50, s0;
	[tilespmem:v62+s17+$0x0] =	vst.idx.msk $0xffff, v58  }
0x1d9: {  	v63 =	vor.u32 s3, v21;
	v58 =	vld [tilespmem:s2+$0xFFFFFFC0];
	_ =	sdelay $0x4  }
0x1da: {  	s31 =	sor.u32 $0x60, s0;
	[tilespmem:v63+s17+$0x0] =	vst.idx.msk $0xffff, v58  }
0x1db: {  	v60 =	vor.u32 s31, v21;
	v58 =	vld [tilespmem:s2+$0xFFFFFFD0];
	_ =	sdelay $0x4  }
0x1dc: {  	s3 =	sor.u32 $0x70, s0;
	[tilespmem:v60+s17+$0x0] =	vst.idx.msk $0xffff, v58  }
0x1dd: {  	v61 =	vor.u32 s3, v21;
	v58 =	vld [tilespmem:s2+$0xFFFFFFE0];
	_ =	sdelay $0x4  }
0x1de: {  	s31 =	sadd.s32 $0x400, s0;
	[tilespmem:v61+s17+$0x0] =	vst.idx.msk $0xffff, v58  }
0x1df: {  	v62 =	vor.u32 s31, v21;
	v58 =	vld [tilespmem:s2+$0xFFFFFFF0];
	_ =	sdelay $0x4  }
0x1e0: {  	s3 =	sadd.s32 $0x410, s0;
	[tilespmem:v62+s17+$0x0] =	vst.idx.msk $0xffff, v58  }
0x1e1: {  	v63 =	vor.u32 s3, v21;
	v58 =	vld [tilespmem:s2+$0x0];
	_ =	sdelay $0x4  }
0x1e2: {  	s31 =	sadd.s32 $0x420, s0;
	[tilespmem:v63+s17+$0x0] =	vst.idx.msk $0xffff, v58  }
0x1e3: {  	v60 =	vor.u32 s31, v21;
	v58 =	vld [tilespmem:s2+$0x10];
	_ =	sdelay $0x4  }
0x1e4: {  	s3 =	sadd.s32 $0x430, s0;
	[tilespmem:v60+s17+$0x0] =	vst.idx.msk $0xffff, v58  }
0x1e5: {  	v61 =	vor.u32 s3, v21;
	v58 =	vld [tilespmem:s2+$0x20];
	_ =	sdelay $0x4  }
0x1e6: {  	s31 =	sadd.s32 $0x440, s0;
	[tilespmem:v61+s17+$0x0] =	vst.idx.msk $0xffff, v58  }
0x1e7: {  	v62 =	vor.u32 s31, v21;
	v58 =	vld [tilespmem:s2+$0x30];
	_ =	sdelay $0x4  }
0x1e8: {  	s3 =	sadd.s32 $0x450, s0;
	[tilespmem:v62+s17+$0x0] =	vst.idx.msk $0xffff, v58  }
0x1e9: {  	v63 =	vor.u32 s3, v21;
	v58 =	vld [tilespmem:s2+$0x40];
	_ =	sdelay $0x4  }
0x1ea: {  	s31 =	sadd.s32 $0x460, s0;
	[tilespmem:v63+s17+$0x0] =	vst.idx.msk $0xffff, v58  }
0x1eb: {  	v60 =	vor.u32 s31, v21;
	v58 =	vld [tilespmem:s2+$0x50];
	_ =	sdelay $0x4  }
0x1ec: {  	s3 =	sadd.s32 $0x470, s0;
	[tilespmem:v60+s17+$0x0] =	vst.idx.msk $0xffff, v58  }
0x1ed: {  	v61 =	vor.u32 s3, v21;
	v58 =	vld [tilespmem:s2+$0x60];
	_ =	sdelay $0x4  }
0x1ee: {  	s31 =	sadd.s32 $0x800, s0;
	[tilespmem:v61+s17+$0x0] =	vst.idx.msk $0xffff, v58  }
0x1ef: {  	v62 =	vor.u32 s31, v21;
	v58 =	vld [tilespmem:s2+$0x70];
	_ =	sdelay $0x4  }
0x1f0: {  	s3 =	sadd.s32 $0x810, s0;
	[tilespmem:v62+s17+$0x0] =	vst.idx.msk $0xffff, v58  }
0x1f1: {  	v63 =	vor.u32 s3, v21;
	v58 =	vld [tilespmem:s2+$0x80];
	_ =	sdelay $0x4  }
0x1f2: {  	s0 =	sadd.s32 $0x820, s0;
	[tilespmem:v63+s17+$0x0] =	vst.idx.msk $0xffff, v58  }
0x1f3: {  	v60 =	vor.u32 s0, v21;
	v58 =	vld [tilespmem:s2+$0x90];
	_ =	sdelay $0x4  }
0x1f4: {  	s0 =	sshll.u32 s28, $0x7;
	[tilespmem:v60+s17+$0x0] =	vst.idx.msk $0xffff, v58  }
0x1f5: {  	v58 =	vld [tilespmem:s0+$0x1900];
	_ =	sdelay $0x4  }
0x1f6: {  	v58 =	vmul.u32 $0x5, v58  }
0x1f7: {  	v59 =	vld [tilespmem:s0+$0x3200];
	_ =	sdelay $0x4  }
0x1f8: {  	v59 =	vmul.u32 $0x5, v59;
	v60 =	vld.idx.msk [tilespmem:v58+s12+$0x0], $0xffff;
	_ =	sdelay $0x4  }
0x1f9: {  	[tilespmem:v22+s17+$0x0] =	vst.idx.msk $0xffff, v60  }
0x1fa: {  	v60 =	vld.idx.msk [tilespmem:v59+s14+$0x0], $0xffff  }
0x1fb: {  	v61 =	vadd.s32 $0x1, v58;
	_ =	sdelay $0x3  }
0x1fc: {  	[tilespmem:v23+s17+$0x0] =	vst.idx.msk $0xffff, v60  }
0x1fd: {  	v60 =	vld.idx.msk [tilespmem:v61+s12+$0x0], $0xffff  }
0x1fe: {  	v61 =	vadd.s32 $0x1, v59;
	_ =	sdelay $0x3  }
0x1ff: {  	[tilespmem:v24+s17+$0x0] =	vst.idx.msk $0xffff, v60  }
0x200: {  	v60 =	vld.idx.msk [tilespmem:v61+s14+$0x0], $0xffff  }
0x201: {  	v61 =	vadd.s32 $0x2, v58;
	_ =	sdelay $0x3  }
0x202: {  	[tilespmem:v25+s17+$0x0] =	vst.idx.msk $0xffff, v60  }
0x203: {  	v60 =	vld.idx.msk [tilespmem:v61+s12+$0x0], $0xffff  }
0x204: {  	v61 =	vadd.s32 $0x2, v59;
	_ =	sdelay $0x3  }
0x205: {  	[tilespmem:v26+s17+$0x0] =	vst.idx.msk $0xffff, v60  }
0x206: {  	v60 =	vld.idx.msk [tilespmem:v61+s14+$0x0], $0xffff  }
0x207: {  	v61 =	vadd.s32 $0x3, v58;
	_ =	sdelay $0x3  }
0x208: {  	[tilespmem:v27+s17+$0x0] =	vst.idx.msk $0xffff, v60  }
0x209: {  	v60 =	vld.idx.msk [tilespmem:v61+s12+$0x0], $0xffff  }
0x20a: {  	v61 =	vadd.s32 $0x3, v59;
	_ =	sdelay $0x3  }
0x20b: {  	[tilespmem:v28+s17+$0x0] =	vst.idx.msk $0xffff, v60  }
0x20c: {  	v60 =	vld.idx.msk [tilespmem:v61+s14+$0x0], $0xffff  }
0x20d: {  	v58 =	vadd.s32 $0x4, v58;
	_ =	sdelay $0x3  }
0x20e: {  	[tilespmem:v29+s17+$0x0] =	vst.idx.msk $0xffff, v60  }
0x20f: {  	v58 =	vld.idx.msk [tilespmem:v58+s12+$0x0], $0xffff  }
0x210: {  	v59 =	vadd.s32 $0x4, v59;
	_ =	sdelay $0x3  }
0x211: {  	[tilespmem:v0+s17+$0x0] =	vst.idx.msk $0xffff, v58  }
0x212: {  	v58 =	vld.idx.msk [tilespmem:v59+s14+$0x0], $0xffff;
	_ =	sdelay $0x4  }
0x213: {  	[tilespmem:v30+s17+$0x0] =	vst.idx.msk $0xffff, v58  }
0x214: {  	v58 =	vld [tilespmem:s0+$0x1910];
	_ =	sdelay $0x4  }
0x215: {  	v58 =	vmul.u32 $0x5, v58  }
0x216: {  	v61 =	vld [tilespmem:s0+$0x3210];
	_ =	sdelay $0x4  }
0x217: {  	v59 =	vmul.u32 $0x5, v61;
	v60 =	vld.idx.msk [tilespmem:v58+s12+$0x0], $0xffff;
	_ =	sdelay $0x4  }
0x218: {  	[tilespmem:v31+s17+$0x0] =	vst.idx.msk $0xffff, v60  }
0x219: {  	v60 =	vld.idx.msk [tilespmem:v59+s14+$0x0], $0xffff  }
0x21a: {  	v61 =	vadd.s32 $0x1, v58;
	_ =	sdelay $0x3  }
0x21b: {  	[tilespmem:v32+s17+$0x0] =	vst.idx.msk $0xffff, v60  }
0x21c: {  	v60 =	vld.idx.msk [tilespmem:v61+s12+$0x0], $0xffff  }
0x21d: {  	v61 =	vadd.s32 $0x1, v59;
	_ =	sdelay $0x3  }
0x21e: {  	[tilespmem:v33+s17+$0x0] =	vst.idx.msk $0xffff, v60  }
0x21f: {  	v60 =	vld.idx.msk [tilespmem:v61+s14+$0x0], $0xffff  }
0x220: {  	v61 =	vadd.s32 $0x2, v58;
	_ =	sdelay $0x3  }
0x221: {  	[tilespmem:v34+s17+$0x0] =	vst.idx.msk $0xffff, v60  }
0x222: {  	v60 =	vld.idx.msk [tilespmem:v61+s12+$0x0], $0xffff  }
0x223: {  	v61 =	vadd.s32 $0x2, v59;
	_ =	sdelay $0x3  }
0x224: {  	[tilespmem:v35+s17+$0x0] =	vst.idx.msk $0xffff, v60  }
0x225: {  	v60 =	vld.idx.msk [tilespmem:v61+s14+$0x0], $0xffff  }
0x226: {  	v61 =	vadd.s32 $0x3, v58;
	_ =	sdelay $0x3  }
0x227: {  	[tilespmem:v36+s17+$0x0] =	vst.idx.msk $0xffff, v60  }
0x228: {  	v60 =	vld.idx.msk [tilespmem:v61+s12+$0x0], $0xffff  }
0x229: {  	v61 =	vadd.s32 $0x3, v59;
	_ =	sdelay $0x3  }
0x22a: {  	[tilespmem:v37+s17+$0x0] =	vst.idx.msk $0xffff, v60  }
0x22b: {  	v60 =	vld.idx.msk [tilespmem:v61+s14+$0x0], $0xffff  }
0x22c: {  	v58 =	vadd.s32 $0x4, v58;
	_ =	sdelay $0x3  }
0x22d: {  	[tilespmem:v38+s17+$0x0] =	vst.idx.msk $0xffff, v60  }
0x22e: {  	v58 =	vld.idx.msk [tilespmem:v58+s12+$0x0], $0xffff  }
0x22f: {  	v59 =	vadd.s32 $0x4, v59;
	_ =	sdelay $0x3  }
0x230: {  	[tilespmem:v6+s17+$0x0] =	vst.idx.msk $0xffff, v58  }
0x231: {  	v58 =	vld.idx.msk [tilespmem:v59+s14+$0x0], $0xffff;
	_ =	sdelay $0x4  }
0x232: {  	[tilespmem:v39+s17+$0x0] =	vst.idx.msk $0xffff, v58  }
0x233: {  	v58 =	vld [tilespmem:s0+$0x1920];
	_ =	sdelay $0x4  }
0x234: {  	v58 =	vmul.u32 $0x5, v58  }
0x235: {  	v62 =	vld [tilespmem:s0+$0x3220];
	_ =	sdelay $0x4  }
0x236: {  	v59 =	vmul.u32 $0x5, v62;
	v60 =	vld.idx.msk [tilespmem:v58+s12+$0x0], $0xffff;
	_ =	sdelay $0x4  }
0x237: {  	[tilespmem:v40+s17+$0x0] =	vst.idx.msk $0xffff, v60  }
0x238: {  	v60 =	vld.idx.msk [tilespmem:v59+s14+$0x0], $0xffff  }
0x239: {  	v61 =	vadd.s32 $0x1, v58;
	_ =	sdelay $0x3  }
0x23a: {  	[tilespmem:v41+s17+$0x0] =	vst.idx.msk $0xffff, v60  }
0x23b: {  	v60 =	vld.idx.msk [tilespmem:v61+s12+$0x0], $0xffff  }
0x23c: {  	v61 =	vadd.s32 $0x1, v59;
	_ =	sdelay $0x3  }
0x23d: {  	[tilespmem:v42+s17+$0x0] =	vst.idx.msk $0xffff, v60  }
0x23e: {  	v60 =	vld.idx.msk [tilespmem:v61+s14+$0x0], $0xffff  }
0x23f: {  	v61 =	vadd.s32 $0x2, v58;
	_ =	sdelay $0x3  }
0x240: {  	[tilespmem:v43+s17+$0x0] =	vst.idx.msk $0xffff, v60  }
0x241: {  	v60 =	vld.idx.msk [tilespmem:v61+s12+$0x0], $0xffff  }
0x242: {  	v61 =	vadd.s32 $0x2, v59;
	_ =	sdelay $0x3  }
0x243: {  	[tilespmem:v44+s17+$0x0] =	vst.idx.msk $0xffff, v60  }
0x244: {  	v60 =	vld.idx.msk [tilespmem:v61+s14+$0x0], $0xffff  }
0x245: {  	v61 =	vadd.s32 $0x3, v58;
	_ =	sdelay $0x3  }
0x246: {  	[tilespmem:v45+s17+$0x0] =	vst.idx.msk $0xffff, v60  }
0x247: {  	v60 =	vld.idx.msk [tilespmem:v61+s12+$0x0], $0xffff  }
0x248: {  	v61 =	vadd.s32 $0x3, v59;
	_ =	sdelay $0x3  }
0x249: {  	[tilespmem:v46+s17+$0x0] =	vst.idx.msk $0xffff, v60  }
0x24a: {  	v60 =	vld.idx.msk [tilespmem:v61+s14+$0x0], $0xffff  }
0x24b: {  	v58 =	vadd.s32 $0x4, v58;
	_ =	sdelay $0x3  }
0x24c: {  	[tilespmem:v47+s17+$0x0] =	vst.idx.msk $0xffff, v60  }
0x24d: {  	v58 =	vld.idx.msk [tilespmem:v58+s12+$0x0], $0xffff  }
0x24e: {  	v59 =	vadd.s32 $0x4, v59;
	_ =	sdelay $0x3  }
0x24f: {  	[tilespmem:v11+s17+$0x0] =	vst.idx.msk $0xffff, v58  }
0x250: {  	v58 =	vld.idx.msk [tilespmem:v59+s14+$0x0], $0xffff;
	_ =	sdelay $0x4  }
0x251: {  	[tilespmem:v48+s17+$0x0] =	vst.idx.msk $0xffff, v58  }
0x252: {  	v58 =	vld [tilespmem:s0+$0x1930];
	_ =	sdelay $0x4  }
0x253: {  	v58 =	vmul.u32 $0x5, v58  }
0x254: {  	v63 =	vld [tilespmem:s0+$0x3230];
	_ =	sdelay $0x4  }
0x255: {  	v59 =	vmul.u32 $0x5, v63;
	v60 =	vld.idx.msk [tilespmem:v58+s12+$0x0], $0xffff;
	_ =	sdelay $0x4  }
0x256: {  	[tilespmem:v49+s17+$0x0] =	vst.idx.msk $0xffff, v60  }
0x257: {  	v60 =	vld.idx.msk [tilespmem:v59+s14+$0x0], $0xffff  }
0x258: {  	v61 =	vadd.s32 $0x1, v58;
	_ =	sdelay $0x3  }
0x259: {  	[tilespmem:v50+s17+$0x0] =	vst.idx.msk $0xffff, v60  }
0x25a: {  	v60 =	vld.idx.msk [tilespmem:v61+s12+$0x0], $0xffff  }
0x25b: {  	v61 =	vadd.s32 $0x1, v59;
	_ =	sdelay $0x3  }
0x25c: {  	[tilespmem:v51+s17+$0x0] =	vst.idx.msk $0xffff, v60  }
0x25d: {  	v60 =	vld.idx.msk [tilespmem:v61+s14+$0x0], $0xffff  }
0x25e: {  	v61 =	vadd.s32 $0x2, v58;
	_ =	sdelay $0x3  }
0x25f: {  	[tilespmem:v52+s17+$0x0] =	vst.idx.msk $0xffff, v60  }
0x260: {  	v60 =	vld.idx.msk [tilespmem:v61+s12+$0x0], $0xffff  }
0x261: {  	v61 =	vadd.s32 $0x2, v59;
	_ =	sdelay $0x3  }
0x262: {  	[tilespmem:v53+s17+$0x0] =	vst.idx.msk $0xffff, v60  }
0x263: {  	v60 =	vld.idx.msk [tilespmem:v61+s14+$0x0], $0xffff  }
0x264: {  	v61 =	vadd.s32 $0x3, v58;
	_ =	sdelay $0x3  }
0x265: {  	[tilespmem:v54+s17+$0x0] =	vst.idx.msk $0xffff, v60  }
0x266: {  	v60 =	vld.idx.msk [tilespmem:v61+s12+$0x0], $0xffff  }
0x267: {  	v61 =	vadd.s32 $0x3, v59;
	_ =	sdelay $0x3  }
0x268: {  	[tilespmem:v55+s17+$0x0] =	vst.idx.msk $0xffff, v60  }
0x269: {  	v60 =	vld.idx.msk [tilespmem:v61+s14+$0x0], $0xffff  }
0x26a: {  	v58 =	vadd.s32 $0x4, v58;
	_ =	sdelay $0x3  }
0x26b: {  	[tilespmem:v56+s17+$0x0] =	vst.idx.msk $0xffff, v60  }
0x26c: {  	v58 =	vld.idx.msk [tilespmem:v58+s12+$0x0], $0xffff  }
0x26d: {  	v59 =	vadd.s32 $0x4, v59;
	_ =	sdelay $0x3  }
0x26e: {  	[tilespmem:v16+s17+$0x0] =	vst.idx.msk $0xffff, v58  }
0x26f: {  	v58 =	vld.idx.msk [tilespmem:v59+s14+$0x0], $0xffff  }
0x270: {  	p1 =	sne.s32 s28, $0x31;
	s31 =	smul.u32 $0xC000, s28  }
.Ltmp1:
0x271: {  	_ = 	snop;
	(pc) =	sbr.rel @p1 .LBB2_6-.Ltmp1, $4  }
0x272: {  	s1 =	sadd.s32 s7, s31  }
0x273: {  	s1 =	sshrl.u32 s1, $0x3  }
0x274: {  	s1 =	sadd.s32 s4, s1;
	[tilespmem:v57+s17+$0x0] =	vst.idx.msk $0xffff, v58  }
0x275: {  	[hbm4b:s1+s5] =	stream.linear.scatter [tilespmem:s17], [sflag:$0x3], $0x6000, $0x38;
	[tilespmem:$0x1B2A0] =	vst v63  }
.Ltmp2:
0x276: {  	(pc) =	sbr.rel .LBB2_7-.Ltmp2, $4  }
0x277: {  	_ = 	snop  }
0x278: {  	_ =	swait.ge [sflag:s23], $0x4C00  }
0x279: {  	[sflag:s23] =	ssyncset.done $0x0  }
0x27a: {  	[sflag:s23] =	ssyncadd.s32 $0xFFFFB400  }
.LBB2_6:
0x27b: {  	s0 =	sand.u32 $0x3FFFFF80, s0  }
.Ltmp3:
0x27c: {  	s0 =	sadd.s32 $0x80, s0;
	(pc) =	sbr.rel @p0 .LBB2_8-.Ltmp3, $4  }
0x27d: {  	[tilespmem:s20], [sflag:$0x1] =	stream.indirect.gather [hbm4b:s6+s19], $0x130, s0, s19, $0xb8;
	[tilespmem:$0x1B2A0] =	vst v63  }
0x27e: {  	_ =	swait.ge [sflag:s23], $0x4C00  }
0x27f: {  	[sflag:s23] =	ssyncset.done $0x0  }
0x280: {  	[sflag:s23] =	ssyncadd.s32 $0xFFFFB400  }
.LBB2_7:
0x281: {  	_ =	swait.ge [sflag:s24], $0x6000  }
0x282: {  	[sflag:s24] =	ssyncset.done $0x0  }
0x283: {  	[sflag:s24] =	ssyncadd.s32 $0xFFFFA000  }
.LBB2_8:
0x284: {  	s0 =	simm.s32 $0x0  }
0x285: {  	s31 =	simm.s32 $0x0;
	s0 =	smul.u32 $0xC00, s0  }
0x286: {  	s1 =	sand.u32 $0x380, s31  }
0x287: {  	s3 =	simm.s32 $0xA730;
	s0 =	sor.u32 s1, s0  }
0x288: {  	v58 =	vld [tilespmem:s3+$0xFFFFFF70];
	v59 =	vor.u32 s0, v21;
	_ =	sdelay $0x4  }
0x289: {  	s1 =	sor.u32 $0x10, s0;
	[tilespmem:v59+s18+$0x0] =	vst.idx.msk $0xffff, v58  }
0x28a: {  	v63 =	vor.u32 s1, v21;
	v58 =	vld [tilespmem:s3+$0xFFFFFF80];
	_ =	sdelay $0x4  }
0x28b: {  	s2 =	sor.u32 $0x20, s0;
	[tilespmem:v63+s18+$0x0] =	vst.idx.msk $0xffff, v58  }
0x28c: {  	v60 =	vor.u32 s2, v21;
	v58 =	vld [tilespmem:s3+$0xFFFFFF90];
	_ =	sdelay $0x4  }
0x28d: {  	s2 =	sor.u32 $0x30, s0;
	[tilespmem:v60+s18+$0x0] =	vst.idx.msk $0xffff, v58  }
0x28e: {  	v61 =	vor.u32 s2, v21;
	v58 =	vld [tilespmem:s3+$0xFFFFFFA0];
	_ =	sdelay $0x4  }
0x28f: {  	s2 =	sor.u32 $0x40, s0;
	[tilespmem:v61+s18+$0x0] =	vst.idx.msk $0xffff, v58  }
0x290: {  	v62 =	vor.u32 s2, v21;
	v58 =	vld [tilespmem:s3+$0xFFFFFFB0];
	_ =	sdelay $0x4  }
0x291: {  	s2 =	sor.u32 $0x50, s0;
	[tilespmem:v62+s18+$0x0] =	vst.idx.msk $0xffff, v58  }
0x292: {  	v63 =	vor.u32 s2, v21;
	v58 =	vld [tilespmem:s3+$0xFFFFFFC0];
	_ =	sdelay $0x4  }
0x293: {  	s2 =	sor.u32 $0x60, s0;
	[tilespmem:v63+s18+$0x0] =	vst.idx.msk $0xffff, v58  }
0x294: {  	v60 =	vor.u32 s2, v21;
	v58 =	vld [tilespmem:s3+$0xFFFFFFD0];
	_ =	sdelay $0x4  }
0x295: {  	s2 =	sor.u32 $0x70, s0;
	[tilespmem:v60+s18+$0x0] =	vst.idx.msk $0xffff, v58  }
0x296: {  	v61 =	vor.u32 s2, v21;
	v58 =	vld [tilespmem:s3+$0xFFFFFFE0];
	_ =	sdelay $0x4  }
0x297: {  	s2 =	sadd.s32 $0x400, s0;
	[tilespmem:v61+s18+$0x0] =	vst.idx.msk $0xffff, v58  }
0x298: {  	v62 =	vor.u32 s2, v21;
	v58 =	vld [tilespmem:s3+$0xFFFFFFF0];
	_ =	sdelay $0x4  }
0x299: {  	s2 =	sadd.s32 $0x410, s0;
	[tilespmem:v62+s18+$0x0] =	vst.idx.msk $0xffff, v58  }
0x29a: {  	v63 =	vor.u32 s2, v21;
	v58 =	vld [tilespmem:s3+$0x0];
	_ =	sdelay $0x4  }
0x29b: {  	s2 =	sadd.s32 $0x420, s0;
	[tilespmem:v63+s18+$0x0] =	vst.idx.msk $0xffff, v58  }
0x29c: {  	v60 =	vor.u32 s2, v21;
	v58 =	vld [tilespmem:s3+$0x10];
	_ =	sdelay $0x4  }
0x29d: {  	s2 =	sadd.s32 $0x430, s0;
	[tilespmem:v60+s18+$0x0] =	vst.idx.msk $0xffff, v58  }
0x29e: {  	v61 =	vor.u32 s2, v21;
	v58 =	vld [tilespmem:s3+$0x20];
	_ =	sdelay $0x4  }
0x29f: {  	s2 =	sadd.s32 $0x440, s0;
	[tilespmem:v61+s18+$0x0] =	vst.idx.msk $0xffff, v58  }
0x2a0: {  	v62 =	vor.u32 s2, v21;
	v58 =	vld [tilespmem:s3+$0x30];
	_ =	sdelay $0x4  }
0x2a1: {  	s2 =	sadd.s32 $0x450, s0;
	[tilespmem:v62+s18+$0x0] =	vst.idx.msk $0xffff, v58  }
0x2a2: {  	v63 =	vor.u32 s2, v21;
	v58 =	vld [tilespmem:s3+$0x40];
	_ =	sdelay $0x4  }
0x2a3: {  	s2 =	sadd.s32 $0x460, s0;
	[tilespmem:v63+s18+$0x0] =	vst.idx.msk $0xffff, v58  }
0x2a4: {  	v60 =	vor.u32 s2, v21;
	v58 =	vld [tilespmem:s3+$0x50];
	_ =	sdelay $0x4  }
0x2a5: {  	s2 =	sadd.s32 $0x470, s0;
	[tilespmem:v60+s18+$0x0] =	vst.idx.msk $0xffff, v58  }
0x2a6: {  	v61 =	vor.u32 s2, v21;
	v58 =	vld [tilespmem:s3+$0x60];
	_ =	sdelay $0x4  }
0x2a7: {  	s2 =	sadd.s32 $0x800, s0;
	[tilespmem:v61+s18+$0x0] =	vst.idx.msk $0xffff, v58  }
0x2a8: {  	v62 =	vor.u32 s2, v21;
	v58 =	vld [tilespmem:s3+$0x70];
	_ =	sdelay $0x4  }
0x2a9: {  	s2 =	sadd.s32 $0x810, s0;
	[tilespmem:v62+s18+$0x0] =	vst.idx.msk $0xffff, v58  }
0x2aa: {  	v63 =	vor.u32 s2, v21;
	v58 =	vld [tilespmem:s3+$0x80];
	_ =	sdelay $0x4  }
0x2ab: {  	s0 =	sadd.s32 $0x820, s0;
	[tilespmem:v63+s18+$0x0] =	vst.idx.msk $0xffff, v58  }
0x2ac: {  	v59 =	vor.u32 s0, v21;
	v58 =	vld [tilespmem:s3+$0x90];
	_ =	sdelay $0x1  }
0x2ad: {  	s0 =	simm.s32 $0x0;
	s2 =	simm.s32 $0x2  }
.LBB2_9:
0x2ae: {  	p0 =	sne.s32 s2, $0x3F;
	s0 =	smul.u32 $0xC00, s0;
	s31 =	sadd.s32 $0x80, s31  }
0x2af: {  	s1 =	sand.u32 $0x380, s31  }
0x2b0: {  	s3 =	sadd.s32 $0x130, s3;
	s0 =	sor.u32 s1, s0;
	[tilespmem:v59+s18+$0x0] =	vst.idx.msk $0xffff, v58  }
0x2b1: {  	v58 =	vld [tilespmem:s3+$0xFFFFFF70];
	v59 =	vor.u32 s0, v21;
	_ =	sdelay $0x4  }
0x2b2: {  	s1 =	sor.u32 $0x10, s0;
	[tilespmem:v59+s18+$0x0] =	vst.idx.msk $0xffff, v58  }
0x2b3: {  	v59 =	vor.u32 s1, v21;
	v58 =	vld [tilespmem:s3+$0xFFFFFF80];
	_ =	sdelay $0x4  }
0x2b4: {  	s1 =	sor.u32 $0x20, s0;
	[tilespmem:v59+s18+$0x0] =	vst.idx.msk $0xffff, v58  }
0x2b5: {  	v59 =	vor.u32 s1, v21;
	v58 =	vld [tilespmem:s3+$0xFFFFFF90];
	_ =	sdelay $0x4  }
0x2b6: {  	s1 =	sor.u32 $0x30, s0;
	[tilespmem:v59+s18+$0x0] =	vst.idx.msk $0xffff, v58  }
0x2b7: {  	v59 =	vor.u32 s1, v21;
	v58 =	vld [tilespmem:s3+$0xFFFFFFA0];
	_ =	sdelay $0x4  }
0x2b8: {  	s1 =	sor.u32 $0x40, s0;
	[tilespmem:v59+s18+$0x0] =	vst.idx.msk $0xffff, v58  }
0x2b9: {  	v59 =	vor.u32 s1, v21;
	v58 =	vld [tilespmem:s3+$0xFFFFFFB0];
	_ =	sdelay $0x4  }
0x2ba: {  	s1 =	sor.u32 $0x50, s0;
	[tilespmem:v59+s18+$0x0] =	vst.idx.msk $0xffff, v58  }
0x2bb: {  	v59 =	vor.u32 s1, v21;
	v58 =	vld [tilespmem:s3+$0xFFFFFFC0];
	_ =	sdelay $0x4  }
0x2bc: {  	s1 =	sor.u32 $0x60, s0;
	[tilespmem:v59+s18+$0x0] =	vst.idx.msk $0xffff, v58  }
0x2bd: {  	v59 =	vor.u32 s1, v21;
	v58 =	vld [tilespmem:s3+$0xFFFFFFD0];
	_ =	sdelay $0x4  }
0x2be: {  	s1 =	sor.u32 $0x70, s0;
	[tilespmem:v59+s18+$0x0] =	vst.idx.msk $0xffff, v58  }
0x2bf: {  	v59 =	vor.u32 s1, v21;
	v58 =	vld [tilespmem:s3+$0xFFFFFFE0];
	_ =	sdelay $0x4  }
0x2c0: {  	s1 =	sadd.s32 $0x400, s0;
	[tilespmem:v59+s18+$0x0] =	vst.idx.msk $0xffff, v58  }
0x2c1: {  	v59 =	vor.u32 s1, v21;
	v58 =	vld [tilespmem:s3+$0xFFFFFFF0];
	_ =	sdelay $0x4  }
0x2c2: {  	s1 =	sadd.s32 $0x410, s0;
	[tilespmem:v59+s18+$0x0] =	vst.idx.msk $0xffff, v58  }
0x2c3: {  	v59 =	vor.u32 s1, v21;
	v58 =	vld [tilespmem:s3+$0x0];
	_ =	sdelay $0x4  }
0x2c4: {  	s1 =	sadd.s32 $0x420, s0;
	[tilespmem:v59+s18+$0x0] =	vst.idx.msk $0xffff, v58  }
0x2c5: {  	v59 =	vor.u32 s1, v21;
	v58 =	vld [tilespmem:s3+$0x10];
	_ =	sdelay $0x4  }
0x2c6: {  	s1 =	sadd.s32 $0x430, s0;
	[tilespmem:v59+s18+$0x0] =	vst.idx.msk $0xffff, v58  }
0x2c7: {  	v59 =	vor.u32 s1, v21;
	v58 =	vld [tilespmem:s3+$0x20];
	_ =	sdelay $0x4  }
0x2c8: {  	s1 =	sadd.s32 $0x440, s0;
	[tilespmem:v59+s18+$0x0] =	vst.idx.msk $0xffff, v58  }
0x2c9: {  	v59 =	vor.u32 s1, v21;
	v58 =	vld [tilespmem:s3+$0x30];
	_ =	sdelay $0x4  }
0x2ca: {  	s1 =	sadd.s32 $0x450, s0;
	[tilespmem:v59+s18+$0x0] =	vst.idx.msk $0xffff, v58  }
0x2cb: {  	v59 =	vor.u32 s1, v21;
	v58 =	vld [tilespmem:s3+$0x40];
	_ =	sdelay $0x4  }
0x2cc: {  	s1 =	sadd.s32 $0x460, s0;
	[tilespmem:v59+s18+$0x0] =	vst.idx.msk $0xffff, v58  }
0x2cd: {  	v59 =	vor.u32 s1, v21;
	v58 =	vld [tilespmem:s3+$0x50];
	_ =	sdelay $0x4  }
0x2ce: {  	s1 =	sadd.s32 $0x470, s0;
	[tilespmem:v59+s18+$0x0] =	vst.idx.msk $0xffff, v58  }
0x2cf: {  	v59 =	vor.u32 s1, v21;
	v58 =	vld [tilespmem:s3+$0x60];
	_ =	sdelay $0x4  }
0x2d0: {  	s1 =	sadd.s32 $0x800, s0;
	[tilespmem:v59+s18+$0x0] =	vst.idx.msk $0xffff, v58  }
0x2d1: {  	v59 =	vor.u32 s1, v21;
	v58 =	vld [tilespmem:s3+$0x70];
	_ =	sdelay $0x4  }
0x2d2: {  	s1 =	sadd.s32 $0x810, s0;
	[tilespmem:v59+s18+$0x0] =	vst.idx.msk $0xffff, v58  }
0x2d3: {  	v59 =	vor.u32 s1, v21;
	v58 =	vld [tilespmem:s3+$0x80];
	_ =	sdelay $0x3  }
.Ltmp4:
0x2d4: {  	(pc) =	sbr.rel @p0 .LBB2_9-.Ltmp4, $3  }
0x2d5: {  	s0 =	sadd.s32 $0x820, s0;
	[tilespmem:v59+s18+$0x0] =	vst.idx.msk $0xffff, v58  }
0x2d6: {  	v59 =	vor.u32 s0, v21;
	v58 =	vld [tilespmem:s3+$0x90];
	_ =	sdelay $0x1  }
0x2d7: {  	s0 =	sshrl.u32 s2, $0x3;
	s2 =	sadd.s32 $0x1, s2  }
0x2d8: {  	_ =	sdelay $0x1  }
0x2d9: {  	s0 =	smul.u32 $0xC00, s0;
	s1 =	sadd.s32 $0x80, s31  }
0x2da: {  	s1 =	sand.u32 $0x380, s1  }
0x2db: {  	s2 =	sadd.s32 $0x130, s3;
	s0 =	sor.u32 s1, s0;
	[tilespmem:v59+s18+$0x0] =	vst.idx.msk $0xffff, v58  }
0x2dc: {  	v58 =	vld [tilespmem:s2+$0xFFFFFF70];
	v62 =	vor.u32 s0, v21;
	_ =	sdelay $0x4  }
0x2dd: {  	s1 =	sor.u32 $0x10, s0;
	[tilespmem:v62+s18+$0x0] =	vst.idx.msk $0xffff, v58  }
0x2de: {  	v63 =	vor.u32 s1, v21;
	v58 =	vld [tilespmem:s2+$0xFFFFFF80];
	_ =	sdelay $0x4  }
0x2df: {  	s31 =	sor.u32 $0x20, s0;
	[tilespmem:v63+s18+$0x0] =	vst.idx.msk $0xffff, v58  }
0x2e0: {  	v60 =	vor.u32 s31, v21;
	v58 =	vld [tilespmem:s2+$0xFFFFFF90];
	_ =	sdelay $0x4  }
0x2e1: {  	s3 =	sor.u32 $0x30, s0;
	[tilespmem:v60+s18+$0x0] =	vst.idx.msk $0xffff, v58  }
0x2e2: {  	v61 =	vor.u32 s3, v21;
	v58 =	vld [tilespmem:s2+$0xFFFFFFA0];
	_ =	sdelay $0x4  }
0x2e3: {  	s31 =	sor.u32 $0x40, s0;
	[tilespmem:v61+s18+$0x0] =	vst.idx.msk $0xffff, v58  }
0x2e4: {  	v62 =	vor.u32 s31, v21;
	v58 =	vld [tilespmem:s2+$0xFFFFFFB0];
	_ =	sdelay $0x4  }
0x2e5: {  	s3 =	sor.u32 $0x50, s0;
	[tilespmem:v62+s18+$0x0] =	vst.idx.msk $0xffff, v58  }
0x2e6: {  	v63 =	vor.u32 s3, v21;
	v58 =	vld [tilespmem:s2+$0xFFFFFFC0];
	_ =	sdelay $0x4  }
0x2e7: {  	s31 =	sor.u32 $0x60, s0;
	[tilespmem:v63+s18+$0x0] =	vst.idx.msk $0xffff, v58  }
0x2e8: {  	v60 =	vor.u32 s31, v21;
	v58 =	vld [tilespmem:s2+$0xFFFFFFD0];
	_ =	sdelay $0x4  }
0x2e9: {  	s3 =	sor.u32 $0x70, s0;
	[tilespmem:v60+s18+$0x0] =	vst.idx.msk $0xffff, v58  }
0x2ea: {  	v61 =	vor.u32 s3, v21;
	v58 =	vld [tilespmem:s2+$0xFFFFFFE0];
	_ =	sdelay $0x4  }
0x2eb: {  	s31 =	sadd.s32 $0x400, s0;
	[tilespmem:v61+s18+$0x0] =	vst.idx.msk $0xffff, v58  }
0x2ec: {  	v62 =	vor.u32 s31, v21;
	v58 =	vld [tilespmem:s2+$0xFFFFFFF0];
	_ =	sdelay $0x4  }
0x2ed: {  	s3 =	sadd.s32 $0x410, s0;
	[tilespmem:v62+s18+$0x0] =	vst.idx.msk $0xffff, v58  }
0x2ee: {  	v63 =	vor.u32 s3, v21;
	v58 =	vld [tilespmem:s2+$0x0];
	_ =	sdelay $0x4  }
0x2ef: {  	s31 =	sadd.s32 $0x420, s0;
	[tilespmem:v63+s18+$0x0] =	vst.idx.msk $0xffff, v58  }
0x2f0: {  	v60 =	vor.u32 s31, v21;
	v58 =	vld [tilespmem:s2+$0x10];
	_ =	sdelay $0x4  }
0x2f1: {  	s3 =	sadd.s32 $0x430, s0;
	[tilespmem:v60+s18+$0x0] =	vst.idx.msk $0xffff, v58  }
0x2f2: {  	v61 =	vor.u32 s3, v21;
	v58 =	vld [tilespmem:s2+$0x20];
	_ =	sdelay $0x4  }
0x2f3: {  	s31 =	sadd.s32 $0x440, s0;
	[tilespmem:v61+s18+$0x0] =	vst.idx.msk $0xffff, v58  }
0x2f4: {  	v62 =	vor.u32 s31, v21;
	v58 =	vld [tilespmem:s2+$0x30];
	_ =	sdelay $0x4  }
0x2f5: {  	s3 =	sadd.s32 $0x450, s0;
	[tilespmem:v62+s18+$0x0] =	vst.idx.msk $0xffff, v58  }
0x2f6: {  	v63 =	vor.u32 s3, v21;
	v58 =	vld [tilespmem:s2+$0x40];
	_ =	sdelay $0x4  }
0x2f7: {  	s31 =	sadd.s32 $0x460, s0;
	[tilespmem:v63+s18+$0x0] =	vst.idx.msk $0xffff, v58  }
0x2f8: {  	v60 =	vor.u32 s31, v21;
	v58 =	vld [tilespmem:s2+$0x50];
	_ =	sdelay $0x4  }
0x2f9: {  	s3 =	sadd.s32 $0x470, s0;
	[tilespmem:v60+s18+$0x0] =	vst.idx.msk $0xffff, v58  }
0x2fa: {  	v61 =	vor.u32 s3, v21;
	v58 =	vld [tilespmem:s2+$0x60];
	_ =	sdelay $0x4  }
0x2fb: {  	s31 =	sadd.s32 $0x800, s0;
	[tilespmem:v61+s18+$0x0] =	vst.idx.msk $0xffff, v58  }
0x2fc: {  	v62 =	vor.u32 s31, v21;
	v58 =	vld [tilespmem:s2+$0x70];
	_ =	sdelay $0x4  }
0x2fd: {  	s3 =	sadd.s32 $0x810, s0;
	[tilespmem:v62+s18+$0x0] =	vst.idx.msk $0xffff, v58  }
0x2fe: {  	v63 =	vor.u32 s3, v21;
	v58 =	vld [tilespmem:s2+$0x80];
	_ =	sdelay $0x4  }
0x2ff: {  	s0 =	sadd.s32 $0x820, s0;
	[tilespmem:v63+s18+$0x0] =	vst.idx.msk $0xffff, v58  }
0x300: {  	v60 =	vor.u32 s0, v21;
	v58 =	vld [tilespmem:s2+$0x90];
	_ =	sdelay $0x4  }
0x301: {  	[tilespmem:v60+s18+$0x0] =	vst.idx.msk $0xffff, v58  }
0x302: {  	v58 =	vld [tilespmem:s30+$0x1900];
	_ =	sdelay $0x4  }
0x303: {  	v58 =	vmul.u32 $0x5, v58  }
0x304: {  	v59 =	vld [tilespmem:s30+$0x3200];
	_ =	sdelay $0x4  }
0x305: {  	v59 =	vmul.u32 $0x5, v59;
	v60 =	vld.idx.msk [tilespmem:v58+s12+$0x0], $0xffff;
	_ =	sdelay $0x4  }
0x306: {  	[tilespmem:v22+s18+$0x0] =	vst.idx.msk $0xffff, v60  }
0x307: {  	v60 =	vld.idx.msk [tilespmem:v59+s14+$0x0], $0xffff  }
0x308: {  	v61 =	vadd.s32 $0x1, v58;
	_ =	sdelay $0x3  }
0x309: {  	[tilespmem:v23+s18+$0x0] =	vst.idx.msk $0xffff, v60  }
0x30a: {  	v60 =	vld.idx.msk [tilespmem:v61+s12+$0x0], $0xffff  }
0x30b: {  	v61 =	vadd.s32 $0x1, v59;
	_ =	sdelay $0x3  }
0x30c: {  	[tilespmem:v24+s18+$0x0] =	vst.idx.msk $0xffff, v60  }
0x30d: {  	v60 =	vld.idx.msk [tilespmem:v61+s14+$0x0], $0xffff  }
0x30e: {  	v61 =	vadd.s32 $0x2, v58;
	_ =	sdelay $0x3  }
0x30f: {  	[tilespmem:v25+s18+$0x0] =	vst.idx.msk $0xffff, v60  }
0x310: {  	v60 =	vld.idx.msk [tilespmem:v61+s12+$0x0], $0xffff  }
0x311: {  	v61 =	vadd.s32 $0x2, v59;
	_ =	sdelay $0x3  }
0x312: {  	[tilespmem:v26+s18+$0x0] =	vst.idx.msk $0xffff, v60  }
0x313: {  	v60 =	vld.idx.msk [tilespmem:v61+s14+$0x0], $0xffff  }
0x314: {  	v61 =	vadd.s32 $0x3, v58;
	_ =	sdelay $0x3  }
0x315: {  	[tilespmem:v27+s18+$0x0] =	vst.idx.msk $0xffff, v60  }
0x316: {  	v60 =	vld.idx.msk [tilespmem:v61+s12+$0x0], $0xffff  }
0x317: {  	v61 =	vadd.s32 $0x3, v59;
	_ =	sdelay $0x3  }
0x318: {  	[tilespmem:v28+s18+$0x0] =	vst.idx.msk $0xffff, v60  }
0x319: {  	v60 =	vld.idx.msk [tilespmem:v61+s14+$0x0], $0xffff  }
0x31a: {  	v58 =	vadd.s32 $0x4, v58;
	_ =	sdelay $0x3  }
0x31b: {  	[tilespmem:v29+s18+$0x0] =	vst.idx.msk $0xffff, v60  }
0x31c: {  	v58 =	vld.idx.msk [tilespmem:v58+s12+$0x0], $0xffff  }
0x31d: {  	v59 =	vadd.s32 $0x4, v59;
	_ =	sdelay $0x3  }
0x31e: {  	[tilespmem:v0+s18+$0x0] =	vst.idx.msk $0xffff, v58  }
0x31f: {  	v58 =	vld.idx.msk [tilespmem:v59+s14+$0x0], $0xffff;
	_ =	sdelay $0x4  }
0x320: {  	[tilespmem:v30+s18+$0x0] =	vst.idx.msk $0xffff, v58  }
0x321: {  	v58 =	vld [tilespmem:s30+$0x1910];
	_ =	sdelay $0x4  }
0x322: {  	v58 =	vmul.u32 $0x5, v58  }
0x323: {  	v61 =	vld [tilespmem:s30+$0x3210];
	_ =	sdelay $0x4  }
0x324: {  	v59 =	vmul.u32 $0x5, v61;
	v60 =	vld.idx.msk [tilespmem:v58+s12+$0x0], $0xffff;
	_ =	sdelay $0x4  }
0x325: {  	[tilespmem:v31+s18+$0x0] =	vst.idx.msk $0xffff, v60  }
0x326: {  	v60 =	vld.idx.msk [tilespmem:v59+s14+$0x0], $0xffff  }
0x327: {  	v61 =	vadd.s32 $0x1, v58;
	_ =	sdelay $0x3  }
0x328: {  	[tilespmem:v32+s18+$0x0] =	vst.idx.msk $0xffff, v60  }
0x329: {  	v60 =	vld.idx.msk [tilespmem:v61+s12+$0x0], $0xffff  }
0x32a: {  	v61 =	vadd.s32 $0x1, v59;
	_ =	sdelay $0x3  }
0x32b: {  	[tilespmem:v33+s18+$0x0] =	vst.idx.msk $0xffff, v60  }
0x32c: {  	v60 =	vld.idx.msk [tilespmem:v61+s14+$0x0], $0xffff  }
0x32d: {  	v61 =	vadd.s32 $0x2, v58;
	_ =	sdelay $0x3  }
0x32e: {  	[tilespmem:v34+s18+$0x0] =	vst.idx.msk $0xffff, v60  }
0x32f: {  	v60 =	vld.idx.msk [tilespmem:v61+s12+$0x0], $0xffff  }
0x330: {  	v61 =	vadd.s32 $0x2, v59;
	_ =	sdelay $0x3  }
0x331: {  	[tilespmem:v35+s18+$0x0] =	vst.idx.msk $0xffff, v60  }
0x332: {  	v60 =	vld.idx.msk [tilespmem:v61+s14+$0x0], $0xffff  }
0x333: {  	v61 =	vadd.s32 $0x3, v58;
	_ =	sdelay $0x3  }
0x334: {  	[tilespmem:v36+s18+$0x0] =	vst.idx.msk $0xffff, v60  }
0x335: {  	v60 =	vld.idx.msk [tilespmem:v61+s12+$0x0], $0xffff  }
0x336: {  	v61 =	vadd.s32 $0x3, v59;
	_ =	sdelay $0x3  }
0x337: {  	[tilespmem:v37+s18+$0x0] =	vst.idx.msk $0xffff, v60  }
0x338: {  	v60 =	vld.idx.msk [tilespmem:v61+s14+$0x0], $0xffff  }
0x339: {  	v58 =	vadd.s32 $0x4, v58;
	_ =	sdelay $0x3  }
0x33a: {  	[tilespmem:v38+s18+$0x0] =	vst.idx.msk $0xffff, v60  }
0x33b: {  	v58 =	vld.idx.msk [tilespmem:v58+s12+$0x0], $0xffff  }
0x33c: {  	v59 =	vadd.s32 $0x4, v59;
	_ =	sdelay $0x3  }
0x33d: {  	[tilespmem:v6+s18+$0x0] =	vst.idx.msk $0xffff, v58  }
0x33e: {  	v58 =	vld.idx.msk [tilespmem:v59+s14+$0x0], $0xffff;
	_ =	sdelay $0x4  }
0x33f: {  	[tilespmem:v39+s18+$0x0] =	vst.idx.msk $0xffff, v58  }
0x340: {  	v58 =	vld [tilespmem:s30+$0x1920];
	_ =	sdelay $0x4  }
0x341: {  	v58 =	vmul.u32 $0x5, v58  }
0x342: {  	v62 =	vld [tilespmem:s30+$0x3220];
	_ =	sdelay $0x4  }
0x343: {  	v59 =	vmul.u32 $0x5, v62;
	v60 =	vld.idx.msk [tilespmem:v58+s12+$0x0], $0xffff;
	_ =	sdelay $0x4  }
0x344: {  	[tilespmem:v40+s18+$0x0] =	vst.idx.msk $0xffff, v60  }
0x345: {  	v60 =	vld.idx.msk [tilespmem:v59+s14+$0x0], $0xffff  }
0x346: {  	v61 =	vadd.s32 $0x1, v58;
	_ =	sdelay $0x3  }
0x347: {  	[tilespmem:v41+s18+$0x0] =	vst.idx.msk $0xffff, v60  }
0x348: {  	v60 =	vld.idx.msk [tilespmem:v61+s12+$0x0], $0xffff  }
0x349: {  	v61 =	vadd.s32 $0x1, v59;
	_ =	sdelay $0x3  }
0x34a: {  	[tilespmem:v42+s18+$0x0] =	vst.idx.msk $0xffff, v60  }
0x34b: {  	v60 =	vld.idx.msk [tilespmem:v61+s14+$0x0], $0xffff  }
0x34c: {  	v61 =	vadd.s32 $0x2, v58;
	_ =	sdelay $0x3  }
0x34d: {  	[tilespmem:v43+s18+$0x0] =	vst.idx.msk $0xffff, v60  }
0x34e: {  	v60 =	vld.idx.msk [tilespmem:v61+s12+$0x0], $0xffff  }
0x34f: {  	v61 =	vadd.s32 $0x2, v59;
	_ =	sdelay $0x3  }
0x350: {  	[tilespmem:v44+s18+$0x0] =	vst.idx.msk $0xffff, v60  }
0x351: {  	v60 =	vld.idx.msk [tilespmem:v61+s14+$0x0], $0xffff  }
0x352: {  	v61 =	vadd.s32 $0x3, v58;
	_ =	sdelay $0x3  }
0x353: {  	[tilespmem:v45+s18+$0x0] =	vst.idx.msk $0xffff, v60  }
0x354: {  	v60 =	vld.idx.msk [tilespmem:v61+s12+$0x0], $0xffff  }
0x355: {  	v61 =	vadd.s32 $0x3, v59;
	_ =	sdelay $0x3  }
0x356: {  	[tilespmem:v46+s18+$0x0] =	vst.idx.msk $0xffff, v60  }
0x357: {  	v60 =	vld.idx.msk [tilespmem:v61+s14+$0x0], $0xffff  }
0x358: {  	v58 =	vadd.s32 $0x4, v58;
	_ =	sdelay $0x3  }
0x359: {  	[tilespmem:v47+s18+$0x0] =	vst.idx.msk $0xffff, v60  }
0x35a: {  	v58 =	vld.idx.msk [tilespmem:v58+s12+$0x0], $0xffff  }
0x35b: {  	v59 =	vadd.s32 $0x4, v59;
	_ =	sdelay $0x3  }
0x35c: {  	[tilespmem:v11+s18+$0x0] =	vst.idx.msk $0xffff, v58  }
0x35d: {  	v58 =	vld.idx.msk [tilespmem:v59+s14+$0x0], $0xffff;
	_ =	sdelay $0x4  }
0x35e: {  	[tilespmem:v48+s18+$0x0] =	vst.idx.msk $0xffff, v58  }
0x35f: {  	v58 =	vld [tilespmem:s30+$0x1930];
	_ =	sdelay $0x4  }
0x360: {  	v58 =	vmul.u32 $0x5, v58  }
0x361: {  	v63 =	vld [tilespmem:s30+$0x3230];
	_ =	sdelay $0x4  }
0x362: {  	v59 =	vmul.u32 $0x5, v63;
	v60 =	vld.idx.msk [tilespmem:v58+s12+$0x0], $0xffff;
	_ =	sdelay $0x4  }
0x363: {  	[tilespmem:v49+s18+$0x0] =	vst.idx.msk $0xffff, v60  }
0x364: {  	v60 =	vld.idx.msk [tilespmem:v59+s14+$0x0], $0xffff  }
0x365: {  	v61 =	vadd.s32 $0x1, v58;
	_ =	sdelay $0x3  }
0x366: {  	[tilespmem:v50+s18+$0x0] =	vst.idx.msk $0xffff, v60  }
0x367: {  	v60 =	vld.idx.msk [tilespmem:v61+s12+$0x0], $0xffff  }
0x368: {  	v61 =	vadd.s32 $0x1, v59;
	_ =	sdelay $0x3  }
0x369: {  	[tilespmem:v51+s18+$0x0] =	vst.idx.msk $0xffff, v60  }
0x36a: {  	v60 =	vld.idx.msk [tilespmem:v61+s14+$0x0], $0xffff  }
0x36b: {  	v61 =	vadd.s32 $0x2, v58;
	_ =	sdelay $0x3  }
0x36c: {  	[tilespmem:v52+s18+$0x0] =	vst.idx.msk $0xffff, v60  }
0x36d: {  	v60 =	vld.idx.msk [tilespmem:v61+s12+$0x0], $0xffff  }
0x36e: {  	v61 =	vadd.s32 $0x2, v59;
	_ =	sdelay $0x3  }
0x36f: {  	[tilespmem:v53+s18+$0x0] =	vst.idx.msk $0xffff, v60  }
0x370: {  	v60 =	vld.idx.msk [tilespmem:v61+s14+$0x0], $0xffff  }
0x371: {  	v61 =	vadd.s32 $0x3, v58;
	_ =	sdelay $0x3  }
0x372: {  	[tilespmem:v54+s18+$0x0] =	vst.idx.msk $0xffff, v60  }
0x373: {  	v60 =	vld.idx.msk [tilespmem:v61+s12+$0x0], $0xffff  }
0x374: {  	v61 =	vadd.s32 $0x3, v59;
	_ =	sdelay $0x3  }
0x375: {  	[tilespmem:v55+s18+$0x0] =	vst.idx.msk $0xffff, v60  }
0x376: {  	v60 =	vld.idx.msk [tilespmem:v61+s14+$0x0], $0xffff  }
0x377: {  	v58 =	vadd.s32 $0x4, v58;
	_ =	sdelay $0x3  }
0x378: {  	[tilespmem:v56+s18+$0x0] =	vst.idx.msk $0xffff, v60  }
0x379: {  	v58 =	vld.idx.msk [tilespmem:v58+s12+$0x0], $0xffff  }
0x37a: {  	v59 =	vadd.s32 $0x4, v59;
	_ =	sdelay $0x3  }
0x37b: {  	[tilespmem:v16+s18+$0x0] =	vst.idx.msk $0xffff, v58  }
0x37c: {  	s28 =	sadd.s32 $0x1, s28;
	v58 =	vld.idx.msk [tilespmem:v59+s14+$0x0], $0xffff  }
0x37d: {  	p0 =	sne.s32 s28, $0x32;
	s31 =	smul.u32 $0x6000, s29  }
.Ltmp5:
0x37e: {  	_ = 	snop;
	(pc) =	sbr.rel @p0 .LBB2_2-.Ltmp5, $4  }
0x37f: {  	s0 =	sadd.s32 s7, s31  }
0x380: {  	s0 =	sshrl.u32 s0, $0x3  }
0x381: {  	s0 =	sadd.s32 s4, s0;
	[tilespmem:v57+s18+$0x0] =	vst.idx.msk $0xffff, v58  }
0x382: {  	[hbm4b:s0+s5] =	stream.linear.scatter [tilespmem:s18], [sflag:$0x4], $0x6000, $0x38;
	[tilespmem:$0x1B2A0] =	vst v63  }
0x383: {  	s26 =	sadd.s32 $0x1, s26  }
0x384: {  	_ =	swait.ge [sflag:s25], $0x6000;
	p0 =	sne.s32 s26, s11  }
.Ltmp6:
0x385: {  	[sflag:s25] =	ssyncset.done $0x0;
	(pc) =	sbr.rel @p0 .LBB2_1-.Ltmp6, $4  }
0x386: {  	[sflag:s25] =	ssyncadd.s32 $0xFFFFA000  }
0x387: {  	_ =	swait.ge [sflag:s24], $0x6000  }
0x388: {  	[sflag:s24] =	ssyncset.done $0x0  }
0x389: {  	[sflag:s24] =	ssyncadd.s32 $0xFFFFA000  }
0x38a: {  	_ =	sfence.sel $0x180000  }
0x38b: {  	[bflag:$0x0] =	sbarrier.arrive $0xFFFF  }
0x38c: {  	_ =	strace $0x90000047  }
0x38d: {  	s0 =	stileid.u32;
	[bflag:$0x2] =	sbarrier.arrive $0xFFFF  }
0x38e: {  	p0 =	sne.s32 s0, $0x0;
	s0 =	rddreg [dreg:$0x7]  }
0x38f: {  	s0 =	sadd.s32 @!p0 $0x100000, s0  }
0x390: {  	[sflag:s0] =	ssyncadd.tile.s32 @!p0 $0x1;
	_ =	shalt  }
.Lfunc_end2:
_tile_overlayer_lowered:
.L_overlay_start_2:
0x391: {  	(tag) =	ssettag $0x2  }
0x392: {  	s0 =	rddreg [dreg:$0x0];
	s2 =	stileid.u32  }
0x393: {  	s1 =	rddreg [dreg:$0x1];
	p0 =	sne.s32 s2, $0x0  }
0x394: {  	s3 =	rddreg [dreg:$0x2];
	[bflag:$0x3] =	sbarrier.arrive $0xFFFF;
	s2 =	simm.s32 @!p0 $0x1C05  }
0x395: {  	[timem:s3], [sflag:s2] =	dma.local @!p0 [hbm:s0], s1  }
0x396: {  	s0 =	simm.s32 @!p0 $0x5  }
0x397: {  	_ =	swait.ge @!p0 [sflag:s0], s1  }
0x398: {  	s1 =	ssub.s32 @!p0 $0x0, s1;
	[sflag:s0] =	ssyncset.done @!p0 $0x0  }
0x399: {  	[sflag:s0] =	ssyncadd.s32 @!p0 s1  }
0x39a: {  	[bflag:$0x3] =	sbarrier.arrive $0xFFFF  }
0x39b: {  	_ =	shalt  }

</sc_bundles>
